<compile_context>
chip_gen: v7x
topology: tpu7x:2x2x1
jax: 0.10.2.dev20260603
libtpu: 0.0.44.dev20260713+nightly
codegen_flags: <defaults>
</compile_context>

<pallas_src>
import functools

import jax
import jax.numpy as jnp
from jax import lax
from jax.experimental import pallas as pl
from jax.experimental.pallas import tpu as pltpu
from jax.experimental.pallas import tpu_sc as plsc

_B, _N, _D = 4, 4096, 768
_S = 1024
_R = 8
_W = _N // 2

_NC, _NS = 2, 16
_NW = _NC * _NS
_ROWS = _B * _S
_RPW = _ROWS // _NW


def _win(da, ia, db, ib):
    return (da > db) | ((da == db) & (ia < ib))


def _fps_body(xyz_ref, seed_ref, pts_ref, inds_ref, px_ref, py_ref, pz_ref):
    xs = xyz_ref[0]
    ys = xyz_ref[1]
    zs = xyz_ref[2]
    sub_i = lax.broadcasted_iota(jnp.int32, (_R, _W), 0)
    lane_i = lax.broadcasted_iota(jnp.int32, (_R, _W), 1)
    idx0 = jnp.where(sub_i >= 4, jnp.int32(_W), jnp.int32(0)) + lane_i
    lane_out = lax.broadcasted_iota(jnp.int32, (_R, _S), 1)
    boffs = (lax.broadcasted_iota(jnp.int32, (_R, _S), 0) & 3) * _N
    revf = (jnp.int32(_N - 1) - idx0).astype(jnp.float32)

    rm = [(sub_i & 3) == b for b in range(3)]

    nch = _W // 128
    rchunks = [revf[:, 128 * k:128 * (k + 1)] for k in range(nch)]

    def _merge(a, b):
        (da, ra), (db, rb) = a, b
        w = (da > db) | ((da == db) & (ra > rb))
        return jnp.where(w, da, db), jnp.where(w, ra, rb)

    def step(s, dists):
        cur = [(dists[:, 128 * k:128 * (k + 1)], rchunks[k])
               for k in range(nch)]
        while len(cur) > 1:
            h = len(cur) // 2
            cur = [_merge(cur[i], cur[i + h]) for i in range(h)]
        d1, r1 = cur[0]
        m = jnp.max(d1, axis=1, keepdims=True)
        rr = jnp.max(jnp.where(d1 == m, r1, jnp.float32(-1.0)),
                     axis=1, keepdims=True)
        fi8 = (jnp.float32(_N - 1) - rr).astype(jnp.int32)
        iscal = []
        for b in range(_B):
            wlo = m[b, 0] >= m[b + 4, 0]
            iscal.append(jnp.where(wlo, fi8[b, 0], fi8[b + 4, 0]))

        def _getc(c):
            sc = [pts_ref[c, b, iscal[b]] for b in range(_B)]
            return jnp.where(rm[0], sc[0],
                             jnp.where(rm[1], sc[1],
                                       jnp.where(rm[2], sc[2], sc[3])))

        fx = _getc(0)
        fy = _getc(1)
        fz = _getc(2)
        fiv = jnp.where(rm[0], iscal[0],
                        jnp.where(rm[1], iscal[1],
                                  jnp.where(rm[2], iscal[2], iscal[3])))
        dx = xs - fx
        dy = ys - fy
        dz = zs - fz
        nd = jnp.sqrt(dx * dx + dy * dy + dz * dz + jnp.float32(1e-12))
        wm = lane_out == s
        inds_ref[...] = jnp.where(wm, fiv[:, :_S] + boffs, inds_ref[...])
        px_ref[...] = jnp.where(wm, fx[:, :_S], px_ref[...])
        py_ref[...] = jnp.where(wm, fy[:, :_S], py_ref[...])
        pz_ref[...] = jnp.where(wm, fz[:, :_S], pz_ref[...])
        return jnp.minimum(dists, nd)

    lax.fori_loop(0, _S, step, seed_ref[...], unroll=8)


def _run_fps(xyz, seed, pts3):
    return pl.pallas_call(
        _fps_body,
        in_specs=[
            pl.BlockSpec(memory_space=pltpu.VMEM),
            pl.BlockSpec(memory_space=pltpu.VMEM),
            pl.BlockSpec(memory_space=pltpu.SMEM),
        ],
        out_shape=(
            jax.ShapeDtypeStruct((_R, _S), jnp.int32),
            jax.ShapeDtypeStruct((_R, _S), jnp.float32),
            jax.ShapeDtypeStruct((_R, _S), jnp.float32),
            jax.ShapeDtypeStruct((_R, _S), jnp.float32),
        ),
    )(xyz, seed, pts3)


def _sc_gather_body(feats_hbm, idx_hbm, out_f, idx_v, rows_v, semf):
    wid = lax.axis_index("s") * _NC + lax.axis_index("c")
    base = wid * _RPW
    pltpu.sync_copy(idx_hbm.at[pl.ds(base, _RPW)], idx_v)
    pltpu.async_copy(feats_hbm.at[idx_v], rows_v, semf).wait()
    pltpu.sync_copy(rows_v, out_f.at[pl.ds(base, _RPW)])


@functools.cache
def _sc_gather():
    return pl.kernel(
        _sc_gather_body,
        out_type=jax.ShapeDtypeStruct((_ROWS, _D), jnp.float32),
        mesh=plsc.VectorSubcoreMesh(
            core_axis_name="c", subcore_axis_name="s",
            num_cores=_NC, num_subcores=_NS),
        scratch_types=[
            pltpu.VMEM((_RPW,), jnp.int32),
            pltpu.VMEM((_RPW, _D), jnp.float32),
            pltpu.SemaphoreType.DMA,
        ],
    )


def _fold(a):
    return a.reshape(_B, 2, _W).transpose(1, 0, 2).reshape(_R, _W)


def kernel(point_map, depth, mask, feats):
    mb = mask >= 0.99
    valid_d = jnp.where(mb, depth, jnp.nan)
    median = jnp.nanmedian(valid_d, axis=1, keepdims=True)
    mad = jnp.nanmedian(jnp.abs(valid_d - median), axis=1, keepdims=True)
    new_mask = jnp.abs(depth - median) < 5.0 * mad
    ret = mb & new_mask
    valid_mask = jnp.any(jnp.any(ret, axis=-1, keepdims=True), axis=-2,
                         keepdims=True)
    mb = jnp.where(valid_mask, ret, mb)

    masks = mb.astype(jnp.float32)
    is_empty = ~jnp.any(mb, axis=-1)
    masks = masks.at[:, 0].add(is_empty.astype(jnp.float32))
    logits = jnp.log(lax.stop_gradient(masks))
    init_inds = jax.random.categorical(jax.random.key(42), logits, axis=-1)

    oneh0 = init_inds[:, None] == jnp.arange(_N, dtype=init_inds.dtype)[None, :]
    big = jnp.float32(jnp.finfo(jnp.float32).max)
    seed = jnp.where(oneh0, jnp.float32(jnp.inf),
                     jnp.where(mb, big, jnp.float32(-jnp.inf)))
    seed = _fold(seed)

    xyz = jnp.stack([_fold(point_map[:, :, 0]),
                     _fold(point_map[:, :, 1]),
                     _fold(point_map[:, :, 2])])

    pts3 = jnp.transpose(point_map, (2, 0, 1))
    inds, px, py, pz = _run_fps(xyz, seed, pts3)

    feats2d = feats.reshape(_B * _N, _D)
    out_f = _sc_gather()(feats2d, inds[:_B].reshape(_ROWS))

    object_points = jnp.stack([px[:_B], py[:_B], pz[:_B]], axis=-1)
    object_feats = out_f.reshape(_B, _S, _D)
    return object_points, object_feats

# --- scband reference (transcript-rebuilt; emitter-appended) ---
"""Pipeline reference for scband-category-prototype-60722247631620 (READ-ONLY COPY).

The authoritative reference and input builder live on the scoring server;
editing this copy changes nothing except your own understanding.
"""

import jax, jax.numpy as jnp
import numpy as np

B, N, D = 4, 4096, 768
N_SAMPLES = 1024


def setup_inputs(seed: int = 0) -> dict:
    key = jax.random.key(seed)
    k1, k2, k3 = jax.random.split(key, 3)
    point_map = jax.random.normal(k1, (B, N, 3), dtype=jnp.float32)
    depth = jax.random.uniform(k2, (B, N), dtype=jnp.float32)
    mask = jnp.ones((B, N), dtype=jnp.float32)
    feats = jax.random.normal(k3, (B, N, D), dtype=jnp.float32)
    return {"point_map": point_map, "depth": depth, "mask": mask, "feats": feats}


def _postprocess_mask_with_depth(mask_b, depth, n_mad=5.0):
    # per-batch median-absolute-deviation outlier rejection on depth
    valid_d = jnp.where(mask_b, depth, jnp.nan)
    median = jnp.nanmedian(valid_d, axis=1, keepdims=True)
    MAD = jnp.nanmedian(jnp.abs(valid_d - median), axis=1, keepdims=True)
    new_mask = jnp.abs(depth - median) < n_mad * MAD
    ret = mask_b & new_mask
    # torch code reduces over last dim then second-to-last (global validity check)
    valid_mask = jnp.any(jnp.any(ret, axis=-1, keepdims=True), axis=-2, keepdims=True)
    return jnp.where(valid_mask, ret, mask_b)


def _masked_farthest_point_sampling(pts, masks_bool, n_samples):
    Bq, Nq, _ = pts.shape
    masks = masks_bool.astype(jnp.float32)
    is_empty = ~jnp.any(masks_bool, axis=-1)
    masks = masks.at[:, 0].add(is_empty.astype(jnp.float32))
    # torch.multinomial(masks, 1) -> categorical over mask weights
    logits = jnp.log(jax.lax.stop_gradient(masks))
    init_inds = jax.random.categorical(jax.random.key(42), logits, axis=-1)  # (B,)
    barange = jnp.arange(Bq)
    init_pts = pts[barange, init_inds]  # (B, 3) gather
    d0 = jnp.sqrt(jnp.sum((pts - init_pts[:, None, :]) ** 2, axis=-1) + 1e-12)
    d0 = jnp.where(masks_bool, d0, -jnp.inf)

    def step(dists, _):
        fi = jnp.argmax(dists, axis=1)            # (B,)
        fp = pts[barange, fi]                      # gather (B, 3)
        nd = jnp.sqrt(jnp.sum((pts - fp[:, None, :]) ** 2, axis=-1) + 1e-12)
        return jnp.minimum(dists, nd), (fi, fp)

    _, (fis, fps) = jax.lax.scan(step, d0, None, length=n_samples - 1)
    f_inds = jnp.concatenate([init_inds[:, None], fis.T], axis=1)           # (B, S)
    f_pts = jnp.concatenate([init_pts[:, None, :], jnp.transpose(fps, (1, 0, 2))], axis=1)  # (B, S, 3)
    return f_pts, f_inds


def reference(point_map, depth, mask, feats):
    # CategoryPrototype.sample_object_points
    mb = mask >= 0.99
    mb = _postprocess_mask_with_depth(mb, depth, n_mad=5.0)
    object_points, sampled_inds = _masked_farthest_point_sampling(point_map, mb, N_SAMPLES)
    object_feats = jnp.take_along_axis(feats, sampled_inds[:, :, None], axis=1)  # (B, S, D) gather
    return object_points, object_feats

if __name__ == "__main__":
    import jax
    _d = setup_inputs()
    print(jax.jit(kernel)(*tuple(_d.values())))

</pallas_src>

<mosaic_0001>
#map = affine_map<(d0, d1) -> (0, 0)>
#map1 = affine_map<(d0, d1) -> (0)>
module attributes {stable_mosaic.version = 14 : i64} {
  func.func @_sc_gather_body(%arg0: i32, %arg1: i32, %arg2: memref<16384x768xf32, #tpu.memory_space<hbm>>, %arg3: memref<4096xi32, #tpu.memory_space<hbm>>, %arg4: memref<4096x768xf32, #tpu.memory_space<hbm>>, %arg5: memref<128xi32, #tpu.memory_space<vmem>>, %arg6: memref<128x768xf32, #tpu.memory_space<vmem>>, %arg7: memref<!tpu.dma_semaphore, #tpu.memory_space<semaphore_mem>>) attributes {dimension_semantics = [#tpu.dimension_semantics<core_parallel>, #tpu.dimension_semantics<subcore_parallel>], iteration_bounds = array<i64: 2, 16>, scalar_prefetch = 0 : i64, scratch_operands = 3 : i64, tpu.core_type = #tpu.core_type<sc_vector_subcore>, window_params = [{transform_indices = #map}, {transform_indices = #map1}, {transform_indices = #map}]} {
    %mul3A = arith.constant 2 : i32
    %mul3A_0 = arith.muli %arg1, %mul3A : i32
    %add3A = arith.addi %mul3A_0, %arg0 : i32
    %mul3A_1 = arith.constant 128 : i32
    %mul3A_2 = arith.muli %add3A, %mul3A_1 : i32
    "tpu.region"() ({
      %run_scoped3A = tpu.sem_alloc : memref<!tpu.dma_semaphore, #tpu.memory_space<semaphore_mem>>
      %dma_start3A_7 = tpu.memref_slice %arg3[%mul3A_2] : memref<4096xi32, #tpu.memory_space<hbm>> -> memref<128xi32, #tpu.memory_space<hbm>>
      %dma_start3A_8 = tpu.memref_slice %arg3[%mul3A_2] : memref<4096xi32, #tpu.memory_space<hbm>> -> memref<128xi32, #tpu.memory_space<hbm>>
      tpu.enqueue_dma source(%dma_start3A_8 : memref<128xi32, #tpu.memory_space<hbm>>) target(%arg5 : memref<128xi32, #tpu.memory_space<vmem>>) target_semaphore(%run_scoped3A : memref<!tpu.dma_semaphore, #tpu.memory_space<semaphore_mem>>)
      %dma_wait3A_9 = tpu.memref_slice %arg3[%mul3A_2] : memref<4096xi32, #tpu.memory_space<hbm>> -> memref<128xi32, #tpu.memory_space<hbm>>
      %dma_wait3A_10 = tpu.memref_slice %arg3[%mul3A_2] : memref<4096xi32, #tpu.memory_space<hbm>> -> memref<128xi32, #tpu.memory_space<hbm>>
      tpu.wait_dma2 semaphore(%run_scoped3A : memref<!tpu.dma_semaphore, #tpu.memory_space<semaphore_mem>>) src(%dma_wait3A_10 : memref<128xi32, #tpu.memory_space<hbm>>) dst(%arg5 : memref<128xi32, #tpu.memory_space<vmem>>)
      tpu.yield
    }) : () -> ()
    %dma_start3A = arith.constant 0 : i32
    %dma_start3A_3 = arith.constant 0 : i32
    %dma_start3A_4 = tpu.memref_slice %arg2[%dma_start3A, %dma_start3A_3] : memref<16384x768xf32, #tpu.memory_space<hbm>> -> memref<16384x768xf32, #tpu.memory_space<hbm>>
    tpu.enqueue_indirect_dma source(%dma_start3A_4 : memref<16384x768xf32, #tpu.memory_space<hbm>>) target(%arg6 : memref<128x768xf32, #tpu.memory_space<vmem>>) offsets(%arg5 : memref<128xi32, #tpu.memory_space<vmem>>) semaphore(%arg7 : memref<!tpu.dma_semaphore, #tpu.memory_space<semaphore_mem>>)
    %dma_wait3A = arith.constant 0 : i32
    %dma_wait3A_5 = arith.constant 0 : i32
    %dma_wait3A_6 = tpu.memref_slice %arg2[%dma_wait3A, %dma_wait3A_5] : memref<16384x768xf32, #tpu.memory_space<hbm>> -> memref<16384x768xf32, #tpu.memory_space<hbm>>
    tpu.wait_indirect_dma semaphore(%arg7 : memref<!tpu.dma_semaphore, #tpu.memory_space<semaphore_mem>>) src(%dma_wait3A_6 : memref<16384x768xf32, #tpu.memory_space<hbm>>) dst(%arg6 : memref<128x768xf32, #tpu.memory_space<vmem>>)
    "tpu.region"() ({
      %run_scoped3A = tpu.sem_alloc : memref<!tpu.dma_semaphore, #tpu.memory_space<semaphore_mem>>
      %dma_start3A_7 = arith.constant 0 : i32
      %dma_start3A_8 = tpu.memref_slice %arg4[%mul3A_2, %dma_start3A_7] : memref<4096x768xf32, #tpu.memory_space<hbm>> -> memref<128x768xf32, #tpu.memory_space<hbm>>
      %dma_start3A_9 = arith.constant 0 : i32
      %dma_start3A_10 = tpu.memref_slice %arg4[%mul3A_2, %dma_start3A_9] : memref<4096x768xf32, #tpu.memory_space<hbm>> -> memref<128x768xf32, #tpu.memory_space<hbm>>
      tpu.enqueue_dma source(%arg6 : memref<128x768xf32, #tpu.memory_space<vmem>>) target(%dma_start3A_10 : memref<128x768xf32, #tpu.memory_space<hbm>>) target_semaphore(%run_scoped3A : memref<!tpu.dma_semaphore, #tpu.memory_space<semaphore_mem>>)
      %dma_wait3A_11 = arith.constant 0 : i32
      %dma_wait3A_12 = tpu.memref_slice %arg4[%mul3A_2, %dma_wait3A_11] : memref<4096x768xf32, #tpu.memory_space<hbm>> -> memref<128x768xf32, #tpu.memory_space<hbm>>
      %dma_wait3A_13 = arith.constant 0 : i32
      %dma_wait3A_14 = tpu.memref_slice %arg4[%mul3A_2, %dma_wait3A_13] : memref<4096x768xf32, #tpu.memory_space<hbm>> -> memref<128x768xf32, #tpu.memory_space<hbm>>
      tpu.wait_dma2 semaphore(%run_scoped3A : memref<!tpu.dma_semaphore, #tpu.memory_space<semaphore_mem>>) src(%arg6 : memref<128x768xf32, #tpu.memory_space<vmem>>) dst(%dma_wait3A_14 : memref<128x768xf32, #tpu.memory_space<hbm>>)
      tpu.yield
    }) : () -> ()
    return
  }
}

module attributes {stable_mosaic.version = 14 : i64} {
  func.func @_fps_body(%arg0: memref<3x8x2048xf32, #tpu.memory_space<vmem>>, %arg1: memref<8x2048xf32, #tpu.memory_space<vmem>>, %arg2: memref<3x4x4096xf32, #tpu.memory_space<smem>>, %arg3: memref<8x1024xi32, #tpu.memory_space<vmem>>, %arg4: memref<8x1024xf32, #tpu.memory_space<vmem>>, %arg5: memref<8x1024xf32, #tpu.memory_space<vmem>>, %arg6: memref<8x1024xf32, #tpu.memory_space<vmem>>) attributes {dimension_semantics = [], scalar_prefetch = 0 : i64, scratch_operands = 0 : i64, tpu.core_type = #tpu.core_type<tc>} {
    %get3A = arith.constant 0 : index
    %get3A_0 = arith.constant 0 : index
    %get3A_1 = arith.constant 0 : index
    %get3A_2 = vector.load %arg0[%get3A, %get3A_0, %get3A_1] : memref<3x8x2048xf32, #tpu.memory_space<vmem>>, vector<1x8x2048xf32>
    %get3A_3 = vector.shape_cast %get3A_2 : vector<1x8x2048xf32> to vector<8x2048xf32>
    %get3A_4 = arith.constant 1 : index
    %get3A_5 = arith.constant 0 : index
    %get3A_6 = arith.constant 0 : index
    %get3A_7 = vector.load %arg0[%get3A_4, %get3A_5, %get3A_6] : memref<3x8x2048xf32, #tpu.memory_space<vmem>>, vector<1x8x2048xf32>
    %get3A_8 = vector.shape_cast %get3A_7 : vector<1x8x2048xf32> to vector<8x2048xf32>
    %get3A_9 = arith.constant 2 : index
    %get3A_10 = arith.constant 0 : index
    %get3A_11 = arith.constant 0 : index
    %get3A_12 = vector.load %arg0[%get3A_9, %get3A_10, %get3A_11] : memref<3x8x2048xf32, #tpu.memory_space<vmem>>, vector<1x8x2048xf32>
    %get3A_13 = vector.shape_cast %get3A_12 : vector<1x8x2048xf32> to vector<8x2048xf32>
    %iota3A = tpu.iota {dimensions = array<i32: 0>} : vector<8x2048xi32>
    %iota3A_14 = tpu.iota {dimensions = array<i32: 1>} : vector<8x2048xi32>
    %ge3A = arith.constant 4 : i32
    %ge3A_15 = vector.broadcast %ge3A : i32 to vector<8x2048xi32>
    %ge3A_16 = arith.cmpi sge, %iota3A, %ge3A_15 : vector<8x2048xi32>
    %jit3A = arith.constant 2048 : i32
    %jit3A_17 = arith.constant 0 : i32
    %broadcast_in_dim3A = vector.broadcast %jit3A : i32 to vector<8x2048xi32>
    %broadcast_in_dim3A_18 = vector.broadcast %jit3A_17 : i32 to vector<8x2048xi32>
    %select_n3A = arith.select %ge3A_16, %broadcast_in_dim3A, %broadcast_in_dim3A_18 : vector<8x2048xi1>, vector<8x2048xi32>
    %add3A = arith.addi %select_n3A, %iota3A_14 : vector<8x2048xi32>
    %iota3A_19 = tpu.iota {dimensions = array<i32: 1>} : vector<8x1024xi32>
    %iota3A_20 = tpu.iota {dimensions = array<i32: 0>} : vector<8x1024xi32>
    %and3A = arith.constant 3 : i32
    %and3A_21 = vector.broadcast %and3A : i32 to vector<8x1024xi32>
    %and3A_22 = arith.andi %iota3A_20, %and3A_21 : vector<8x1024xi32>
    %mul3A = arith.constant 4096 : i32
    %mul3A_23 = vector.broadcast %mul3A : i32 to vector<8x1024xi32>
    %mul3A_24 = arith.muli %and3A_22, %mul3A_23 : vector<8x1024xi32>
    %sub3A = arith.constant 4095 : i32
    %sub3A_25 = vector.broadcast %sub3A : i32 to vector<8x2048xi32>
    %sub3A_26 = arith.subi %sub3A_25, %add3A : vector<8x2048xi32>
    %convert_element_type3A = arith.sitofp %sub3A_26 : vector<8x2048xi32> to vector<8x2048xf32>
    %and3A_27 = arith.constant 3 : i32
    %and3A_28 = vector.broadcast %and3A_27 : i32 to vector<8x2048xi32>
    %and3A_29 = arith.andi %iota3A, %and3A_28 : vector<8x2048xi32>
    %eq3A = arith.constant 0 : i32
    %eq3A_30 = vector.broadcast %eq3A : i32 to vector<8x2048xi32>
    %eq3A_31 = arith.cmpi eq, %and3A_29, %eq3A_30 : vector<8x2048xi32>
    %and3A_32 = arith.constant 3 : i32
    %and3A_33 = vector.broadcast %and3A_32 : i32 to vector<8x2048xi32>
    %and3A_34 = arith.andi %iota3A, %and3A_33 : vector<8x2048xi32>
    %eq3A_35 = arith.constant 1 : i32
    %eq3A_36 = vector.broadcast %eq3A_35 : i32 to vector<8x2048xi32>
    %eq3A_37 = arith.cmpi eq, %and3A_34, %eq3A_36 : vector<8x2048xi32>
    %and3A_38 = arith.constant 3 : i32
    %and3A_39 = vector.broadcast %and3A_38 : i32 to vector<8x2048xi32>
    %and3A_40 = arith.andi %iota3A, %and3A_39 : vector<8x2048xi32>
    %eq3A_41 = arith.constant 2 : i32
    %eq3A_42 = vector.broadcast %eq3A_41 : i32 to vector<8x2048xi32>
    %eq3A_43 = arith.cmpi eq, %and3A_40, %eq3A_42 : vector<8x2048xi32>
    %slice3A = vector.extract_strided_slice %convert_element_type3A {offsets = [0, 0], sizes = [8, 128], strides = [1, 1]} : vector<8x2048xf32> to vector<8x128xf32>
    %slice3A_44 = vector.extract_strided_slice %convert_element_type3A {offsets = [0, 128], sizes = [8, 128], strides = [1, 1]} : vector<8x2048xf32> to vector<8x128xf32>
    %slice3A_45 = vector.extract_strided_slice %convert_element_type3A {offsets = [0, 256], sizes = [8, 128], strides = [1, 1]} : vector<8x2048xf32> to vector<8x128xf32>
    %slice3A_46 = vector.extract_strided_slice %convert_element_type3A {offsets = [0, 384], sizes = [8, 128], strides = [1, 1]} : vector<8x2048xf32> to vector<8x128xf32>
    %slice3A_47 = vector.extract_strided_slice %convert_element_type3A {offsets = [0, 512], sizes = [8, 128], strides = [1, 1]} : vector<8x2048xf32> to vector<8x128xf32>
    %slice3A_48 = vector.extract_strided_slice %convert_element_type3A {offsets = [0, 640], sizes = [8, 128], strides = [1, 1]} : vector<8x2048xf32> to vector<8x128xf32>
    %slice3A_49 = vector.extract_strided_slice %convert_element_type3A {offsets = [0, 768], sizes = [8, 128], strides = [1, 1]} : vector<8x2048xf32> to vector<8x128xf32>
    %slice3A_50 = vector.extract_strided_slice %convert_element_type3A {offsets = [0, 896], sizes = [8, 128], strides = [1, 1]} : vector<8x2048xf32> to vector<8x128xf32>
    %slice3A_51 = vector.extract_strided_slice %convert_element_type3A {offsets = [0, 1024], sizes = [8, 128], strides = [1, 1]} : vector<8x2048xf32> to vector<8x128xf32>
    %slice3A_52 = vector.extract_strided_slice %convert_element_type3A {offsets = [0, 1152], sizes = [8, 128], strides = [1, 1]} : vector<8x2048xf32> to vector<8x128xf32>
    %slice3A_53 = vector.extract_strided_slice %convert_element_type3A {offsets = [0, 1280], sizes = [8, 128], strides = [1, 1]} : vector<8x2048xf32> to vector<8x128xf32>
    %slice3A_54 = vector.extract_strided_slice %convert_element_type3A {offsets = [0, 1408], sizes = [8, 128], strides = [1, 1]} : vector<8x2048xf32> to vector<8x128xf32>
    %slice3A_55 = vector.extract_strided_slice %convert_element_type3A {offsets = [0, 1536], sizes = [8, 128], strides = [1, 1]} : vector<8x2048xf32> to vector<8x128xf32>
    %slice3A_56 = vector.extract_strided_slice %convert_element_type3A {offsets = [0, 1664], sizes = [8, 128], strides = [1, 1]} : vector<8x2048xf32> to vector<8x128xf32>
    %slice3A_57 = vector.extract_strided_slice %convert_element_type3A {offsets = [0, 1792], sizes = [8, 128], strides = [1, 1]} : vector<8x2048xf32> to vector<8x128xf32>
    %slice3A_58 = vector.extract_strided_slice %convert_element_type3A {offsets = [0, 1920], sizes = [8, 128], strides = [1, 1]} : vector<8x2048xf32> to vector<8x128xf32>
    %get3A_59 = arith.constant 0 : index
    %get3A_60 = arith.constant 0 : index
    %get3A_61 = vector.load %arg1[%get3A_59, %get3A_60] : memref<8x2048xf32, #tpu.memory_space<vmem>>, vector<8x2048xf32>
    %scan3A = arith.constant 0 : i32
    %scan3A_62 = arith.constant 1024 : i32
    %scan3A_63 = arith.addi %scan3A, %scan3A_62 : i32
    %scan3A_64 = arith.constant 8 : i32
    %scan3A_65 = scf.for %scan3A_67 = %scan3A to %scan3A_63 step %scan3A_64 iter_args(%scan3A_68 = %get3A_61) -> (vector<8x2048xf32>)  : i32 {
      %slice3A_69 = vector.extract_strided_slice %scan3A_68 {offsets = [0, 0], sizes = [8, 128], strides = [1, 1]} : vector<8x2048xf32> to vector<8x128xf32>
      %slice3A_70 = vector.extract_strided_slice %scan3A_68 {offsets = [0, 128], sizes = [8, 128], strides = [1, 1]} : vector<8x2048xf32> to vector<8x128xf32>
      %slice3A_71 = vector.extract_strided_slice %scan3A_68 {offsets = [0, 256], sizes = [8, 128], strides = [1, 1]} : vector<8x2048xf32> to vector<8x128xf32>
      %slice3A_72 = vector.extract_strided_slice %scan3A_68 {offsets = [0, 384], sizes = [8, 128], strides = [1, 1]} : vector<8x2048xf32> to vector<8x128xf32>
      %slice3A_73 = vector.extract_strided_slice %scan3A_68 {offsets = [0, 512], sizes = [8, 128], strides = [1, 1]} : vector<8x2048xf32> to vector<8x128xf32>
      %slice3A_74 = vector.extract_strided_slice %scan3A_68 {offsets = [0, 640], sizes = [8, 128], strides = [1, 1]} : vector<8x2048xf32> to vector<8x128xf32>
      %slice3A_75 = vector.extract_strided_slice %scan3A_68 {offsets = [0, 768], sizes = [8, 128], strides = [1, 1]} : vector<8x2048xf32> to vector<8x128xf32>
      %slice3A_76 = vector.extract_strided_slice %scan3A_68 {offsets = [0, 896], sizes = [8, 128], strides = [1, 1]} : vector<8x2048xf32> to vector<8x128xf32>
      %slice3A_77 = vector.extract_strided_slice %scan3A_68 {offsets = [0, 1024], sizes = [8, 128], strides = [1, 1]} : vector<8x2048xf32> to vector<8x128xf32>
      %slice3A_78 = vector.extract_strided_slice %scan3A_68 {offsets = [0, 1152], sizes = [8, 128], strides = [1, 1]} : vector<8x2048xf32> to vector<8x128xf32>
      %slice3A_79 = vector.extract_strided_slice %scan3A_68 {offsets = [0, 1280], sizes = [8, 128], strides = [1, 1]} : vector<8x2048xf32> to vector<8x128xf32>
      %slice3A_80 = vector.extract_strided_slice %scan3A_68 {offsets = [0, 1408], sizes = [8, 128], strides = [1, 1]} : vector<8x2048xf32> to vector<8x128xf32>
      %slice3A_81 = vector.extract_strided_slice %scan3A_68 {offsets = [0, 1536], sizes = [8, 128], strides = [1, 1]} : vector<8x2048xf32> to vector<8x128xf32>
      %slice3A_82 = vector.extract_strided_slice %scan3A_68 {offsets = [0, 1664], sizes = [8, 128], strides = [1, 1]} : vector<8x2048xf32> to vector<8x128xf32>
      %slice3A_83 = vector.extract_strided_slice %scan3A_68 {offsets = [0, 1792], sizes = [8, 128], strides = [1, 1]} : vector<8x2048xf32> to vector<8x128xf32>
      %slice3A_84 = vector.extract_strided_slice %scan3A_68 {offsets = [0, 1920], sizes = [8, 128], strides = [1, 1]} : vector<8x2048xf32> to vector<8x128xf32>
      %gt3A = arith.cmpf ogt, %slice3A_69, %slice3A_77 : vector<8x128xf32>
      %eq3A_85 = arith.cmpf oeq, %slice3A_69, %slice3A_77 : vector<8x128xf32>
      %gt3A_86 = arith.cmpf ogt, %slice3A, %slice3A_51 : vector<8x128xf32>
      %and3A_87 = arith.andi %eq3A_85, %gt3A_86 : vector<8x128xi1>
      %or3A = arith.ori %gt3A, %and3A_87 : vector<8x128xi1>
      %select_n3A_88 = arith.select %or3A, %slice3A_69, %slice3A_77 : vector<8x128xi1>, vector<8x128xf32>
      %select_n3A_89 = arith.select %or3A, %slice3A, %slice3A_51 : vector<8x128xi1>, vector<8x128xf32>
      %gt3A_90 = arith.cmpf ogt, %slice3A_70, %slice3A_78 : vector<8x128xf32>
      %eq3A_91 = arith.cmpf oeq, %slice3A_70, %slice3A_78 : vector<8x128xf32>
      %gt3A_92 = arith.cmpf ogt, %slice3A_44, %slice3A_52 : vector<8x128xf32>
      %and3A_93 = arith.andi %eq3A_91, %gt3A_92 : vector<8x128xi1>
      %or3A_94 = arith.ori %gt3A_90, %and3A_93 : vector<8x128xi1>
      %select_n3A_95 = arith.select %or3A_94, %slice3A_70, %slice3A_78 : vector<8x128xi1>, vector<8x128xf32>
      %select_n3A_96 = arith.select %or3A_94, %slice3A_44, %slice3A_52 : vector<8x128xi1>, vector<8x128xf32>
      %gt3A_97 = arith.cmpf ogt, %slice3A_71, %slice3A_79 : vector<8x128xf32>
      %eq3A_98 = arith.cmpf oeq, %slice3A_71, %slice3A_79 : vector<8x128xf32>
      %gt3A_99 = arith.cmpf ogt, %slice3A_45, %slice3A_53 : vector<8x128xf32>
      %and3A_100 = arith.andi %eq3A_98, %gt3A_99 : vector<8x128xi1>
      %or3A_101 = arith.ori %gt3A_97, %and3A_100 : vector<8x128xi1>
      %select_n3A_102 = arith.select %or3A_101, %slice3A_71, %slice3A_79 : vector<8x128xi1>, vector<8x128xf32>
      %select_n3A_103 = arith.select %or3A_101, %slice3A_45, %slice3A_53 : vector<8x128xi1>, vector<8x128xf32>
      %gt3A_104 = arith.cmpf ogt, %slice3A_72, %slice3A_80 : vector<8x128xf32>
      %eq3A_105 = arith.cmpf oeq, %slice3A_72, %slice3A_80 : vector<8x128xf32>
      %gt3A_106 = arith.cmpf ogt, %slice3A_46, %slice3A_54 : vector<8x128xf32>
      %and3A_107 = arith.andi %eq3A_105, %gt3A_106 : vector<8x128xi1>
      %or3A_108 = arith.ori %gt3A_104, %and3A_107 : vector<8x128xi1>
      %select_n3A_109 = arith.select %or3A_108, %slice3A_72, %slice3A_80 : vector<8x128xi1>, vector<8x128xf32>
      %select_n3A_110 = arith.select %or3A_108, %slice3A_46, %slice3A_54 : vector<8x128xi1>, vector<8x128xf32>
      %gt3A_111 = arith.cmpf ogt, %slice3A_73, %slice3A_81 : vector<8x128xf32>
      %eq3A_112 = arith.cmpf oeq, %slice3A_73, %slice3A_81 : vector<8x128xf32>
      %gt3A_113 = arith.cmpf ogt, %slice3A_47, %slice3A_55 : vector<8x128xf32>
      %and3A_114 = arith.andi %eq3A_112, %gt3A_113 : vector<8x128xi1>
      %or3A_115 = arith.ori %gt3A_111, %and3A_114 : vector<8x128xi1>
      %select_n3A_116 = arith.select %or3A_115, %slice3A_73, %slice3A_81 : vector<8x128xi1>, vector<8x128xf32>
      %select_n3A_117 = arith.select %or3A_115, %slice3A_47, %slice3A_55 : vector<8x128xi1>, vector<8x128xf32>
      %gt3A_118 = arith.cmpf ogt, %slice3A_74, %slice3A_82 : vector<8x128xf32>
      %eq3A_119 = arith.cmpf oeq, %slice3A_74, %slice3A_82 : vector<8x128xf32>
      %gt3A_120 = arith.cmpf ogt, %slice3A_48, %slice3A_56 : vector<8x128xf32>
      %and3A_121 = arith.andi %eq3A_119, %gt3A_120 : vector<8x128xi1>
      %or3A_122 = arith.ori %gt3A_118, %and3A_121 : vector<8x128xi1>
      %select_n3A_123 = arith.select %or3A_122, %slice3A_74, %slice3A_82 : vector<8x128xi1>, vector<8x128xf32>
      %select_n3A_124 = arith.select %or3A_122, %slice3A_48, %slice3A_56 : vector<8x128xi1>, vector<8x128xf32>
      %gt3A_125 = arith.cmpf ogt, %slice3A_75, %slice3A_83 : vector<8x128xf32>
      %eq3A_126 = arith.cmpf oeq, %slice3A_75, %slice3A_83 : vector<8x128xf32>
      %gt3A_127 = arith.cmpf ogt, %slice3A_49, %slice3A_57 : vector<8x128xf32>
      %and3A_128 = arith.andi %eq3A_126, %gt3A_127 : vector<8x128xi1>
      %or3A_129 = arith.ori %gt3A_125, %and3A_128 : vector<8x128xi1>
      %select_n3A_130 = arith.select %or3A_129, %slice3A_75, %slice3A_83 : vector<8x128xi1>, vector<8x128xf32>
      %select_n3A_131 = arith.select %or3A_129, %slice3A_49, %slice3A_57 : vector<8x128xi1>, vector<8x128xf32>
      %gt3A_132 = arith.cmpf ogt, %slice3A_76, %slice3A_84 : vector<8x128xf32>
      %eq3A_133 = arith.cmpf oeq, %slice3A_76, %slice3A_84 : vector<8x128xf32>
      %gt3A_134 = arith.cmpf ogt, %slice3A_50, %slice3A_58 : vector<8x128xf32>
      %and3A_135 = arith.andi %eq3A_133, %gt3A_134 : vector<8x128xi1>
      %or3A_136 = arith.ori %gt3A_132, %and3A_135 : vector<8x128xi1>
      %select_n3A_137 = arith.select %or3A_136, %slice3A_76, %slice3A_84 : vector<8x128xi1>, vector<8x128xf32>
      %select_n3A_138 = arith.select %or3A_136, %slice3A_50, %slice3A_58 : vector<8x128xi1>, vector<8x128xf32>
      %gt3A_139 = arith.cmpf ogt, %select_n3A_88, %select_n3A_116 : vector<8x128xf32>
      %eq3A_140 = arith.cmpf oeq, %select_n3A_88, %select_n3A_116 : vector<8x128xf32>
      %gt3A_141 = arith.cmpf ogt, %select_n3A_89, %select_n3A_117 : vector<8x128xf32>
      %and3A_142 = arith.andi %eq3A_140, %gt3A_141 : vector<8x128xi1>
      %or3A_143 = arith.ori %gt3A_139, %and3A_142 : vector<8x128xi1>
      %select_n3A_144 = arith.select %or3A_143, %select_n3A_88, %select_n3A_116 : vector<8x128xi1>, vector<8x128xf32>
      %select_n3A_145 = arith.select %or3A_143, %select_n3A_89, %select_n3A_117 : vector<8x128xi1>, vector<8x128xf32>
      %gt3A_146 = arith.cmpf ogt, %select_n3A_95, %select_n3A_123 : vector<8x128xf32>
      %eq3A_147 = arith.cmpf oeq, %select_n3A_95, %select_n3A_123 : vector<8x128xf32>
      %gt3A_148 = arith.cmpf ogt, %select_n3A_96, %select_n3A_124 : vector<8x128xf32>
      %and3A_149 = arith.andi %eq3A_147, %gt3A_148 : vector<8x128xi1>
      %or3A_150 = arith.ori %gt3A_146, %and3A_149 : vector<8x128xi1>
      %select_n3A_151 = arith.select %or3A_150, %select_n3A_95, %select_n3A_123 : vector<8x128xi1>, vector<8x128xf32>
      %select_n3A_152 = arith.select %or3A_150, %select_n3A_96, %select_n3A_124 : vector<8x128xi1>, vector<8x128xf32>
      %gt3A_153 = arith.cmpf ogt, %select_n3A_102, %select_n3A_130 : vector<8x128xf32>
      %eq3A_154 = arith.cmpf oeq, %select_n3A_102, %select_n3A_130 : vector<8x128xf32>
      %gt3A_155 = arith.cmpf ogt, %select_n3A_103, %select_n3A_131 : vector<8x128xf32>
      %and3A_156 = arith.andi %eq3A_154, %gt3A_155 : vector<8x128xi1>
      %or3A_157 = arith.ori %gt3A_153, %and3A_156 : vector<8x128xi1>
      %select_n3A_158 = arith.select %or3A_157, %select_n3A_102, %select_n3A_130 : vector<8x128xi1>, vector<8x128xf32>
      %select_n3A_159 = arith.select %or3A_157, %select_n3A_103, %select_n3A_131 : vector<8x128xi1>, vector<8x128xf32>
      %gt3A_160 = arith.cmpf ogt, %select_n3A_109, %select_n3A_137 : vector<8x128xf32>
      %eq3A_161 = arith.cmpf oeq, %select_n3A_109, %select_n3A_137 : vector<8x128xf32>
      %gt3A_162 = arith.cmpf ogt, %select_n3A_110, %select_n3A_138 : vector<8x128xf32>
      %and3A_163 = arith.andi %eq3A_161, %gt3A_162 : vector<8x128xi1>
      %or3A_164 = arith.ori %gt3A_160, %and3A_163 : vector<8x128xi1>
      %select_n3A_165 = arith.select %or3A_164, %select_n3A_109, %select_n3A_137 : vector<8x128xi1>, vector<8x128xf32>
      %select_n3A_166 = arith.select %or3A_164, %select_n3A_110, %select_n3A_138 : vector<8x128xi1>, vector<8x128xf32>
      %gt3A_167 = arith.cmpf ogt, %select_n3A_144, %select_n3A_158 : vector<8x128xf32>
      %eq3A_168 = arith.cmpf oeq, %select_n3A_144, %select_n3A_158 : vector<8x128xf32>
      %gt3A_169 = arith.cmpf ogt, %select_n3A_145, %select_n3A_159 : vector<8x128xf32>
      %and3A_170 = arith.andi %eq3A_168, %gt3A_169 : vector<8x128xi1>
      %or3A_171 = arith.ori %gt3A_167, %and3A_170 : vector<8x128xi1>
      %select_n3A_172 = arith.select %or3A_171, %select_n3A_144, %select_n3A_158 : vector<8x128xi1>, vector<8x128xf32>
      %select_n3A_173 = arith.select %or3A_171, %select_n3A_145, %select_n3A_159 : vector<8x128xi1>, vector<8x128xf32>
      %gt3A_174 = arith.cmpf ogt, %select_n3A_151, %select_n3A_165 : vector<8x128xf32>
      %eq3A_175 = arith.cmpf oeq, %select_n3A_151, %select_n3A_165 : vector<8x128xf32>
      %gt3A_176 = arith.cmpf ogt, %select_n3A_152, %select_n3A_166 : vector<8x128xf32>
      %and3A_177 = arith.andi %eq3A_175, %gt3A_176 : vector<8x128xi1>
      %or3A_178 = arith.ori %gt3A_174, %and3A_177 : vector<8x128xi1>
      %select_n3A_179 = arith.select %or3A_178, %select_n3A_151, %select_n3A_165 : vector<8x128xi1>, vector<8x128xf32>
      %select_n3A_180 = arith.select %or3A_178, %select_n3A_152, %select_n3A_166 : vector<8x128xi1>, vector<8x128xf32>
      %gt3A_181 = arith.cmpf ogt, %select_n3A_172, %select_n3A_179 : vector<8x128xf32>
      %eq3A_182 = arith.cmpf oeq, %select_n3A_172, %select_n3A_179 : vector<8x128xf32>
      %gt3A_183 = arith.cmpf ogt, %select_n3A_173, %select_n3A_180 : vector<8x128xf32>
      %and3A_184 = arith.andi %eq3A_182, %gt3A_183 : vector<8x128xi1>
      %or3A_185 = arith.ori %gt3A_181, %and3A_184 : vector<8x128xi1>
      %select_n3A_186 = arith.select %or3A_185, %select_n3A_172, %select_n3A_179 : vector<8x128xi1>, vector<8x128xf32>
      %select_n3A_187 = arith.select %or3A_185, %select_n3A_173, %select_n3A_180 : vector<8x128xi1>, vector<8x128xf32>
      %reduce_max3A = arith.constant dense<0xFF800000> : vector<8xf32>
      %reduce_max3A_188 = vector.multi_reduction <maximumf>, %select_n3A_186, %reduce_max3A [1] : vector<8x128xf32> to vector<8xf32>
      %broadcast_in_dim3A_189 = vector.shape_cast %reduce_max3A_188 : vector<8xf32> to vector<8x1xf32>
      %eq3A_190 = vector.broadcast %broadcast_in_dim3A_189 : vector<8x1xf32> to vector<8x128xf32>
      %eq3A_191 = arith.cmpf oeq, %select_n3A_186, %eq3A_190 : vector<8x128xf32>
      %jit3A_192 = arith.constant -1.000000e+00 : f32
      %broadcast_in_dim3A_193 = vector.broadcast %jit3A_192 : f32 to vector<8x128xf32>
      %select_n3A_194 = arith.select %eq3A_191, %select_n3A_187, %broadcast_in_dim3A_193 : vector<8x128xi1>, vector<8x128xf32>
      %reduce_max3A_195 = arith.constant dense<0xFF800000> : vector<8xf32>
      %reduce_max3A_196 = vector.multi_reduction <maximumf>, %select_n3A_194, %reduce_max3A_195 [1] : vector<8x128xf32> to vector<8xf32>
      %broadcast_in_dim3A_197 = vector.shape_cast %reduce_max3A_196 : vector<8xf32> to vector<8x1xf32>
      %sub3A_198 = arith.constant 4.095000e+03 : f32
      %sub3A_199 = vector.broadcast %sub3A_198 : f32 to vector<8x1xf32>
      %sub3A_200 = arith.subf %sub3A_199, %broadcast_in_dim3A_197 : vector<8x1xf32>
      %convert_element_type3A_201 = arith.fptosi %sub3A_200 : vector<8x1xf32> to vector<8x1xi32>
      %slice3A_202 = vector.extract_strided_slice %broadcast_in_dim3A_189 {offsets = [0, 0], sizes = [1, 1], strides = [1, 1]} : vector<8x1xf32> to vector<1x1xf32>
      %squeeze3A = vector.extract %slice3A_202[0, 0] : f32 from vector<1x1xf32>
      %slice3A_203 = vector.extract_strided_slice %broadcast_in_dim3A_189 {offsets = [4, 0], sizes = [1, 1], strides = [1, 1]} : vector<8x1xf32> to vector<1x1xf32>
      %squeeze3A_204 = vector.extract %slice3A_203[0, 0] : f32 from vector<1x1xf32>
      %ge3A_205 = arith.cmpf oge, %squeeze3A, %squeeze3A_204 : f32
      %slice3A_206 = vector.extract_strided_slice %convert_element_type3A_201 {offsets = [0, 0], sizes = [1, 1], strides = [1, 1]} : vector<8x1xi32> to vector<1x1xi32>
      %squeeze3A_207 = vector.extract %slice3A_206[0, 0] : i32 from vector<1x1xi32>
      %slice3A_208 = vector.extract_strided_slice %convert_element_type3A_201 {offsets = [4, 0], sizes = [1, 1], strides = [1, 1]} : vector<8x1xi32> to vector<1x1xi32>
      %squeeze3A_209 = vector.extract %slice3A_208[0, 0] : i32 from vector<1x1xi32>
      %select_n3A_210 = arith.select %ge3A_205, %squeeze3A_207, %squeeze3A_209 : i32
      %slice3A_211 = vector.extract_strided_slice %broadcast_in_dim3A_189 {offsets = [1, 0], sizes = [1, 1], strides = [1, 1]} : vector<8x1xf32> to vector<1x1xf32>
      %squeeze3A_212 = vector.extract %slice3A_211[0, 0] : f32 from vector<1x1xf32>
      %slice3A_213 = vector.extract_strided_slice %broadcast_in_dim3A_189 {offsets = [5, 0], sizes = [1, 1], strides = [1, 1]} : vector<8x1xf32> to vector<1x1xf32>
      %squeeze3A_214 = vector.extract %slice3A_213[0, 0] : f32 from vector<1x1xf32>
      %ge3A_215 = arith.cmpf oge, %squeeze3A_212, %squeeze3A_214 : f32
      %slice3A_216 = vector.extract_strided_slice %convert_element_type3A_201 {offsets = [1, 0], sizes = [1, 1], strides = [1, 1]} : vector<8x1xi32> to vector<1x1xi32>
      %squeeze3A_217 = vector.extract %slice3A_216[0, 0] : i32 from vector<1x1xi32>
      %slice3A_218 = vector.extract_strided_slice %convert_element_type3A_201 {offsets = [5, 0], sizes = [1, 1], strides = [1, 1]} : vector<8x1xi32> to vector<1x1xi32>
      %squeeze3A_219 = vector.extract %slice3A_218[0, 0] : i32 from vector<1x1xi32>
      %select_n3A_220 = arith.select %ge3A_215, %squeeze3A_217, %squeeze3A_219 : i32
      %slice3A_221 = vector.extract_strided_slice %broadcast_in_dim3A_189 {offsets = [2, 0], sizes = [1, 1], strides = [1, 1]} : vector<8x1xf32> to vector<1x1xf32>
      %squeeze3A_222 = vector.extract %slice3A_221[0, 0] : f32 from vector<1x1xf32>
      %slice3A_223 = vector.extract_strided_slice %broadcast_in_dim3A_189 {offsets = [6, 0], sizes = [1, 1], strides = [1, 1]} : vector<8x1xf32> to vector<1x1xf32>
      %squeeze3A_224 = vector.extract %slice3A_223[0, 0] : f32 from vector<1x1xf32>
      %ge3A_225 = arith.cmpf oge, %squeeze3A_222, %squeeze3A_224 : f32
      %slice3A_226 = vector.extract_strided_slice %convert_element_type3A_201 {offsets = [2, 0], sizes = [1, 1], strides = [1, 1]} : vector<8x1xi32> to vector<1x1xi32>
      %squeeze3A_227 = vector.extract %slice3A_226[0, 0] : i32 from vector<1x1xi32>
      %slice3A_228 = vector.extract_strided_slice %convert_element_type3A_201 {offsets = [6, 0], sizes = [1, 1], strides = [1, 1]} : vector<8x1xi32> to vector<1x1xi32>
      %squeeze3A_229 = vector.extract %slice3A_228[0, 0] : i32 from vector<1x1xi32>
      %select_n3A_230 = arith.select %ge3A_225, %squeeze3A_227, %squeeze3A_229 : i32
      %slice3A_231 = vector.extract_strided_slice %broadcast_in_dim3A_189 {offsets = [3, 0], sizes = [1, 1], strides = [1, 1]} : vector<8x1xf32> to vector<1x1xf32>
      %squeeze3A_232 = vector.extract %slice3A_231[0, 0] : f32 from vector<1x1xf32>
      %slice3A_233 = vector.extract_strided_slice %broadcast_in_dim3A_189 {offsets = [7, 0], sizes = [1, 1], strides = [1, 1]} : vector<8x1xf32> to vector<1x1xf32>
      %squeeze3A_234 = vector.extract %slice3A_233[0, 0] : f32 from vector<1x1xf32>
      %ge3A_235 = arith.cmpf oge, %squeeze3A_232, %squeeze3A_234 : f32
      %slice3A_236 = vector.extract_strided_slice %convert_element_type3A_201 {offsets = [3, 0], sizes = [1, 1], strides = [1, 1]} : vector<8x1xi32> to vector<1x1xi32>
      %squeeze3A_237 = vector.extract %slice3A_236[0, 0] : i32 from vector<1x1xi32>
      %slice3A_238 = vector.extract_strided_slice %convert_element_type3A_201 {offsets = [7, 0], sizes = [1, 1], strides = [1, 1]} : vector<8x1xi32> to vector<1x1xi32>
      %squeeze3A_239 = vector.extract %slice3A_238[0, 0] : i32 from vector<1x1xi32>
      %select_n3A_240 = arith.select %ge3A_235, %squeeze3A_237, %squeeze3A_239 : i32
      %get3A_241 = arith.constant 0 : index
      %get3A_242 = arith.constant 0 : index
      %get3A_243 = arith.index_cast %select_n3A_210 : i32 to index
      %get3A_244 = memref.load %arg2[%get3A_241, %get3A_242, %get3A_243] : memref<3x4x4096xf32, #tpu.memory_space<smem>>
      %get3A_245 = arith.constant 0 : index
      %get3A_246 = arith.constant 1 : index
      %get3A_247 = arith.index_cast %select_n3A_220 : i32 to index
      %get3A_248 = memref.load %arg2[%get3A_245, %get3A_246, %get3A_247] : memref<3x4x4096xf32, #tpu.memory_space<smem>>
      %get3A_249 = arith.constant 0 : index
      %get3A_250 = arith.constant 2 : index
      %get3A_251 = arith.index_cast %select_n3A_230 : i32 to index
      %get3A_252 = memref.load %arg2[%get3A_249, %get3A_250, %get3A_251] : memref<3x4x4096xf32, #tpu.memory_space<smem>>
      %get3A_253 = arith.constant 0 : index
      %get3A_254 = arith.constant 3 : index
      %get3A_255 = arith.index_cast %select_n3A_240 : i32 to index
      %get3A_256 = memref.load %arg2[%get3A_253, %get3A_254, %get3A_255] : memref<3x4x4096xf32, #tpu.memory_space<smem>>
      %broadcast_in_dim3A_257 = vector.broadcast %get3A_252 : f32 to vector<8x2048xf32>
      %broadcast_in_dim3A_258 = vector.broadcast %get3A_256 : f32 to vector<8x2048xf32>
      %select_n3A_259 = arith.select %eq3A_43, %broadcast_in_dim3A_257, %broadcast_in_dim3A_258 : vector<8x2048xi1>, vector<8x2048xf32>
      %broadcast_in_dim3A_260 = vector.broadcast %get3A_248 : f32 to vector<8x2048xf32>
      %select_n3A_261 = arith.select %eq3A_37, %broadcast_in_dim3A_260, %select_n3A_259 : vector<8x2048xi1>, vector<8x2048xf32>
      %broadcast_in_dim3A_262 = vector.broadcast %get3A_244 : f32 to vector<8x2048xf32>
      %select_n3A_263 = arith.select %eq3A_31, %broadcast_in_dim3A_262, %select_n3A_261 : vector<8x2048xi1>, vector<8x2048xf32>
      %get3A_264 = arith.constant 1 : index
      %get3A_265 = arith.constant 0 : index
      %get3A_266 = arith.index_cast %select_n3A_210 : i32 to index
      %get3A_267 = memref.load %arg2[%get3A_264, %get3A_265, %get3A_266] : memref<3x4x4096xf32, #tpu.memory_space<smem>>
      %get3A_268 = arith.constant 1 : index
      %get3A_269 = arith.constant 1 : index
      %get3A_270 = arith.index_cast %select_n3A_220 : i32 to index
      %get3A_271 = memref.load %arg2[%get3A_268, %get3A_269, %get3A_270] : memref<3x4x4096xf32, #tpu.memory_space<smem>>
      %get3A_272 = arith.constant 1 : index
      %get3A_273 = arith.constant 2 : index
      %get3A_274 = arith.index_cast %select_n3A_230 : i32 to index
      %get3A_275 = memref.load %arg2[%get3A_272, %get3A_273, %get3A_274] : memref<3x4x4096xf32, #tpu.memory_space<smem>>
      %get3A_276 = arith.constant 1 : index
      %get3A_277 = arith.constant 3 : index
      %get3A_278 = arith.index_cast %select_n3A_240 : i32 to index
      %get3A_279 = memref.load %arg2[%get3A_276, %get3A_277, %get3A_278] : memref<3x4x4096xf32, #tpu.memory_space<smem>>
      %broadcast_in_dim3A_280 = vector.broadcast %get3A_275 : f32 to vector<8x2048xf32>
      %broadcast_in_dim3A_281 = vector.broadcast %get3A_279 : f32 to vector<8x2048xf32>
      %select_n3A_282 = arith.select %eq3A_43, %broadcast_in_dim3A_280, %broadcast_in_dim3A_281 : vector<8x2048xi1>, vector<8x2048xf32>
      %broadcast_in_dim3A_283 = vector.broadcast %get3A_271 : f32 to vector<8x2048xf32>
      %select_n3A_284 = arith.select %eq3A_37, %broadcast_in_dim3A_283, %select_n3A_282 : vector<8x2048xi1>, vector<8x2048xf32>
      %broadcast_in_dim3A_285 = vector.broadcast %get3A_267 : f32 to vector<8x2048xf32>
      %select_n3A_286 = arith.select %eq3A_31, %broadcast_in_dim3A_285, %select_n3A_284 : vector<8x2048xi1>, vector<8x2048xf32>
      %get3A_287 = arith.constant 2 : index
      %get3A_288 = arith.constant 0 : index
      %get3A_289 = arith.index_cast %select_n3A_210 : i32 to index
      %get3A_290 = memref.load %arg2[%get3A_287, %get3A_288, %get3A_289] : memref<3x4x4096xf32, #tpu.memory_space<smem>>
      %get3A_291 = arith.constant 2 : index
      %get3A_292 = arith.constant 1 : index
      %get3A_293 = arith.index_cast %select_n3A_220 : i32 to index
      %get3A_294 = memref.load %arg2[%get3A_291, %get3A_292, %get3A_293] : memref<3x4x4096xf32, #tpu.memory_space<smem>>
      %get3A_295 = arith.constant 2 : index
      %get3A_296 = arith.constant 2 : index
      %get3A_297 = arith.index_cast %select_n3A_230 : i32 to index
      %get3A_298 = memref.load %arg2[%get3A_295, %get3A_296, %get3A_297] : memref<3x4x4096xf32, #tpu.memory_space<smem>>
      %get3A_299 = arith.constant 2 : index
      %get3A_300 = arith.constant 3 : index
      %get3A_301 = arith.index_cast %select_n3A_240 : i32 to index
      %get3A_302 = memref.load %arg2[%get3A_299, %get3A_300, %get3A_301] : memref<3x4x4096xf32, #tpu.memory_space<smem>>
      %broadcast_in_dim3A_303 = vector.broadcast %get3A_298 : f32 to vector<8x2048xf32>
      %broadcast_in_dim3A_304 = vector.broadcast %get3A_302 : f32 to vector<8x2048xf32>
      %select_n3A_305 = arith.select %eq3A_43, %broadcast_in_dim3A_303, %broadcast_in_dim3A_304 : vector<8x2048xi1>, vector<8x2048xf32>
      %broadcast_in_dim3A_306 = vector.broadcast %get3A_294 : f32 to vector<8x2048xf32>
      %select_n3A_307 = arith.select %eq3A_37, %broadcast_in_dim3A_306, %select_n3A_305 : vector<8x2048xi1>, vector<8x2048xf32>
      %broadcast_in_dim3A_308 = vector.broadcast %get3A_290 : f32 to vector<8x2048xf32>
      %select_n3A_309 = arith.select %eq3A_31, %broadcast_in_dim3A_308, %select_n3A_307 : vector<8x2048xi1>, vector<8x2048xf32>
      %broadcast_in_dim3A_310 = vector.broadcast %select_n3A_230 : i32 to vector<8x2048xi32>
      %broadcast_in_dim3A_311 = vector.broadcast %select_n3A_240 : i32 to vector<8x2048xi32>
      %select_n3A_312 = arith.select %eq3A_43, %broadcast_in_dim3A_310, %broadcast_in_dim3A_311 : vector<8x2048xi1>, vector<8x2048xi32>
      %broadcast_in_dim3A_313 = vector.broadcast %select_n3A_220 : i32 to vector<8x2048xi32>
      %select_n3A_314 = arith.select %eq3A_37, %broadcast_in_dim3A_313, %select_n3A_312 : vector<8x2048xi1>, vector<8x2048xi32>
      %broadcast_in_dim3A_315 = vector.broadcast %select_n3A_210 : i32 to vector<8x2048xi32>
      %select_n3A_316 = arith.select %eq3A_31, %broadcast_in_dim3A_315, %select_n3A_314 : vector<8x2048xi1>, vector<8x2048xi32>
      %sub3A_317 = arith.subf %get3A_3, %select_n3A_263 : vector<8x2048xf32>
      %sub3A_318 = arith.subf %get3A_8, %select_n3A_286 : vector<8x2048xf32>
      %sub3A_319 = arith.subf %get3A_13, %select_n3A_309 : vector<8x2048xf32>
      %mul3A_320 = arith.mulf %sub3A_317, %sub3A_317 : vector<8x2048xf32>
      %mul3A_321 = arith.mulf %sub3A_318, %sub3A_318 : vector<8x2048xf32>
      %add3A_322 = arith.addf %mul3A_320, %mul3A_321 : vector<8x2048xf32>
      %mul3A_323 = arith.mulf %sub3A_319, %sub3A_319 : vector<8x2048xf32>
      %add3A_324 = arith.addf %add3A_322, %mul3A_323 : vector<8x2048xf32>
      %add3A_325 = arith.constant 9.99999996E-13 : f32
      %add3A_326 = vector.broadcast %add3A_325 : f32 to vector<8x2048xf32>
      %add3A_327 = arith.addf %add3A_324, %add3A_326 : vector<8x2048xf32>
      %sqrt3A = math.sqrt %add3A_327 : vector<8x2048xf32>
      %eq3A_328 = vector.broadcast %scan3A_67 : i32 to vector<8x1024xi32>
      %eq3A_329 = arith.cmpi eq, %iota3A_19, %eq3A_328 : vector<8x1024xi32>
      %slice3A_330 = vector.extract_strided_slice %select_n3A_316 {offsets = [0, 0], sizes = [8, 1024], strides = [1, 1]} : vector<8x2048xi32> to vector<8x1024xi32>
      %add3A_331 = arith.addi %slice3A_330, %mul3A_24 : vector<8x1024xi32>
      %get3A_332 = arith.constant 0 : index
      %get3A_333 = arith.constant 0 : index
      %get3A_334 = vector.load %arg3[%get3A_332, %get3A_333] : memref<8x1024xi32, #tpu.memory_space<vmem>>, vector<8x1024xi32>
      %select_n3A_335 = arith.select %eq3A_329, %add3A_331, %get3A_334 : vector<8x1024xi1>, vector<8x1024xi32>
      %swap3A = arith.constant 0 : index
      %swap3A_336 = arith.constant 0 : index
      %swap3A_337 = vector.load %arg3[%swap3A, %swap3A_336] : memref<8x1024xi32, #tpu.memory_space<vmem>>, vector<8x1024xi32>
      tpu.vector_store %arg3[%swap3A, %swap3A_336], %select_n3A_335 {strides = array<i32>} : memref<8x1024xi32, #tpu.memory_space<vmem>>, vector<8x1024xi32>,
      %slice3A_338 = vector.extract_strided_slice %select_n3A_263 {offsets = [0, 0], sizes = [8, 1024], strides = [1, 1]} : vector<8x2048xf32> to vector<8x1024xf32>
      %get3A_339 = arith.constant 0 : index
      %get3A_340 = arith.constant 0 : index
      %get3A_341 = vector.load %arg4[%get3A_339, %get3A_340] : memref<8x1024xf32, #tpu.memory_space<vmem>>, vector<8x1024xf32>
      %select_n3A_342 = arith.select %eq3A_329, %slice3A_338, %get3A_341 : vector<8x1024xi1>, vector<8x1024xf32>
      %swap3A_343 = arith.constant 0 : index
      %swap3A_344 = arith.constant 0 : index
      %swap3A_345 = vector.load %arg4[%swap3A_343, %swap3A_344] : memref<8x1024xf32, #tpu.memory_space<vmem>>, vector<8x1024xf32>
      tpu.vector_store %arg4[%swap3A_343, %swap3A_344], %select_n3A_342 {strides = array<i32>} : memref<8x1024xf32, #tpu.memory_space<vmem>>, vector<8x1024xf32>,
      %slice3A_346 = vector.extract_strided_slice %select_n3A_286 {offsets = [0, 0], sizes = [8, 1024], strides = [1, 1]} : vector<8x2048xf32> to vector<8x1024xf32>
      %get3A_347 = arith.constant 0 : index
      %get3A_348 = arith.constant 0 : index
      %get3A_349 = vector.load %arg5[%get3A_347, %get3A_348] : memref<8x1024xf32, #tpu.memory_space<vmem>>, vector<8x1024xf32>
      %select_n3A_350 = arith.select %eq3A_329, %slice3A_346, %get3A_349 : vector<8x1024xi1>, vector<8x1024xf32>
      %swap3A_351 = arith.constant 0 : index
      %swap3A_352 = arith.constant 0 : index
      %swap3A_353 = vector.load %arg5[%swap3A_351, %swap3A_352] : memref<8x1024xf32, #tpu.memory_space<vmem>>, vector<8x1024xf32>
      tpu.vector_store %arg5[%swap3A_351, %swap3A_352], %select_n3A_350 {strides = array<i32>} : memref<8x1024xf32, #tpu.memory_space<vmem>>, vector<8x1024xf32>,
      %slice3A_354 = vector.extract_strided_slice %select_n3A_309 {offsets = [0, 0], sizes = [8, 1024], strides = [1, 1]} : vector<8x2048xf32> to vector<8x1024xf32>
      %get3A_355 = arith.constant 0 : index
      %get3A_356 = arith.constant 0 : index
      %get3A_357 = vector.load %arg6[%get3A_355, %get3A_356] : memref<8x1024xf32, #tpu.memory_space<vmem>>, vector<8x1024xf32>
      %select_n3A_358 = arith.select %eq3A_329, %slice3A_354, %get3A_357 : vector<8x1024xi1>, vector<8x1024xf32>
      %swap3A_359 = arith.constant 0 : index
      %swap3A_360 = arith.constant 0 : index
      %swap3A_361 = vector.load %arg6[%swap3A_359, %swap3A_360] : memref<8x1024xf32, #tpu.memory_space<vmem>>, vector<8x1024xf32>
      tpu.vector_store %arg6[%swap3A_359, %swap3A_360], %select_n3A_358 {strides = array<i32>} : memref<8x1024xf32, #tpu.memory_space<vmem>>, vector<8x1024xf32>,
      %min3A = arith.minimumf %scan3A_68, %sqrt3A : vector<8x2048xf32>
      %scan3A_362 = arith.constant 1 : i32
      %scan3A_363 = arith.addi %scan3A_67, %scan3A_362 : i32
      %slice3A_364 = vector.extract_strided_slice %min3A {offsets = [0, 0], sizes = [8, 128], strides = [1, 1]} : vector<8x2048xf32> to vector<8x128xf32>
      %slice3A_365 = vector.extract_strided_slice %min3A {offsets = [0, 128], sizes = [8, 128], strides = [1, 1]} : vector<8x2048xf32> to vector<8x128xf32>
      %slice3A_366 = vector.extract_strided_slice %min3A {offsets = [0, 256], sizes = [8, 128], strides = [1, 1]} : vector<8x2048xf32> to vector<8x128xf32>
      %slice3A_367 = vector.extract_strided_slice %min3A {offsets = [0, 384], sizes = [8, 128], strides = [1, 1]} : vector<8x2048xf32> to vector<8x128xf32>
      %slice3A_368 = vector.extract_strided_slice %min3A {offsets = [0, 512], sizes = [8, 128], strides = [1, 1]} : vector<8x2048xf32> to vector<8x128xf32>
      %slice3A_369 = vector.extract_strided_slice %min3A {offsets = [0, 640], sizes = [8, 128], strides = [1, 1]} : vector<8x2048xf32> to vector<8x128xf32>
      %slice3A_370 = vector.extract_strided_slice %min3A {offsets = [0, 768], sizes = [8, 128], strides = [1, 1]} : vector<8x2048xf32> to vector<8x128xf32>
      %slice3A_371 = vector.extract_strided_slice %min3A {offsets = [0, 896], sizes = [8, 128], strides = [1, 1]} : vector<8x2048xf32> to vector<8x128xf32>
      %slice3A_372 = vector.extract_strided_slice %min3A {offsets = [0, 1024], sizes = [8, 128], strides = [1, 1]} : vector<8x2048xf32> to vector<8x128xf32>
      %slice3A_373 = vector.extract_strided_slice %min3A {offsets = [0, 1152], sizes = [8, 128], strides = [1, 1]} : vector<8x2048xf32> to vector<8x128xf32>
      %slice3A_374 = vector.extract_strided_slice %min3A {offsets = [0, 1280], sizes = [8, 128], strides = [1, 1]} : vector<8x2048xf32> to vector<8x128xf32>
      %slice3A_375 = vector.extract_strided_slice %min3A {offsets = [0, 1408], sizes = [8, 128], strides = [1, 1]} : vector<8x2048xf32> to vector<8x128xf32>
      %slice3A_376 = vector.extract_strided_slice %min3A {offsets = [0, 1536], sizes = [8, 128], strides = [1, 1]} : vector<8x2048xf32> to vector<8x128xf32>
      %slice3A_377 = vector.extract_strided_slice %min3A {offsets = [0, 1664], sizes = [8, 128], strides = [1, 1]} : vector<8x2048xf32> to vector<8x128xf32>
      %slice3A_378 = vector.extract_strided_slice %min3A {offsets = [0, 1792], sizes = [8, 128], strides = [1, 1]} : vector<8x2048xf32> to vector<8x128xf32>
      %slice3A_379 = vector.extract_strided_slice %min3A {offsets = [0, 1920], sizes = [8, 128], strides = [1, 1]} : vector<8x2048xf32> to vector<8x128xf32>
      %gt3A_380 = arith.cmpf ogt, %slice3A_364, %slice3A_372 : vector<8x128xf32>
      %eq3A_381 = arith.cmpf oeq, %slice3A_364, %slice3A_372 : vector<8x128xf32>
      %gt3A_382 = arith.cmpf ogt, %slice3A, %slice3A_51 : vector<8x128xf32>
      %and3A_383 = arith.andi %eq3A_381, %gt3A_382 : vector<8x128xi1>
      %or3A_384 = arith.ori %gt3A_380, %and3A_383 : vector<8x128xi1>
      %select_n3A_385 = arith.select %or3A_384, %slice3A_364, %slice3A_372 : vector<8x128xi1>, vector<8x128xf32>
      %select_n3A_386 = arith.select %or3A_384, %slice3A, %slice3A_51 : vector<8x128xi1>, vector<8x128xf32>
      %gt3A_387 = arith.cmpf ogt, %slice3A_365, %slice3A_373 : vector<8x128xf32>
      %eq3A_388 = arith.cmpf oeq, %slice3A_365, %slice3A_373 : vector<8x128xf32>
      %gt3A_389 = arith.cmpf ogt, %slice3A_44, %slice3A_52 : vector<8x128xf32>
      %and3A_390 = arith.andi %eq3A_388, %gt3A_389 : vector<8x128xi1>
      %or3A_391 = arith.ori %gt3A_387, %and3A_390 : vector<8x128xi1>
      %select_n3A_392 = arith.select %or3A_391, %slice3A_365, %slice3A_373 : vector<8x128xi1>, vector<8x128xf32>
      %select_n3A_393 = arith.select %or3A_391, %slice3A_44, %slice3A_52 : vector<8x128xi1>, vector<8x128xf32>
      %gt3A_394 = arith.cmpf ogt, %slice3A_366, %slice3A_374 : vector<8x128xf32>
      %eq3A_395 = arith.cmpf oeq, %slice3A_366, %slice3A_374 : vector<8x128xf32>
      %gt3A_396 = arith.cmpf ogt, %slice3A_45, %slice3A_53 : vector<8x128xf32>
      %and3A_397 = arith.andi %eq3A_395, %gt3A_396 : vector<8x128xi1>
      %or3A_398 = arith.ori %gt3A_394, %and3A_397 : vector<8x128xi1>
      %select_n3A_399 = arith.select %or3A_398, %slice3A_366, %slice3A_374 : vector<8x128xi1>, vector<8x128xf32>
      %select_n3A_400 = arith.select %or3A_398, %slice3A_45, %slice3A_53 : vector<8x128xi1>, vector<8x128xf32>
      %gt3A_401 = arith.cmpf ogt, %slice3A_367, %slice3A_375 : vector<8x128xf32>
      %eq3A_402 = arith.cmpf oeq, %slice3A_367, %slice3A_375 : vector<8x128xf32>
      %gt3A_403 = arith.cmpf ogt, %slice3A_46, %slice3A_54 : vector<8x128xf32>
      %and3A_404 = arith.andi %eq3A_402, %gt3A_403 : vector<8x128xi1>
      %or3A_405 = arith.ori %gt3A_401, %and3A_404 : vector<8x128xi1>
      %select_n3A_406 = arith.select %or3A_405, %slice3A_367, %slice3A_375 : vector<8x128xi1>, vector<8x128xf32>
      %select_n3A_407 = arith.select %or3A_405, %slice3A_46, %slice3A_54 : vector<8x128xi1>, vector<8x128xf32>
      %gt3A_408 = arith.cmpf ogt, %slice3A_368, %slice3A_376 : vector<8x128xf32>
      %eq3A_409 = arith.cmpf oeq, %slice3A_368, %slice3A_376 : vector<8x128xf32>
      %gt3A_410 = arith.cmpf ogt, %slice3A_47, %slice3A_55 : vector<8x128xf32>
      %and3A_411 = arith.andi %eq3A_409, %gt3A_410 : vector<8x128xi1>
      %or3A_412 = arith.ori %gt3A_408, %and3A_411 : vector<8x128xi1>
      %select_n3A_413 = arith.select %or3A_412, %slice3A_368, %slice3A_376 : vector<8x128xi1>, vector<8x128xf32>
      %select_n3A_414 = arith.select %or3A_412, %slice3A_47, %slice3A_55 : vector<8x128xi1>, vector<8x128xf32>
      %gt3A_415 = arith.cmpf ogt, %slice3A_369, %slice3A_377 : vector<8x128xf32>
      %eq3A_416 = arith.cmpf oeq, %slice3A_369, %slice3A_377 : vector<8x128xf32>
      %gt3A_417 = arith.cmpf ogt, %slice3A_48, %slice3A_56 : vector<8x128xf32>
      %and3A_418 = arith.andi %eq3A_416, %gt3A_417 : vector<8x128xi1>
      %or3A_419 = arith.ori %gt3A_415, %and3A_418 : vector<8x128xi1>
      %select_n3A_420 = arith.select %or3A_419, %slice3A_369, %slice3A_377 : vector<8x128xi1>, vector<8x128xf32>
      %select_n3A_421 = arith.select %or3A_419, %slice3A_48, %slice3A_56 : vector<8x128xi1>, vector<8x128xf32>
      %gt3A_422 = arith.cmpf ogt, %slice3A_370, %slice3A_378 : vector<8x128xf32>
      %eq3A_423 = arith.cmpf oeq, %slice3A_370, %slice3A_378 : vector<8x128xf32>
      %gt3A_424 = arith.cmpf ogt, %slice3A_49, %slice3A_57 : vector<8x128xf32>
      %and3A_425 = arith.andi %eq3A_423, %gt3A_424 : vector<8x128xi1>
      %or3A_426 = arith.ori %gt3A_422, %and3A_425 : vector<8x128xi1>
      %select_n3A_427 = arith.select %or3A_426, %slice3A_370, %slice3A_378 : vector<8x128xi1>, vector<8x128xf32>
      %select_n3A_428 = arith.select %or3A_426, %slice3A_49, %slice3A_57 : vector<8x128xi1>, vector<8x128xf32>
      %gt3A_429 = arith.cmpf ogt, %slice3A_371, %slice3A_379 : vector<8x128xf32>
      %eq3A_430 = arith.cmpf oeq, %slice3A_371, %slice3A_379 : vector<8x128xf32>
      %gt3A_431 = arith.cmpf ogt, %slice3A_50, %slice3A_58 : vector<8x128xf32>
      %and3A_432 = arith.andi %eq3A_430, %gt3A_431 : vector<8x128xi1>
      %or3A_433 = arith.ori %gt3A_429, %and3A_432 : vector<8x128xi1>
      %select_n3A_434 = arith.select %or3A_433, %slice3A_371, %slice3A_379 : vector<8x128xi1>, vector<8x128xf32>
      %select_n3A_435 = arith.select %or3A_433, %slice3A_50, %slice3A_58 : vector<8x128xi1>, vector<8x128xf32>
      %gt3A_436 = arith.cmpf ogt, %select_n3A_385, %select_n3A_413 : vector<8x128xf32>
      %eq3A_437 = arith.cmpf oeq, %select_n3A_385, %select_n3A_413 : vector<8x128xf32>
      %gt3A_438 = arith.cmpf ogt, %select_n3A_386, %select_n3A_414 : vector<8x128xf32>
      %and3A_439 = arith.andi %eq3A_437, %gt3A_438 : vector<8x128xi1>
      %or3A_440 = arith.ori %gt3A_436, %and3A_439 : vector<8x128xi1>
      %select_n3A_441 = arith.select %or3A_440, %select_n3A_385, %select_n3A_413 : vector<8x128xi1>, vector<8x128xf32>
      %select_n3A_442 = arith.select %or3A_440, %select_n3A_386, %select_n3A_414 : vector<8x128xi1>, vector<8x128xf32>
      %gt3A_443 = arith.cmpf ogt, %select_n3A_392, %select_n3A_420 : vector<8x128xf32>
      %eq3A_444 = arith.cmpf oeq, %select_n3A_392, %select_n3A_420 : vector<8x128xf32>
      %gt3A_445 = arith.cmpf ogt, %select_n3A_393, %select_n3A_421 : vector<8x128xf32>
      %and3A_446 = arith.andi %eq3A_444, %gt3A_445 : vector<8x128xi1>
      %or3A_447 = arith.ori %gt3A_443, %and3A_446 : vector<8x128xi1>
      %select_n3A_448 = arith.select %or3A_447, %select_n3A_392, %select_n3A_420 : vector<8x128xi1>, vector<8x128xf32>
      %select_n3A_449 = arith.select %or3A_447, %select_n3A_393, %select_n3A_421 : vector<8x128xi1>, vector<8x128xf32>
      %gt3A_450 = arith.cmpf ogt, %select_n3A_399, %select_n3A_427 : vector<8x128xf32>
      %eq3A_451 = arith.cmpf oeq, %select_n3A_399, %select_n3A_427 : vector<8x128xf32>
      %gt3A_452 = arith.cmpf ogt, %select_n3A_400, %select_n3A_428 : vector<8x128xf32>
      %and3A_453 = arith.andi %eq3A_451, %gt3A_452 : vector<8x128xi1>
      %or3A_454 = arith.ori %gt3A_450, %and3A_453 : vector<8x128xi1>
      %select_n3A_455 = arith.select %or3A_454, %select_n3A_399, %select_n3A_427 : vector<8x128xi1>, vector<8x128xf32>
      %select_n3A_456 = arith.select %or3A_454, %select_n3A_400, %select_n3A_428 : vector<8x128xi1>, vector<8x128xf32>
      %gt3A_457 = arith.cmpf ogt, %select_n3A_406, %select_n3A_434 : vector<8x128xf32>
      %eq3A_458 = arith.cmpf oeq, %select_n3A_406, %select_n3A_434 : vector<8x128xf32>
      %gt3A_459 = arith.cmpf ogt, %select_n3A_407, %select_n3A_435 : vector<8x128xf32>
      %and3A_460 = arith.andi %eq3A_458, %gt3A_459 : vector<8x128xi1>
      %or3A_461 = arith.ori %gt3A_457, %and3A_460 : vector<8x128xi1>
      %select_n3A_462 = arith.select %or3A_461, %select_n3A_406, %select_n3A_434 : vector<8x128xi1>, vector<8x128xf32>
      %select_n3A_463 = arith.select %or3A_461, %select_n3A_407, %select_n3A_435 : vector<8x128xi1>, vector<8x128xf32>
      %gt3A_464 = arith.cmpf ogt, %select_n3A_441, %select_n3A_455 : vector<8x128xf32>
      %eq3A_465 = arith.cmpf oeq, %select_n3A_441, %select_n3A_455 : vector<8x128xf32>
      %gt3A_466 = arith.cmpf ogt, %select_n3A_442, %select_n3A_456 : vector<8x128xf32>
      %and3A_467 = arith.andi %eq3A_465, %gt3A_466 : vector<8x128xi1>
      %or3A_468 = arith.ori %gt3A_464, %and3A_467 : vector<8x128xi1>
      %select_n3A_469 = arith.select %or3A_468, %select_n3A_441, %select_n3A_455 : vector<8x128xi1>, vector<8x128xf32>
      %select_n3A_470 = arith.select %or3A_468, %select_n3A_442, %select_n3A_456 : vector<8x128xi1>, vector<8x128xf32>
      %gt3A_471 = arith.cmpf ogt, %select_n3A_448, %select_n3A_462 : vector<8x128xf32>
      %eq3A_472 = arith.cmpf oeq, %select_n3A_448, %select_n3A_462 : vector<8x128xf32>
      %gt3A_473 = arith.cmpf ogt, %select_n3A_449, %select_n3A_463 : vector<8x128xf32>
      %and3A_474 = arith.andi %eq3A_472, %gt3A_473 : vector<8x128xi1>
      %or3A_475 = arith.ori %gt3A_471, %and3A_474 : vector<8x128xi1>
      %select_n3A_476 = arith.select %or3A_475, %select_n3A_448, %select_n3A_462 : vector<8x128xi1>, vector<8x128xf32>
      %select_n3A_477 = arith.select %or3A_475, %select_n3A_449, %select_n3A_463 : vector<8x128xi1>, vector<8x128xf32>
      %gt3A_478 = arith.cmpf ogt, %select_n3A_469, %select_n3A_476 : vector<8x128xf32>
      %eq3A_479 = arith.cmpf oeq, %select_n3A_469, %select_n3A_476 : vector<8x128xf32>
      %gt3A_480 = arith.cmpf ogt, %select_n3A_470, %select_n3A_477 : vector<8x128xf32>
      %and3A_481 = arith.andi %eq3A_479, %gt3A_480 : vector<8x128xi1>
      %or3A_482 = arith.ori %gt3A_478, %and3A_481 : vector<8x128xi1>
      %select_n3A_483 = arith.select %or3A_482, %select_n3A_469, %select_n3A_476 : vector<8x128xi1>, vector<8x128xf32>
      %select_n3A_484 = arith.select %or3A_482, %select_n3A_470, %select_n3A_477 : vector<8x128xi1>, vector<8x128xf32>
      %reduce_max3A_485 = arith.constant dense<0xFF800000> : vector<8xf32>
      %reduce_max3A_486 = vector.multi_reduction <maximumf>, %select_n3A_483, %reduce_max3A_485 [1] : vector<8x128xf32> to vector<8xf32>
      %broadcast_in_dim3A_487 = vector.shape_cast %reduce_max3A_486 : vector<8xf32> to vector<8x1xf32>
      %eq3A_488 = vector.broadcast %broadcast_in_dim3A_487 : vector<8x1xf32> to vector<8x128xf32>
      %eq3A_489 = arith.cmpf oeq, %select_n3A_483, %eq3A_488 : vector<8x128xf32>
      %jit3A_490 = arith.constant -1.000000e+00 : f32
      %broadcast_in_dim3A_491 = vector.broadcast %jit3A_490 : f32 to vector<8x128xf32>
      %select_n3A_492 = arith.select %eq3A_489, %select_n3A_484, %broadcast_in_dim3A_491 : vector<8x128xi1>, vector<8x128xf32>
      %reduce_max3A_493 = arith.constant dense<0xFF800000> : vector<8xf32>
      %reduce_max3A_494 = vector.multi_reduction <maximumf>, %select_n3A_492, %reduce_max3A_493 [1] : vector<8x128xf32> to vector<8xf32>
      %broadcast_in_dim3A_495 = vector.shape_cast %reduce_max3A_494 : vector<8xf32> to vector<8x1xf32>
      %sub3A_496 = arith.constant 4.095000e+03 : f32
      %sub3A_497 = vector.broadcast %sub3A_496 : f32 to vector<8x1xf32>
      %sub3A_498 = arith.subf %sub3A_497, %broadcast_in_dim3A_495 : vector<8x1xf32>
      %convert_element_type3A_499 = arith.fptosi %sub3A_498 : vector<8x1xf32> to vector<8x1xi32>
      %slice3A_500 = vector.extract_strided_slice %broadcast_in_dim3A_487 {offsets = [0, 0], sizes = [1, 1], strides = [1, 1]} : vector<8x1xf32> to vector<1x1xf32>
      %squeeze3A_501 = vector.extract %slice3A_500[0, 0] : f32 from vector<1x1xf32>
      %slice3A_502 = vector.extract_strided_slice %broadcast_in_dim3A_487 {offsets = [4, 0], sizes = [1, 1], strides = [1, 1]} : vector<8x1xf32> to vector<1x1xf32>
      %squeeze3A_503 = vector.extract %slice3A_502[0, 0] : f32 from vector<1x1xf32>
      %ge3A_504 = arith.cmpf oge, %squeeze3A_501, %squeeze3A_503 : f32
      %slice3A_505 = vector.extract_strided_slice %convert_element_type3A_499 {offsets = [0, 0], sizes = [1, 1], strides = [1, 1]} : vector<8x1xi32> to vector<1x1xi32>
      %squeeze3A_506 = vector.extract %slice3A_505[0, 0] : i32 from vector<1x1xi32>
      %slice3A_507 = vector.extract_strided_slice %convert_element_type3A_499 {offsets = [4, 0], sizes = [1, 1], strides = [1, 1]} : vector<8x1xi32> to vector<1x1xi32>
      %squeeze3A_508 = vector.extract %slice3A_507[0, 0] : i32 from vector<1x1xi32>
      %select_n3A_509 = arith.select %ge3A_504, %squeeze3A_506, %squeeze3A_508 : i32
      %slice3A_510 = vector.extract_strided_slice %broadcast_in_dim3A_487 {offsets = [1, 0], sizes = [1, 1], strides = [1, 1]} : vector<8x1xf32> to vector<1x1xf32>
      %squeeze3A_511 = vector.extract %slice3A_510[0, 0] : f32 from vector<1x1xf32>
      %slice3A_512 = vector.extract_strided_slice %broadcast_in_dim3A_487 {offsets = [5, 0], sizes = [1, 1], strides = [1, 1]} : vector<8x1xf32> to vector<1x1xf32>
      %squeeze3A_513 = vector.extract %slice3A_512[0, 0] : f32 from vector<1x1xf32>
      %ge3A_514 = arith.cmpf oge, %squeeze3A_511, %squeeze3A_513 : f32
      %slice3A_515 = vector.extract_strided_slice %convert_element_type3A_499 {offsets = [1, 0], sizes = [1, 1], strides = [1, 1]} : vector<8x1xi32> to vector<1x1xi32>
      %squeeze3A_516 = vector.extract %slice3A_515[0, 0] : i32 from vector<1x1xi32>
      %slice3A_517 = vector.extract_strided_slice %convert_element_type3A_499 {offsets = [5, 0], sizes = [1, 1], strides = [1, 1]} : vector<8x1xi32> to vector<1x1xi32>
      %squeeze3A_518 = vector.extract %slice3A_517[0, 0] : i32 from vector<1x1xi32>
      %select_n3A_519 = arith.select %ge3A_514, %squeeze3A_516, %squeeze3A_518 : i32
      %slice3A_520 = vector.extract_strided_slice %broadcast_in_dim3A_487 {offsets = [2, 0], sizes = [1, 1], strides = [1, 1]} : vector<8x1xf32> to vector<1x1xf32>
      %squeeze3A_521 = vector.extract %slice3A_520[0, 0] : f32 from vector<1x1xf32>
      %slice3A_522 = vector.extract_strided_slice %broadcast_in_dim3A_487 {offsets = [6, 0], sizes = [1, 1], strides = [1, 1]} : vector<8x1xf32> to vector<1x1xf32>
      %squeeze3A_523 = vector.extract %slice3A_522[0, 0] : f32 from vector<1x1xf32>
      %ge3A_524 = arith.cmpf oge, %squeeze3A_521, %squeeze3A_523 : f32
      %slice3A_525 = vector.extract_strided_slice %convert_element_type3A_499 {offsets = [2, 0], sizes = [1, 1], strides = [1, 1]} : vector<8x1xi32> to vector<1x1xi32>
      %squeeze3A_526 = vector.extract %slice3A_525[0, 0] : i32 from vector<1x1xi32>
      %slice3A_527 = vector.extract_strided_slice %convert_element_type3A_499 {offsets = [6, 0], sizes = [1, 1], strides = [1, 1]} : vector<8x1xi32> to vector<1x1xi32>
      %squeeze3A_528 = vector.extract %slice3A_527[0, 0] : i32 from vector<1x1xi32>
      %select_n3A_529 = arith.select %ge3A_524, %squeeze3A_526, %squeeze3A_528 : i32
      %slice3A_530 = vector.extract_strided_slice %broadcast_in_dim3A_487 {offsets = [3, 0], sizes = [1, 1], strides = [1, 1]} : vector<8x1xf32> to vector<1x1xf32>
      %squeeze3A_531 = vector.extract %slice3A_530[0, 0] : f32 from vector<1x1xf32>
      %slice3A_532 = vector.extract_strided_slice %broadcast_in_dim3A_487 {offsets = [7, 0], sizes = [1, 1], strides = [1, 1]} : vector<8x1xf32> to vector<1x1xf32>
      %squeeze3A_533 = vector.extract %slice3A_532[0, 0] : f32 from vector<1x1xf32>
      %ge3A_534 = arith.cmpf oge, %squeeze3A_531, %squeeze3A_533 : f32
      %slice3A_535 = vector.extract_strided_slice %convert_element_type3A_499 {offsets = [3, 0], sizes = [1, 1], strides = [1, 1]} : vector<8x1xi32> to vector<1x1xi32>
      %squeeze3A_536 = vector.extract %slice3A_535[0, 0] : i32 from vector<1x1xi32>
      %slice3A_537 = vector.extract_strided_slice %convert_element_type3A_499 {offsets = [7, 0], sizes = [1, 1], strides = [1, 1]} : vector<8x1xi32> to vector<1x1xi32>
      %squeeze3A_538 = vector.extract %slice3A_537[0, 0] : i32 from vector<1x1xi32>
      %select_n3A_539 = arith.select %ge3A_534, %squeeze3A_536, %squeeze3A_538 : i32
      %get3A_540 = arith.constant 0 : index
      %get3A_541 = arith.constant 0 : index
      %get3A_542 = arith.index_cast %select_n3A_509 : i32 to index
      %get3A_543 = memref.load %arg2[%get3A_540, %get3A_541, %get3A_542] : memref<3x4x4096xf32, #tpu.memory_space<smem>>
      %get3A_544 = arith.constant 0 : index
      %get3A_545 = arith.constant 1 : index
      %get3A_546 = arith.index_cast %select_n3A_519 : i32 to index
      %get3A_547 = memref.load %arg2[%get3A_544, %get3A_545, %get3A_546] : memref<3x4x4096xf32, #tpu.memory_space<smem>>
      %get3A_548 = arith.constant 0 : index
      %get3A_549 = arith.constant 2 : index
      %get3A_550 = arith.index_cast %select_n3A_529 : i32 to index
      %get3A_551 = memref.load %arg2[%get3A_548, %get3A_549, %get3A_550] : memref<3x4x4096xf32, #tpu.memory_space<smem>>
      %get3A_552 = arith.constant 0 : index
      %get3A_553 = arith.constant 3 : index
      %get3A_554 = arith.index_cast %select_n3A_539 : i32 to index
      %get3A_555 = memref.load %arg2[%get3A_552, %get3A_553, %get3A_554] : memref<3x4x4096xf32, #tpu.memory_space<smem>>
      %broadcast_in_dim3A_556 = vector.broadcast %get3A_551 : f32 to vector<8x2048xf32>
      %broadcast_in_dim3A_557 = vector.broadcast %get3A_555 : f32 to vector<8x2048xf32>
      %select_n3A_558 = arith.select %eq3A_43, %broadcast_in_dim3A_556, %broadcast_in_dim3A_557 : vector<8x2048xi1>, vector<8x2048xf32>
      %broadcast_in_dim3A_559 = vector.broadcast %get3A_547 : f32 to vector<8x2048xf32>
      %select_n3A_560 = arith.select %eq3A_37, %broadcast_in_dim3A_559, %select_n3A_558 : vector<8x2048xi1>, vector<8x2048xf32>
      %broadcast_in_dim3A_561 = vector.broadcast %get3A_543 : f32 to vector<8x2048xf32>
      %select_n3A_562 = arith.select %eq3A_31, %broadcast_in_dim3A_561, %select_n3A_560 : vector<8x2048xi1>, vector<8x2048xf32>
      %get3A_563 = arith.constant 1 : index
      %get3A_564 = arith.constant 0 : index
      %get3A_565 = arith.index_cast %select_n3A_509 : i32 to index
      %get3A_566 = memref.load %arg2[%get3A_563, %get3A_564, %get3A_565] : memref<3x4x4096xf32, #tpu.memory_space<smem>>
      %get3A_567 = arith.constant 1 : index
      %get3A_568 = arith.constant 1 : index
      %get3A_569 = arith.index_cast %select_n3A_519 : i32 to index
      %get3A_570 = memref.load %arg2[%get3A_567, %get3A_568, %get3A_569] : memref<3x4x4096xf32, #tpu.memory_space<smem>>
      %get3A_571 = arith.constant 1 : index
      %get3A_572 = arith.constant 2 : index
      %get3A_573 = arith.index_cast %select_n3A_529 : i32 to index
      %get3A_574 = memref.load %arg2[%get3A_571, %get3A_572, %get3A_573] : memref<3x4x4096xf32, #tpu.memory_space<smem>>
      %get3A_575 = arith.constant 1 : index
      %get3A_576 = arith.constant 3 : index
      %get3A_577 = arith.index_cast %select_n3A_539 : i32 to index
      %get3A_578 = memref.load %arg2[%get3A_575, %get3A_576, %get3A_577] : memref<3x4x4096xf32, #tpu.memory_space<smem>>
      %broadcast_in_dim3A_579 = vector.broadcast %get3A_574 : f32 to vector<8x2048xf32>
      %broadcast_in_dim3A_580 = vector.broadcast %get3A_578 : f32 to vector<8x2048xf32>
      %select_n3A_581 = arith.select %eq3A_43, %broadcast_in_dim3A_579, %broadcast_in_dim3A_580 : vector<8x2048xi1>, vector<8x2048xf32>
      %broadcast_in_dim3A_582 = vector.broadcast %get3A_570 : f32 to vector<8x2048xf32>
      %select_n3A_583 = arith.select %eq3A_37, %broadcast_in_dim3A_582, %select_n3A_581 : vector<8x2048xi1>, vector<8x2048xf32>
      %broadcast_in_dim3A_584 = vector.broadcast %get3A_566 : f32 to vector<8x2048xf32>
      %select_n3A_585 = arith.select %eq3A_31, %broadcast_in_dim3A_584, %select_n3A_583 : vector<8x2048xi1>, vector<8x2048xf32>
      %get3A_586 = arith.constant 2 : index
      %get3A_587 = arith.constant 0 : index
      %get3A_588 = arith.index_cast %select_n3A_509 : i32 to index
      %get3A_589 = memref.load %arg2[%get3A_586, %get3A_587, %get3A_588] : memref<3x4x4096xf32, #tpu.memory_space<smem>>
      %get3A_590 = arith.constant 2 : index
      %get3A_591 = arith.constant 1 : index
      %get3A_592 = arith.index_cast %select_n3A_519 : i32 to index
      %get3A_593 = memref.load %arg2[%get3A_590, %get3A_591, %get3A_592] : memref<3x4x4096xf32, #tpu.memory_space<smem>>
      %get3A_594 = arith.constant 2 : index
      %get3A_595 = arith.constant 2 : index
      %get3A_596 = arith.index_cast %select_n3A_529 : i32 to index
      %get3A_597 = memref.load %arg2[%get3A_594, %get3A_595, %get3A_596] : memref<3x4x4096xf32, #tpu.memory_space<smem>>
      %get3A_598 = arith.constant 2 : index
      %get3A_599 = arith.constant 3 : index
      %get3A_600 = arith.index_cast %select_n3A_539 : i32 to index
      %get3A_601 = memref.load %arg2[%get3A_598, %get3A_599, %get3A_600] : memref<3x4x4096xf32, #tpu.memory_space<smem>>
      %broadcast_in_dim3A_602 = vector.broadcast %get3A_597 : f32 to vector<8x2048xf32>
      %broadcast_in_dim3A_603 = vector.broadcast %get3A_601 : f32 to vector<8x2048xf32>
      %select_n3A_604 = arith.select %eq3A_43, %broadcast_in_dim3A_602, %broadcast_in_dim3A_603 : vector<8x2048xi1>, vector<8x2048xf32>
      %broadcast_in_dim3A_605 = vector.broadcast %get3A_593 : f32 to vector<8x2048xf32>
      %select_n3A_606 = arith.select %eq3A_37, %broadcast_in_dim3A_605, %select_n3A_604 : vector<8x2048xi1>, vector<8x2048xf32>
      %broadcast_in_dim3A_607 = vector.broadcast %get3A_589 : f32 to vector<8x2048xf32>
      %select_n3A_608 = arith.select %eq3A_31, %broadcast_in_dim3A_607, %select_n3A_606 : vector<8x2048xi1>, vector<8x2048xf32>
      %broadcast_in_dim3A_609 = vector.broadcast %select_n3A_529 : i32 to vector<8x2048xi32>
      %broadcast_in_dim3A_610 = vector.broadcast %select_n3A_539 : i32 to vector<8x2048xi32>
      %select_n3A_611 = arith.select %eq3A_43, %broadcast_in_dim3A_609, %broadcast_in_dim3A_610 : vector<8x2048xi1>, vector<8x2048xi32>
      %broadcast_in_dim3A_612 = vector.broadcast %select_n3A_519 : i32 to vector<8x2048xi32>
      %select_n3A_613 = arith.select %eq3A_37, %broadcast_in_dim3A_612, %select_n3A_611 : vector<8x2048xi1>, vector<8x2048xi32>
      %broadcast_in_dim3A_614 = vector.broadcast %select_n3A_509 : i32 to vector<8x2048xi32>
      %select_n3A_615 = arith.select %eq3A_31, %broadcast_in_dim3A_614, %select_n3A_613 : vector<8x2048xi1>, vector<8x2048xi32>
      %sub3A_616 = arith.subf %get3A_3, %select_n3A_562 : vector<8x2048xf32>
      %sub3A_617 = arith.subf %get3A_8, %select_n3A_585 : vector<8x2048xf32>
      %sub3A_618 = arith.subf %get3A_13, %select_n3A_608 : vector<8x2048xf32>
      %mul3A_619 = arith.mulf %sub3A_616, %sub3A_616 : vector<8x2048xf32>
      %mul3A_620 = arith.mulf %sub3A_617, %sub3A_617 : vector<8x2048xf32>
      %add3A_621 = arith.addf %mul3A_619, %mul3A_620 : vector<8x2048xf32>
      %mul3A_622 = arith.mulf %sub3A_618, %sub3A_618 : vector<8x2048xf32>
      %add3A_623 = arith.addf %add3A_621, %mul3A_622 : vector<8x2048xf32>
      %add3A_624 = arith.constant 9.99999996E-13 : f32
      %add3A_625 = vector.broadcast %add3A_624 : f32 to vector<8x2048xf32>
      %add3A_626 = arith.addf %add3A_623, %add3A_625 : vector<8x2048xf32>
      %sqrt3A_627 = math.sqrt %add3A_626 : vector<8x2048xf32>
      %eq3A_628 = vector.broadcast %scan3A_363 : i32 to vector<8x1024xi32>
      %eq3A_629 = arith.cmpi eq, %iota3A_19, %eq3A_628 : vector<8x1024xi32>
      %slice3A_630 = vector.extract_strided_slice %select_n3A_615 {offsets = [0, 0], sizes = [8, 1024], strides = [1, 1]} : vector<8x2048xi32> to vector<8x1024xi32>
      %add3A_631 = arith.addi %slice3A_630, %mul3A_24 : vector<8x1024xi32>
      %get3A_632 = arith.constant 0 : index
      %get3A_633 = arith.constant 0 : index
      %get3A_634 = vector.load %arg3[%get3A_632, %get3A_633] : memref<8x1024xi32, #tpu.memory_space<vmem>>, vector<8x1024xi32>
      %select_n3A_635 = arith.select %eq3A_629, %add3A_631, %get3A_634 : vector<8x1024xi1>, vector<8x1024xi32>
      %swap3A_636 = arith.constant 0 : index
      %swap3A_637 = arith.constant 0 : index
      %swap3A_638 = vector.load %arg3[%swap3A_636, %swap3A_637] : memref<8x1024xi32, #tpu.memory_space<vmem>>, vector<8x1024xi32>
      tpu.vector_store %arg3[%swap3A_636, %swap3A_637], %select_n3A_635 {strides = array<i32>} : memref<8x1024xi32, #tpu.memory_space<vmem>>, vector<8x1024xi32>,
      %slice3A_639 = vector.extract_strided_slice %select_n3A_562 {offsets = [0, 0], sizes = [8, 1024], strides = [1, 1]} : vector<8x2048xf32> to vector<8x1024xf32>
      %get3A_640 = arith.constant 0 : index
      %get3A_641 = arith.constant 0 : index
      %get3A_642 = vector.load %arg4[%get3A_640, %get3A_641] : memref<8x1024xf32, #tpu.memory_space<vmem>>, vector<8x1024xf32>
      %select_n3A_643 = arith.select %eq3A_629, %slice3A_639, %get3A_642 : vector<8x1024xi1>, vector<8x1024xf32>
      %swap3A_644 = arith.constant 0 : index
      %swap3A_645 = arith.constant 0 : index
      %swap3A_646 = vector.load %arg4[%swap3A_644, %swap3A_645] : memref<8x1024xf32, #tpu.memory_space<vmem>>, vector<8x1024xf32>
      tpu.vector_store %arg4[%swap3A_644, %swap3A_645], %select_n3A_643 {strides = array<i32>} : memref<8x1024xf32, #tpu.memory_space<vmem>>, vector<8x1024xf32>,
      %slice3A_647 = vector.extract_strided_slice %select_n3A_585 {offsets = [0, 0], sizes = [8, 1024], strides = [1, 1]} : vector<8x2048xf32> to vector<8x1024xf32>
      %get3A_648 = arith.constant 0 : index
      %get3A_649 = arith.constant 0 : index
      %get3A_650 = vector.load %arg5[%get3A_648, %get3A_649] : memref<8x1024xf32, #tpu.memory_space<vmem>>, vector<8x1024xf32>
      %select_n3A_651 = arith.select %eq3A_629, %slice3A_647, %get3A_650 : vector<8x1024xi1>, vector<8x1024xf32>
      %swap3A_652 = arith.constant 0 : index
      %swap3A_653 = arith.constant 0 : index
      %swap3A_654 = vector.load %arg5[%swap3A_652, %swap3A_653] : memref<8x1024xf32, #tpu.memory_space<vmem>>, vector<8x1024xf32>
      tpu.vector_store %arg5[%swap3A_652, %swap3A_653], %select_n3A_651 {strides = array<i32>} : memref<8x1024xf32, #tpu.memory_space<vmem>>, vector<8x1024xf32>,
      %slice3A_655 = vector.extract_strided_slice %select_n3A_608 {offsets = [0, 0], sizes = [8, 1024], strides = [1, 1]} : vector<8x2048xf32> to vector<8x1024xf32>
      %get3A_656 = arith.constant 0 : index
      %get3A_657 = arith.constant 0 : index
      %get3A_658 = vector.load %arg6[%get3A_656, %get3A_657] : memref<8x1024xf32, #tpu.memory_space<vmem>>, vector<8x1024xf32>
      %select_n3A_659 = arith.select %eq3A_629, %slice3A_655, %get3A_658 : vector<8x1024xi1>, vector<8x1024xf32>
      %swap3A_660 = arith.constant 0 : index
      %swap3A_661 = arith.constant 0 : index
      %swap3A_662 = vector.load %arg6[%swap3A_660, %swap3A_661] : memref<8x1024xf32, #tpu.memory_space<vmem>>, vector<8x1024xf32>
      tpu.vector_store %arg6[%swap3A_660, %swap3A_661], %select_n3A_659 {strides = array<i32>} : memref<8x1024xf32, #tpu.memory_space<vmem>>, vector<8x1024xf32>,
      %min3A_663 = arith.minimumf %min3A, %sqrt3A_627 : vector<8x2048xf32>
      %scan3A_664 = arith.constant 2 : i32
      %scan3A_665 = arith.addi %scan3A_67, %scan3A_664 : i32
      %slice3A_666 = vector.extract_strided_slice %min3A_663 {offsets = [0, 0], sizes = [8, 128], strides = [1, 1]} : vector<8x2048xf32> to vector<8x128xf32>
      %slice3A_667 = vector.extract_strided_slice %min3A_663 {offsets = [0, 128], sizes = [8, 128], strides = [1, 1]} : vector<8x2048xf32> to vector<8x128xf32>
      %slice3A_668 = vector.extract_strided_slice %min3A_663 {offsets = [0, 256], sizes = [8, 128], strides = [1, 1]} : vector<8x2048xf32> to vector<8x128xf32>
      %slice3A_669 = vector.extract_strided_slice %min3A_663 {offsets = [0, 384], sizes = [8, 128], strides = [1, 1]} : vector<8x2048xf32> to vector<8x128xf32>
      %slice3A_670 = vector.extract_strided_slice %min3A_663 {offsets = [0, 512], sizes = [8, 128], strides = [1, 1]} : vector<8x2048xf32> to vector<8x128xf32>
      %slice3A_671 = vector.extract_strided_slice %min3A_663 {offsets = [0, 640], sizes = [8, 128], strides = [1, 1]} : vector<8x2048xf32> to vector<8x128xf32>
      %slice3A_672 = vector.extract_strided_slice %min3A_663 {offsets = [0, 768], sizes = [8, 128], strides = [1, 1]} : vector<8x2048xf32> to vector<8x128xf32>
      %slice3A_673 = vector.extract_strided_slice %min3A_663 {offsets = [0, 896], sizes = [8, 128], strides = [1, 1]} : vector<8x2048xf32> to vector<8x128xf32>
      %slice3A_674 = vector.extract_strided_slice %min3A_663 {offsets = [0, 1024], sizes = [8, 128], strides = [1, 1]} : vector<8x2048xf32> to vector<8x128xf32>
      %slice3A_675 = vector.extract_strided_slice %min3A_663 {offsets = [0, 1152], sizes = [8, 128], strides = [1, 1]} : vector<8x2048xf32> to vector<8x128xf32>
      %slice3A_676 = vector.extract_strided_slice %min3A_663 {offsets = [0, 1280], sizes = [8, 128], strides = [1, 1]} : vector<8x2048xf32> to vector<8x128xf32>
      %slice3A_677 = vector.extract_strided_slice %min3A_663 {offsets = [0, 1408], sizes = [8, 128], strides = [1, 1]} : vector<8x2048xf32> to vector<8x128xf32>
      %slice3A_678 = vector.extract_strided_slice %min3A_663 {offsets = [0, 1536], sizes = [8, 128], strides = [1, 1]} : vector<8x2048xf32> to vector<8x128xf32>
      %slice3A_679 = vector.extract_strided_slice %min3A_663 {offsets = [0, 1664], sizes = [8, 128], strides = [1, 1]} : vector<8x2048xf32> to vector<8x128xf32>
      %slice3A_680 = vector.extract_strided_slice %min3A_663 {offsets = [0, 1792], sizes = [8, 128], strides = [1, 1]} : vector<8x2048xf32> to vector<8x128xf32>
      %slice3A_681 = vector.extract_strided_slice %min3A_663 {offsets = [0, 1920], sizes = [8, 128], strides = [1, 1]} : vector<8x2048xf32> to vector<8x128xf32>
      %gt3A_682 = arith.cmpf ogt, %slice3A_666, %slice3A_674 : vector<8x128xf32>
      %eq3A_683 = arith.cmpf oeq, %slice3A_666, %slice3A_674 : vector<8x128xf32>
      %gt3A_684 = arith.cmpf ogt, %slice3A, %slice3A_51 : vector<8x128xf32>
      %and3A_685 = arith.andi %eq3A_683, %gt3A_684 : vector<8x128xi1>
      %or3A_686 = arith.ori %gt3A_682, %and3A_685 : vector<8x128xi1>
      %select_n3A_687 = arith.select %or3A_686, %slice3A_666, %slice3A_674 : vector<8x128xi1>, vector<8x128xf32>
      %select_n3A_688 = arith.select %or3A_686, %slice3A, %slice3A_51 : vector<8x128xi1>, vector<8x128xf32>
      %gt3A_689 = arith.cmpf ogt, %slice3A_667, %slice3A_675 : vector<8x128xf32>
      %eq3A_690 = arith.cmpf oeq, %slice3A_667, %slice3A_675 : vector<8x128xf32>
      %gt3A_691 = arith.cmpf ogt, %slice3A_44, %slice3A_52 : vector<8x128xf32>
      %and3A_692 = arith.andi %eq3A_690, %gt3A_691 : vector<8x128xi1>
      %or3A_693 = arith.ori %gt3A_689, %and3A_692 : vector<8x128xi1>
      %select_n3A_694 = arith.select %or3A_693, %slice3A_667, %slice3A_675 : vector<8x128xi1>, vector<8x128xf32>
      %select_n3A_695 = arith.select %or3A_693, %slice3A_44, %slice3A_52 : vector<8x128xi1>, vector<8x128xf32>
      %gt3A_696 = arith.cmpf ogt, %slice3A_668, %slice3A_676 : vector<8x128xf32>
      %eq3A_697 = arith.cmpf oeq, %slice3A_668, %slice3A_676 : vector<8x128xf32>
      %gt3A_698 = arith.cmpf ogt, %slice3A_45, %slice3A_53 : vector<8x128xf32>
      %and3A_699 = arith.andi %eq3A_697, %gt3A_698 : vector<8x128xi1>
      %or3A_700 = arith.ori %gt3A_696, %and3A_699 : vector<8x128xi1>
      %select_n3A_701 = arith.select %or3A_700, %slice3A_668, %slice3A_676 : vector<8x128xi1>, vector<8x128xf32>
      %select_n3A_702 = arith.select %or3A_700, %slice3A_45, %slice3A_53 : vector<8x128xi1>, vector<8x128xf32>
      %gt3A_703 = arith.cmpf ogt, %slice3A_669, %slice3A_677 : vector<8x128xf32>
      %eq3A_704 = arith.cmpf oeq, %slice3A_669, %slice3A_677 : vector<8x128xf32>
      %gt3A_705 = arith.cmpf ogt, %slice3A_46, %slice3A_54 : vector<8x128xf32>
      %and3A_706 = arith.andi %eq3A_704, %gt3A_705 : vector<8x128xi1>
      %or3A_707 = arith.ori %gt3A_703, %and3A_706 : vector<8x128xi1>
      %select_n3A_708 = arith.select %or3A_707, %slice3A_669, %slice3A_677 : vector<8x128xi1>, vector<8x128xf32>
      %select_n3A_709 = arith.select %or3A_707, %slice3A_46, %slice3A_54 : vector<8x128xi1>, vector<8x128xf32>
      %gt3A_710 = arith.cmpf ogt, %slice3A_670, %slice3A_678 : vector<8x128xf32>
      %eq3A_711 = arith.cmpf oeq, %slice3A_670, %slice3A_678 : vector<8x128xf32>
      %gt3A_712 = arith.cmpf ogt, %slice3A_47, %slice3A_55 : vector<8x128xf32>
      %and3A_713 = arith.andi %eq3A_711, %gt3A_712 : vector<8x128xi1>
      %or3A_714 = arith.ori %gt3A_710, %and3A_713 : vector<8x128xi1>
      %select_n3A_715 = arith.select %or3A_714, %slice3A_670, %slice3A_678 : vector<8x128xi1>, vector<8x128xf32>
      %select_n3A_716 = arith.select %or3A_714, %slice3A_47, %slice3A_55 : vector<8x128xi1>, vector<8x128xf32>
      %gt3A_717 = arith.cmpf ogt, %slice3A_671, %slice3A_679 : vector<8x128xf32>
      %eq3A_718 = arith.cmpf oeq, %slice3A_671, %slice3A_679 : vector<8x128xf32>
      %gt3A_719 = arith.cmpf ogt, %slice3A_48, %slice3A_56 : vector<8x128xf32>
      %and3A_720 = arith.andi %eq3A_718, %gt3A_719 : vector<8x128xi1>
      %or3A_721 = arith.ori %gt3A_717, %and3A_720 : vector<8x128xi1>
      %select_n3A_722 = arith.select %or3A_721, %slice3A_671, %slice3A_679 : vector<8x128xi1>, vector<8x128xf32>
      %select_n3A_723 = arith.select %or3A_721, %slice3A_48, %slice3A_56 : vector<8x128xi1>, vector<8x128xf32>
      %gt3A_724 = arith.cmpf ogt, %slice3A_672, %slice3A_680 : vector<8x128xf32>
      %eq3A_725 = arith.cmpf oeq, %slice3A_672, %slice3A_680 : vector<8x128xf32>
      %gt3A_726 = arith.cmpf ogt, %slice3A_49, %slice3A_57 : vector<8x128xf32>
      %and3A_727 = arith.andi %eq3A_725, %gt3A_726 : vector<8x128xi1>
      %or3A_728 = arith.ori %gt3A_724, %and3A_727 : vector<8x128xi1>
      %select_n3A_729 = arith.select %or3A_728, %slice3A_672, %slice3A_680 : vector<8x128xi1>, vector<8x128xf32>
      %select_n3A_730 = arith.select %or3A_728, %slice3A_49, %slice3A_57 : vector<8x128xi1>, vector<8x128xf32>
      %gt3A_731 = arith.cmpf ogt, %slice3A_673, %slice3A_681 : vector<8x128xf32>
      %eq3A_732 = arith.cmpf oeq, %slice3A_673, %slice3A_681 : vector<8x128xf32>
      %gt3A_733 = arith.cmpf ogt, %slice3A_50, %slice3A_58 : vector<8x128xf32>
      %and3A_734 = arith.andi %eq3A_732, %gt3A_733 : vector<8x128xi1>
      %or3A_735 = arith.ori %gt3A_731, %and3A_734 : vector<8x128xi1>
      %select_n3A_736 = arith.select %or3A_735, %slice3A_673, %slice3A_681 : vector<8x128xi1>, vector<8x128xf32>
      %select_n3A_737 = arith.select %or3A_735, %slice3A_50, %slice3A_58 : vector<8x128xi1>, vector<8x128xf32>
      %gt3A_738 = arith.cmpf ogt, %select_n3A_687, %select_n3A_715 : vector<8x128xf32>
      %eq3A_739 = arith.cmpf oeq, %select_n3A_687, %select_n3A_715 : vector<8x128xf32>
      %gt3A_740 = arith.cmpf ogt, %select_n3A_688, %select_n3A_716 : vector<8x128xf32>
      %and3A_741 = arith.andi %eq3A_739, %gt3A_740 : vector<8x128xi1>
      %or3A_742 = arith.ori %gt3A_738, %and3A_741 : vector<8x128xi1>
      %select_n3A_743 = arith.select %or3A_742, %select_n3A_687, %select_n3A_715 : vector<8x128xi1>, vector<8x128xf32>
      %select_n3A_744 = arith.select %or3A_742, %select_n3A_688, %select_n3A_716 : vector<8x128xi1>, vector<8x128xf32>
      %gt3A_745 = arith.cmpf ogt, %select_n3A_694, %select_n3A_722 : vector<8x128xf32>
      %eq3A_746 = arith.cmpf oeq, %select_n3A_694, %select_n3A_722 : vector<8x128xf32>
      %gt3A_747 = arith.cmpf ogt, %select_n3A_695, %select_n3A_723 : vector<8x128xf32>
      %and3A_748 = arith.andi %eq3A_746, %gt3A_747 : vector<8x128xi1>
      %or3A_749 = arith.ori %gt3A_745, %and3A_748 : vector<8x128xi1>
      %select_n3A_750 = arith.select %or3A_749, %select_n3A_694, %select_n3A_722 : vector<8x128xi1>, vector<8x128xf32>
      %select_n3A_751 = arith.select %or3A_749, %select_n3A_695, %select_n3A_723 : vector<8x128xi1>, vector<8x128xf32>
      %gt3A_752 = arith.cmpf ogt, %select_n3A_701, %select_n3A_729 : vector<8x128xf32>
      %eq3A_753 = arith.cmpf oeq, %select_n3A_701, %select_n3A_729 : vector<8x128xf32>
      %gt3A_754 = arith.cmpf ogt, %select_n3A_702, %select_n3A_730 : vector<8x128xf32>
      %and3A_755 = arith.andi %eq3A_753, %gt3A_754 : vector<8x128xi1>
      %or3A_756 = arith.ori %gt3A_752, %and3A_755 : vector<8x128xi1>
      %select_n3A_757 = arith.select %or3A_756, %select_n3A_701, %select_n3A_729 : vector<8x128xi1>, vector<8x128xf32>
      %select_n3A_758 = arith.select %or3A_756, %select_n3A_702, %select_n3A_730 : vector<8x128xi1>, vector<8x128xf32>
      %gt3A_759 = arith.cmpf ogt, %select_n3A_708, %select_n3A_736 : vector<8x128xf32>
      %eq3A_760 = arith.cmpf oeq, %select_n3A_708, %select_n3A_736 : vector<8x128xf32>
      %gt3A_761 = arith.cmpf ogt, %select_n3A_709, %select_n3A_737 : vector<8x128xf32>
      %and3A_762 = arith.andi %eq3A_760, %gt3A_761 : vector<8x128xi1>
      %or3A_763 = arith.ori %gt3A_759, %and3A_762 : vector<8x128xi1>
      %select_n3A_764 = arith.select %or3A_763, %select_n3A_708, %select_n3A_736 : vector<8x128xi1>, vector<8x128xf32>
      %select_n3A_765 = arith.select %or3A_763, %select_n3A_709, %select_n3A_737 : vector<8x128xi1>, vector<8x128xf32>
      %gt3A_766 = arith.cmpf ogt, %select_n3A_743, %select_n3A_757 : vector<8x128xf32>
      %eq3A_767 = arith.cmpf oeq, %select_n3A_743, %select_n3A_757 : vector<8x128xf32>
      %gt3A_768 = arith.cmpf ogt, %select_n3A_744, %select_n3A_758 : vector<8x128xf32>
      %and3A_769 = arith.andi %eq3A_767, %gt3A_768 : vector<8x128xi1>
      %or3A_770 = arith.ori %gt3A_766, %and3A_769 : vector<8x128xi1>
      %select_n3A_771 = arith.select %or3A_770, %select_n3A_743, %select_n3A_757 : vector<8x128xi1>, vector<8x128xf32>
      %select_n3A_772 = arith.select %or3A_770, %select_n3A_744, %select_n3A_758 : vector<8x128xi1>, vector<8x128xf32>
      %gt3A_773 = arith.cmpf ogt, %select_n3A_750, %select_n3A_764 : vector<8x128xf32>
      %eq3A_774 = arith.cmpf oeq, %select_n3A_750, %select_n3A_764 : vector<8x128xf32>
      %gt3A_775 = arith.cmpf ogt, %select_n3A_751, %select_n3A_765 : vector<8x128xf32>
      %and3A_776 = arith.andi %eq3A_774, %gt3A_775 : vector<8x128xi1>
      %or3A_777 = arith.ori %gt3A_773, %and3A_776 : vector<8x128xi1>
      %select_n3A_778 = arith.select %or3A_777, %select_n3A_750, %select_n3A_764 : vector<8x128xi1>, vector<8x128xf32>
      %select_n3A_779 = arith.select %or3A_777, %select_n3A_751, %select_n3A_765 : vector<8x128xi1>, vector<8x128xf32>
      %gt3A_780 = arith.cmpf ogt, %select_n3A_771, %select_n3A_778 : vector<8x128xf32>
      %eq3A_781 = arith.cmpf oeq, %select_n3A_771, %select_n3A_778 : vector<8x128xf32>
      %gt3A_782 = arith.cmpf ogt, %select_n3A_772, %select_n3A_779 : vector<8x128xf32>
      %and3A_783 = arith.andi %eq3A_781, %gt3A_782 : vector<8x128xi1>
      %or3A_784 = arith.ori %gt3A_780, %and3A_783 : vector<8x128xi1>
      %select_n3A_785 = arith.select %or3A_784, %select_n3A_771, %select_n3A_778 : vector<8x128xi1>, vector<8x128xf32>
      %select_n3A_786 = arith.select %or3A_784, %select_n3A_772, %select_n3A_779 : vector<8x128xi1>, vector<8x128xf32>
      %reduce_max3A_787 = arith.constant dense<0xFF800000> : vector<8xf32>
      %reduce_max3A_788 = vector.multi_reduction <maximumf>, %select_n3A_785, %reduce_max3A_787 [1] : vector<8x128xf32> to vector<8xf32>
      %broadcast_in_dim3A_789 = vector.shape_cast %reduce_max3A_788 : vector<8xf32> to vector<8x1xf32>
      %eq3A_790 = vector.broadcast %broadcast_in_dim3A_789 : vector<8x1xf32> to vector<8x128xf32>
      %eq3A_791 = arith.cmpf oeq, %select_n3A_785, %eq3A_790 : vector<8x128xf32>
      %jit3A_792 = arith.constant -1.000000e+00 : f32
      %broadcast_in_dim3A_793 = vector.broadcast %jit3A_792 : f32 to vector<8x128xf32>
      %select_n3A_794 = arith.select %eq3A_791, %select_n3A_786, %broadcast_in_dim3A_793 : vector<8x128xi1>, vector<8x128xf32>
      %reduce_max3A_795 = arith.constant dense<0xFF800000> : vector<8xf32>
      %reduce_max3A_796 = vector.multi_reduction <maximumf>, %select_n3A_794, %reduce_max3A_795 [1] : vector<8x128xf32> to vector<8xf32>
      %broadcast_in_dim3A_797 = vector.shape_cast %reduce_max3A_796 : vector<8xf32> to vector<8x1xf32>
      %sub3A_798 = arith.constant 4.095000e+03 : f32
      %sub3A_799 = vector.broadcast %sub3A_798 : f32 to vector<8x1xf32>
      %sub3A_800 = arith.subf %sub3A_799, %broadcast_in_dim3A_797 : vector<8x1xf32>
      %convert_element_type3A_801 = arith.fptosi %sub3A_800 : vector<8x1xf32> to vector<8x1xi32>
      %slice3A_802 = vector.extract_strided_slice %broadcast_in_dim3A_789 {offsets = [0, 0], sizes = [1, 1], strides = [1, 1]} : vector<8x1xf32> to vector<1x1xf32>
      %squeeze3A_803 = vector.extract %slice3A_802[0, 0] : f32 from vector<1x1xf32>
      %slice3A_804 = vector.extract_strided_slice %broadcast_in_dim3A_789 {offsets = [4, 0], sizes = [1, 1], strides = [1, 1]} : vector<8x1xf32> to vector<1x1xf32>
      %squeeze3A_805 = vector.extract %slice3A_804[0, 0] : f32 from vector<1x1xf32>
      %ge3A_806 = arith.cmpf oge, %squeeze3A_803, %squeeze3A_805 : f32
      %slice3A_807 = vector.extract_strided_slice %convert_element_type3A_801 {offsets = [0, 0], sizes = [1, 1], strides = [1, 1]} : vector<8x1xi32> to vector<1x1xi32>
      %squeeze3A_808 = vector.extract %slice3A_807[0, 0] : i32 from vector<1x1xi32>
      %slice3A_809 = vector.extract_strided_slice %convert_element_type3A_801 {offsets = [4, 0], sizes = [1, 1], strides = [1, 1]} : vector<8x1xi32> to vector<1x1xi32>
      %squeeze3A_810 = vector.extract %slice3A_809[0, 0] : i32 from vector<1x1xi32>
      %select_n3A_811 = arith.select %ge3A_806, %squeeze3A_808, %squeeze3A_810 : i32
      %slice3A_812 = vector.extract_strided_slice %broadcast_in_dim3A_789 {offsets = [1, 0], sizes = [1, 1], strides = [1, 1]} : vector<8x1xf32> to vector<1x1xf32>
      %squeeze3A_813 = vector.extract %slice3A_812[0, 0] : f32 from vector<1x1xf32>
      %slice3A_814 = vector.extract_strided_slice %broadcast_in_dim3A_789 {offsets = [5, 0], sizes = [1, 1], strides = [1, 1]} : vector<8x1xf32> to vector<1x1xf32>
      %squeeze3A_815 = vector.extract %slice3A_814[0, 0] : f32 from vector<1x1xf32>
      %ge3A_816 = arith.cmpf oge, %squeeze3A_813, %squeeze3A_815 : f32
      %slice3A_817 = vector.extract_strided_slice %convert_element_type3A_801 {offsets = [1, 0], sizes = [1, 1], strides = [1, 1]} : vector<8x1xi32> to vector<1x1xi32>
      %squeeze3A_818 = vector.extract %slice3A_817[0, 0] : i32 from vector<1x1xi32>
      %slice3A_819 = vector.extract_strided_slice %convert_element_type3A_801 {offsets = [5, 0], sizes = [1, 1], strides = [1, 1]} : vector<8x1xi32> to vector<1x1xi32>
      %squeeze3A_820 = vector.extract %slice3A_819[0, 0] : i32 from vector<1x1xi32>
      %select_n3A_821 = arith.select %ge3A_816, %squeeze3A_818, %squeeze3A_820 : i32
      %slice3A_822 = vector.extract_strided_slice %broadcast_in_dim3A_789 {offsets = [2, 0], sizes = [1, 1], strides = [1, 1]} : vector<8x1xf32> to vector<1x1xf32>
      %squeeze3A_823 = vector.extract %slice3A_822[0, 0] : f32 from vector<1x1xf32>
      %slice3A_824 = vector.extract_strided_slice %broadcast_in_dim3A_789 {offsets = [6, 0], sizes = [1, 1], strides = [1, 1]} : vector<8x1xf32> to vector<1x1xf32>
      %squeeze3A_825 = vector.extract %slice3A_824[0, 0] : f32 from vector<1x1xf32>
      %ge3A_826 = arith.cmpf oge, %squeeze3A_823, %squeeze3A_825 : f32
      %slice3A_827 = vector.extract_strided_slice %convert_element_type3A_801 {offsets = [2, 0], sizes = [1, 1], strides = [1, 1]} : vector<8x1xi32> to vector<1x1xi32>
      %squeeze3A_828 = vector.extract %slice3A_827[0, 0] : i32 from vector<1x1xi32>
      %slice3A_829 = vector.extract_strided_slice %convert_element_type3A_801 {offsets = [6, 0], sizes = [1, 1], strides = [1, 1]} : vector<8x1xi32> to vector<1x1xi32>
      %squeeze3A_830 = vector.extract %slice3A_829[0, 0] : i32 from vector<1x1xi32>
      %select_n3A_831 = arith.select %ge3A_826, %squeeze3A_828, %squeeze3A_830 : i32
      %slice3A_832 = vector.extract_strided_slice %broadcast_in_dim3A_789 {offsets = [3, 0], sizes = [1, 1], strides = [1, 1]} : vector<8x1xf32> to vector<1x1xf32>
      %squeeze3A_833 = vector.extract %slice3A_832[0, 0] : f32 from vector<1x1xf32>
      %slice3A_834 = vector.extract_strided_slice %broadcast_in_dim3A_789 {offsets = [7, 0], sizes = [1, 1], strides = [1, 1]} : vector<8x1xf32> to vector<1x1xf32>
      %squeeze3A_835 = vector.extract %slice3A_834[0, 0] : f32 from vector<1x1xf32>
      %ge3A_836 = arith.cmpf oge, %squeeze3A_833, %squeeze3A_835 : f32
      %slice3A_837 = vector.extract_strided_slice %convert_element_type3A_801 {offsets = [3, 0], sizes = [1, 1], strides = [1, 1]} : vector<8x1xi32> to vector<1x1xi32>
      %squeeze3A_838 = vector.extract %slice3A_837[0, 0] : i32 from vector<1x1xi32>
      %slice3A_839 = vector.extract_strided_slice %convert_element_type3A_801 {offsets = [7, 0], sizes = [1, 1], strides = [1, 1]} : vector<8x1xi32> to vector<1x1xi32>
      %squeeze3A_840 = vector.extract %slice3A_839[0, 0] : i32 from vector<1x1xi32>
      %select_n3A_841 = arith.select %ge3A_836, %squeeze3A_838, %squeeze3A_840 : i32
      %get3A_842 = arith.constant 0 : index
      %get3A_843 = arith.constant 0 : index
      %get3A_844 = arith.index_cast %select_n3A_811 : i32 to index
      %get3A_845 = memref.load %arg2[%get3A_842, %get3A_843, %get3A_844] : memref<3x4x4096xf32, #tpu.memory_space<smem>>
      %get3A_846 = arith.constant 0 : index
      %get3A_847 = arith.constant 1 : index
      %get3A_848 = arith.index_cast %select_n3A_821 : i32 to index
      %get3A_849 = memref.load %arg2[%get3A_846, %get3A_847, %get3A_848] : memref<3x4x4096xf32, #tpu.memory_space<smem>>
      %get3A_850 = arith.constant 0 : index
      %get3A_851 = arith.constant 2 : index
      %get3A_852 = arith.index_cast %select_n3A_831 : i32 to index
      %get3A_853 = memref.load %arg2[%get3A_850, %get3A_851, %get3A_852] : memref<3x4x4096xf32, #tpu.memory_space<smem>>
      %get3A_854 = arith.constant 0 : index
      %get3A_855 = arith.constant 3 : index
      %get3A_856 = arith.index_cast %select_n3A_841 : i32 to index
      %get3A_857 = memref.load %arg2[%get3A_854, %get3A_855, %get3A_856] : memref<3x4x4096xf32, #tpu.memory_space<smem>>
      %broadcast_in_dim3A_858 = vector.broadcast %get3A_853 : f32 to vector<8x2048xf32>
      %broadcast_in_dim3A_859 = vector.broadcast %get3A_857 : f32 to vector<8x2048xf32>
      %select_n3A_860 = arith.select %eq3A_43, %broadcast_in_dim3A_858, %broadcast_in_dim3A_859 : vector<8x2048xi1>, vector<8x2048xf32>
      %broadcast_in_dim3A_861 = vector.broadcast %get3A_849 : f32 to vector<8x2048xf32>
      %select_n3A_862 = arith.select %eq3A_37, %broadcast_in_dim3A_861, %select_n3A_860 : vector<8x2048xi1>, vector<8x2048xf32>
      %broadcast_in_dim3A_863 = vector.broadcast %get3A_845 : f32 to vector<8x2048xf32>
      %select_n3A_864 = arith.select %eq3A_31, %broadcast_in_dim3A_863, %select_n3A_862 : vector<8x2048xi1>, vector<8x2048xf32>
      %get3A_865 = arith.constant 1 : index
      %get3A_866 = arith.constant 0 : index
      %get3A_867 = arith.index_cast %select_n3A_811 : i32 to index
      %get3A_868 = memref.load %arg2[%get3A_865, %get3A_866, %get3A_867] : memref<3x4x4096xf32, #tpu.memory_space<smem>>
      %get3A_869 = arith.constant 1 : index
      %get3A_870 = arith.constant 1 : index
      %get3A_871 = arith.index_cast %select_n3A_821 : i32 to index
      %get3A_872 = memref.load %arg2[%get3A_869, %get3A_870, %get3A_871] : memref<3x4x4096xf32, #tpu.memory_space<smem>>
      %get3A_873 = arith.constant 1 : index
      %get3A_874 = arith.constant 2 : index
      %get3A_875 = arith.index_cast %select_n3A_831 : i32 to index
      %get3A_876 = memref.load %arg2[%get3A_873, %get3A_874, %get3A_875] : memref<3x4x4096xf32, #tpu.memory_space<smem>>
      %get3A_877 = arith.constant 1 : index
      %get3A_878 = arith.constant 3 : index
      %get3A_879 = arith.index_cast %select_n3A_841 : i32 to index
      %get3A_880 = memref.load %arg2[%get3A_877, %get3A_878, %get3A_879] : memref<3x4x4096xf32, #tpu.memory_space<smem>>
      %broadcast_in_dim3A_881 = vector.broadcast %get3A_876 : f32 to vector<8x2048xf32>
      %broadcast_in_dim3A_882 = vector.broadcast %get3A_880 : f32 to vector<8x2048xf32>
      %select_n3A_883 = arith.select %eq3A_43, %broadcast_in_dim3A_881, %broadcast_in_dim3A_882 : vector<8x2048xi1>, vector<8x2048xf32>
      %broadcast_in_dim3A_884 = vector.broadcast %get3A_872 : f32 to vector<8x2048xf32>
      %select_n3A_885 = arith.select %eq3A_37, %broadcast_in_dim3A_884, %select_n3A_883 : vector<8x2048xi1>, vector<8x2048xf32>
      %broadcast_in_dim3A_886 = vector.broadcast %get3A_868 : f32 to vector<8x2048xf32>
      %select_n3A_887 = arith.select %eq3A_31, %broadcast_in_dim3A_886, %select_n3A_885 : vector<8x2048xi1>, vector<8x2048xf32>
      %get3A_888 = arith.constant 2 : index
      %get3A_889 = arith.constant 0 : index
      %get3A_890 = arith.index_cast %select_n3A_811 : i32 to index
      %get3A_891 = memref.load %arg2[%get3A_888, %get3A_889, %get3A_890] : memref<3x4x4096xf32, #tpu.memory_space<smem>>
      %get3A_892 = arith.constant 2 : index
      %get3A_893 = arith.constant 1 : index
      %get3A_894 = arith.index_cast %select_n3A_821 : i32 to index
      %get3A_895 = memref.load %arg2[%get3A_892, %get3A_893, %get3A_894] : memref<3x4x4096xf32, #tpu.memory_space<smem>>
      %get3A_896 = arith.constant 2 : index
      %get3A_897 = arith.constant 2 : index
      %get3A_898 = arith.index_cast %select_n3A_831 : i32 to index
      %get3A_899 = memref.load %arg2[%get3A_896, %get3A_897, %get3A_898] : memref<3x4x4096xf32, #tpu.memory_space<smem>>
      %get3A_900 = arith.constant 2 : index
      %get3A_901 = arith.constant 3 : index
      %get3A_902 = arith.index_cast %select_n3A_841 : i32 to index
      %get3A_903 = memref.load %arg2[%get3A_900, %get3A_901, %get3A_902] : memref<3x4x4096xf32, #tpu.memory_space<smem>>
      %broadcast_in_dim3A_904 = vector.broadcast %get3A_899 : f32 to vector<8x2048xf32>
      %broadcast_in_dim3A_905 = vector.broadcast %get3A_903 : f32 to vector<8x2048xf32>
      %select_n3A_906 = arith.select %eq3A_43, %broadcast_in_dim3A_904, %broadcast_in_dim3A_905 : vector<8x2048xi1>, vector<8x2048xf32>
      %broadcast_in_dim3A_907 = vector.broadcast %get3A_895 : f32 to vector<8x2048xf32>
      %select_n3A_908 = arith.select %eq3A_37, %broadcast_in_dim3A_907, %select_n3A_906 : vector<8x2048xi1>, vector<8x2048xf32>
      %broadcast_in_dim3A_909 = vector.broadcast %get3A_891 : f32 to vector<8x2048xf32>
      %select_n3A_910 = arith.select %eq3A_31, %broadcast_in_dim3A_909, %select_n3A_908 : vector<8x2048xi1>, vector<8x2048xf32>
      %broadcast_in_dim3A_911 = vector.broadcast %select_n3A_831 : i32 to vector<8x2048xi32>
      %broadcast_in_dim3A_912 = vector.broadcast %select_n3A_841 : i32 to vector<8x2048xi32>
      %select_n3A_913 = arith.select %eq3A_43, %broadcast_in_dim3A_911, %broadcast_in_dim3A_912 : vector<8x2048xi1>, vector<8x2048xi32>
      %broadcast_in_dim3A_914 = vector.broadcast %select_n3A_821 : i32 to vector<8x2048xi32>
      %select_n3A_915 = arith.select %eq3A_37, %broadcast_in_dim3A_914, %select_n3A_913 : vector<8x2048xi1>, vector<8x2048xi32>
      %broadcast_in_dim3A_916 = vector.broadcast %select_n3A_811 : i32 to vector<8x2048xi32>
      %select_n3A_917 = arith.select %eq3A_31, %broadcast_in_dim3A_916, %select_n3A_915 : vector<8x2048xi1>, vector<8x2048xi32>
      %sub3A_918 = arith.subf %get3A_3, %select_n3A_864 : vector<8x2048xf32>
      %sub3A_919 = arith.subf %get3A_8, %select_n3A_887 : vector<8x2048xf32>
      %sub3A_920 = arith.subf %get3A_13, %select_n3A_910 : vector<8x2048xf32>
      %mul3A_921 = arith.mulf %sub3A_918, %sub3A_918 : vector<8x2048xf32>
      %mul3A_922 = arith.mulf %sub3A_919, %sub3A_919 : vector<8x2048xf32>
      %add3A_923 = arith.addf %mul3A_921, %mul3A_922 : vector<8x2048xf32>
      %mul3A_924 = arith.mulf %sub3A_920, %sub3A_920 : vector<8x2048xf32>
      %add3A_925 = arith.addf %add3A_923, %mul3A_924 : vector<8x2048xf32>
      %add3A_926 = arith.constant 9.99999996E-13 : f32
      %add3A_927 = vector.broadcast %add3A_926 : f32 to vector<8x2048xf32>
      %add3A_928 = arith.addf %add3A_925, %add3A_927 : vector<8x2048xf32>
      %sqrt3A_929 = math.sqrt %add3A_928 : vector<8x2048xf32>
      %eq3A_930 = vector.broadcast %scan3A_665 : i32 to vector<8x1024xi32>
      %eq3A_931 = arith.cmpi eq, %iota3A_19, %eq3A_930 : vector<8x1024xi32>
      %slice3A_932 = vector.extract_strided_slice %select_n3A_917 {offsets = [0, 0], sizes = [8, 1024], strides = [1, 1]} : vector<8x2048xi32> to vector<8x1024xi32>
      %add3A_933 = arith.addi %slice3A_932, %mul3A_24 : vector<8x1024xi32>
      %get3A_934 = arith.constant 0 : index
      %get3A_935 = arith.constant 0 : index
      %get3A_936 = vector.load %arg3[%get3A_934, %get3A_935] : memref<8x1024xi32, #tpu.memory_space<vmem>>, vector<8x1024xi32>
      %select_n3A_937 = arith.select %eq3A_931, %add3A_933, %get3A_936 : vector<8x1024xi1>, vector<8x1024xi32>
      %swap3A_938 = arith.constant 0 : index
      %swap3A_939 = arith.constant 0 : index
      %swap3A_940 = vector.load %arg3[%swap3A_938, %swap3A_939] : memref<8x1024xi32, #tpu.memory_space<vmem>>, vector<8x1024xi32>
      tpu.vector_store %arg3[%swap3A_938, %swap3A_939], %select_n3A_937 {strides = array<i32>} : memref<8x1024xi32, #tpu.memory_space<vmem>>, vector<8x1024xi32>,
      %slice3A_941 = vector.extract_strided_slice %select_n3A_864 {offsets = [0, 0], sizes = [8, 1024], strides = [1, 1]} : vector<8x2048xf32> to vector<8x1024xf32>
      %get3A_942 = arith.constant 0 : index
      %get3A_943 = arith.constant 0 : index
      %get3A_944 = vector.load %arg4[%get3A_942, %get3A_943] : memref<8x1024xf32, #tpu.memory_space<vmem>>, vector<8x1024xf32>
      %select_n3A_945 = arith.select %eq3A_931, %slice3A_941, %get3A_944 : vector<8x1024xi1>, vector<8x1024xf32>
      %swap3A_946 = arith.constant 0 : index
      %swap3A_947 = arith.constant 0 : index
      %swap3A_948 = vector.load %arg4[%swap3A_946, %swap3A_947] : memref<8x1024xf32, #tpu.memory_space<vmem>>, vector<8x1024xf32>
      tpu.vector_store %arg4[%swap3A_946, %swap3A_947], %select_n3A_945 {strides = array<i32>} : memref<8x1024xf32, #tpu.memory_space<vmem>>, vector<8x1024xf32>,
      %slice3A_949 = vector.extract_strided_slice %select_n3A_887 {offsets = [0, 0], sizes = [8, 1024], strides = [1, 1]} : vector<8x2048xf32> to vector<8x1024xf32>
      %get3A_950 = arith.constant 0 : index
      %get3A_951 = arith.constant 0 : index
      %get3A_952 = vector.load %arg5[%get3A_950, %get3A_951] : memref<8x1024xf32, #tpu.memory_space<vmem>>, vector<8x1024xf32>
      %select_n3A_953 = arith.select %eq3A_931, %slice3A_949, %get3A_952 : vector<8x1024xi1>, vector<8x1024xf32>
      %swap3A_954 = arith.constant 0 : index
      %swap3A_955 = arith.constant 0 : index
      %swap3A_956 = vector.load %arg5[%swap3A_954, %swap3A_955] : memref<8x1024xf32, #tpu.memory_space<vmem>>, vector<8x1024xf32>
      tpu.vector_store %arg5[%swap3A_954, %swap3A_955], %select_n3A_953 {strides = array<i32>} : memref<8x1024xf32, #tpu.memory_space<vmem>>, vector<8x1024xf32>,
      %slice3A_957 = vector.extract_strided_slice %select_n3A_910 {offsets = [0, 0], sizes = [8, 1024], strides = [1, 1]} : vector<8x2048xf32> to vector<8x1024xf32>
      %get3A_958 = arith.constant 0 : index
      %get3A_959 = arith.constant 0 : index
      %get3A_960 = vector.load %arg6[%get3A_958, %get3A_959] : memref<8x1024xf32, #tpu.memory_space<vmem>>, vector<8x1024xf32>
      %select_n3A_961 = arith.select %eq3A_931, %slice3A_957, %get3A_960 : vector<8x1024xi1>, vector<8x1024xf32>
      %swap3A_962 = arith.constant 0 : index
      %swap3A_963 = arith.constant 0 : index
      %swap3A_964 = vector.load %arg6[%swap3A_962, %swap3A_963] : memref<8x1024xf32, #tpu.memory_space<vmem>>, vector<8x1024xf32>
      tpu.vector_store %arg6[%swap3A_962, %swap3A_963], %select_n3A_961 {strides = array<i32>} : memref<8x1024xf32, #tpu.memory_space<vmem>>, vector<8x1024xf32>,
      %min3A_965 = arith.minimumf %min3A_663, %sqrt3A_929 : vector<8x2048xf32>
      %scan3A_966 = arith.constant 3 : i32
      %scan3A_967 = arith.addi %scan3A_67, %scan3A_966 : i32
      %slice3A_968 = vector.extract_strided_slice %min3A_965 {offsets = [0, 0], sizes = [8, 128], strides = [1, 1]} : vector<8x2048xf32> to vector<8x128xf32>
      %slice3A_969 = vector.extract_strided_slice %min3A_965 {offsets = [0, 128], sizes = [8, 128], strides = [1, 1]} : vector<8x2048xf32> to vector<8x128xf32>
      %slice3A_970 = vector.extract_strided_slice %min3A_965 {offsets = [0, 256], sizes = [8, 128], strides = [1, 1]} : vector<8x2048xf32> to vector<8x128xf32>
      %slice3A_971 = vector.extract_strided_slice %min3A_965 {offsets = [0, 384], sizes = [8, 128], strides = [1, 1]} : vector<8x2048xf32> to vector<8x128xf32>
      %slice3A_972 = vector.extract_strided_slice %min3A_965 {offsets = [0, 512], sizes = [8, 128], strides = [1, 1]} : vector<8x2048xf32> to vector<8x128xf32>
      %slice3A_973 = vector.extract_strided_slice %min3A_965 {offsets = [0, 640], sizes = [8, 128], strides = [1, 1]} : vector<8x2048xf32> to vector<8x128xf32>
      %slice3A_974 = vector.extract_strided_slice %min3A_965 {offsets = [0, 768], sizes = [8, 128], strides = [1, 1]} : vector<8x2048xf32> to vector<8x128xf32>
      %slice3A_975 = vector.extract_strided_slice %min3A_965 {offsets = [0, 896], sizes = [8, 128], strides = [1, 1]} : vector<8x2048xf32> to vector<8x128xf32>
      %slice3A_976 = vector.extract_strided_slice %min3A_965 {offsets = [0, 1024], sizes = [8, 128], strides = [1, 1]} : vector<8x2048xf32> to vector<8x128xf32>
      %slice3A_977 = vector.extract_strided_slice %min3A_965 {offsets = [0, 1152], sizes = [8, 128], strides = [1, 1]} : vector<8x2048xf32> to vector<8x128xf32>
      %slice3A_978 = vector.extract_strided_slice %min3A_965 {offsets = [0, 1280], sizes = [8, 128], strides = [1, 1]} : vector<8x2048xf32> to vector<8x128xf32>
      %slice3A_979 = vector.extract_strided_slice %min3A_965 {offsets = [0, 1408], sizes = [8, 128], strides = [1, 1]} : vector<8x2048xf32> to vector<8x128xf32>
      %slice3A_980 = vector.extract_strided_slice %min3A_965 {offsets = [0, 1536], sizes = [8, 128], strides = [1, 1]} : vector<8x2048xf32> to vector<8x128xf32>
      %slice3A_981 = vector.extract_strided_slice %min3A_965 {offsets = [0, 1664], sizes = [8, 128], strides = [1, 1]} : vector<8x2048xf32> to vector<8x128xf32>
      %slice3A_982 = vector.extract_strided_slice %min3A_965 {offsets = [0, 1792], sizes = [8, 128], strides = [1, 1]} : vector<8x2048xf32> to vector<8x128xf32>
      %slice3A_983 = vector.extract_strided_slice %min3A_965 {offsets = [0, 1920], sizes = [8, 128], strides = [1, 1]} : vector<8x2048xf32> to vector<8x128xf32>
      %gt3A_984 = arith.cmpf ogt, %slice3A_968, %slice3A_976 : vector<8x128xf32>
      %eq3A_985 = arith.cmpf oeq, %slice3A_968, %slice3A_976 : vector<8x128xf32>
      %gt3A_986 = arith.cmpf ogt, %slice3A, %slice3A_51 : vector<8x128xf32>
      %and3A_987 = arith.andi %eq3A_985, %gt3A_986 : vector<8x128xi1>
      %or3A_988 = arith.ori %gt3A_984, %and3A_987 : vector<8x128xi1>
      %select_n3A_989 = arith.select %or3A_988, %slice3A_968, %slice3A_976 : vector<8x128xi1>, vector<8x128xf32>
      %select_n3A_990 = arith.select %or3A_988, %slice3A, %slice3A_51 : vector<8x128xi1>, vector<8x128xf32>
      %gt3A_991 = arith.cmpf ogt, %slice3A_969, %slice3A_977 : vector<8x128xf32>
      %eq3A_992 = arith.cmpf oeq, %slice3A_969, %slice3A_977 : vector<8x128xf32>
      %gt3A_993 = arith.cmpf ogt, %slice3A_44, %slice3A_52 : vector<8x128xf32>
      %and3A_994 = arith.andi %eq3A_992, %gt3A_993 : vector<8x128xi1>
      %or3A_995 = arith.ori %gt3A_991, %and3A_994 : vector<8x128xi1>
      %select_n3A_996 = arith.select %or3A_995, %slice3A_969, %slice3A_977 : vector<8x128xi1>, vector<8x128xf32>
      %select_n3A_997 = arith.select %or3A_995, %slice3A_44, %slice3A_52 : vector<8x128xi1>, vector<8x128xf32>
      %gt3A_998 = arith.cmpf ogt, %slice3A_970, %slice3A_978 : vector<8x128xf32>
      %eq3A_999 = arith.cmpf oeq, %slice3A_970, %slice3A_978 : vector<8x128xf32>
      %gt3A_1000 = arith.cmpf ogt, %slice3A_45, %slice3A_53 : vector<8x128xf32>
      %and3A_1001 = arith.andi %eq3A_999, %gt3A_1000 : vector<8x128xi1>
      %or3A_1002 = arith.ori %gt3A_998, %and3A_1001 : vector<8x128xi1>
      %select_n3A_1003 = arith.select %or3A_1002, %slice3A_970, %slice3A_978 : vector<8x128xi1>, vector<8x128xf32>
      %select_n3A_1004 = arith.select %or3A_1002, %slice3A_45, %slice3A_53 : vector<8x128xi1>, vector<8x128xf32>
      %gt3A_1005 = arith.cmpf ogt, %slice3A_971, %slice3A_979 : vector<8x128xf32>
      %eq3A_1006 = arith.cmpf oeq, %slice3A_971, %slice3A_979 : vector<8x128xf32>
      %gt3A_1007 = arith.cmpf ogt, %slice3A_46, %slice3A_54 : vector<8x128xf32>
      %and3A_1008 = arith.andi %eq3A_1006, %gt3A_1007 : vector<8x128xi1>
      %or3A_1009 = arith.ori %gt3A_1005, %and3A_1008 : vector<8x128xi1>
      %select_n3A_1010 = arith.select %or3A_1009, %slice3A_971, %slice3A_979 : vector<8x128xi1>, vector<8x128xf32>
      %select_n3A_1011 = arith.select %or3A_1009, %slice3A_46, %slice3A_54 : vector<8x128xi1>, vector<8x128xf32>
      %gt3A_1012 = arith.cmpf ogt, %slice3A_972, %slice3A_980 : vector<8x128xf32>
      %eq3A_1013 = arith.cmpf oeq, %slice3A_972, %slice3A_980 : vector<8x128xf32>
      %gt3A_1014 = arith.cmpf ogt, %slice3A_47, %slice3A_55 : vector<8x128xf32>
      %and3A_1015 = arith.andi %eq3A_1013, %gt3A_1014 : vector<8x128xi1>
      %or3A_1016 = arith.ori %gt3A_1012, %and3A_1015 : vector<8x128xi1>
      %select_n3A_1017 = arith.select %or3A_1016, %slice3A_972, %slice3A_980 : vector<8x128xi1>, vector<8x128xf32>
      %select_n3A_1018 = arith.select %or3A_1016, %slice3A_47, %slice3A_55 : vector<8x128xi1>, vector<8x128xf32>
      %gt3A_1019 = arith.cmpf ogt, %slice3A_973, %slice3A_981 : vector<8x128xf32>
      %eq3A_1020 = arith.cmpf oeq, %slice3A_973, %slice3A_981 : vector<8x128xf32>
      %gt3A_1021 = arith.cmpf ogt, %slice3A_48, %slice3A_56 : vector<8x128xf32>
      %and3A_1022 = arith.andi %eq3A_1020, %gt3A_1021 : vector<8x128xi1>
      %or3A_1023 = arith.ori %gt3A_1019, %and3A_1022 : vector<8x128xi1>
      %select_n3A_1024 = arith.select %or3A_1023, %slice3A_973, %slice3A_981 : vector<8x128xi1>, vector<8x128xf32>
      %select_n3A_1025 = arith.select %or3A_1023, %slice3A_48, %slice3A_56 : vector<8x128xi1>, vector<8x128xf32>
      %gt3A_1026 = arith.cmpf ogt, %slice3A_974, %slice3A_982 : vector<8x128xf32>
      %eq3A_1027 = arith.cmpf oeq, %slice3A_974, %slice3A_982 : vector<8x128xf32>
      %gt3A_1028 = arith.cmpf ogt, %slice3A_49, %slice3A_57 : vector<8x128xf32>
      %and3A_1029 = arith.andi %eq3A_1027, %gt3A_1028 : vector<8x128xi1>
      %or3A_1030 = arith.ori %gt3A_1026, %and3A_1029 : vector<8x128xi1>
      %select_n3A_1031 = arith.select %or3A_1030, %slice3A_974, %slice3A_982 : vector<8x128xi1>, vector<8x128xf32>
      %select_n3A_1032 = arith.select %or3A_1030, %slice3A_49, %slice3A_57 : vector<8x128xi1>, vector<8x128xf32>
      %gt3A_1033 = arith.cmpf ogt, %slice3A_975, %slice3A_983 : vector<8x128xf32>
      %eq3A_1034 = arith.cmpf oeq, %slice3A_975, %slice3A_983 : vector<8x128xf32>
      %gt3A_1035 = arith.cmpf ogt, %slice3A_50, %slice3A_58 : vector<8x128xf32>
      %and3A_1036 = arith.andi %eq3A_1034, %gt3A_1035 : vector<8x128xi1>
      %or3A_1037 = arith.ori %gt3A_1033, %and3A_1036 : vector<8x128xi1>
      %select_n3A_1038 = arith.select %or3A_1037, %slice3A_975, %slice3A_983 : vector<8x128xi1>, vector<8x128xf32>
      %select_n3A_1039 = arith.select %or3A_1037, %slice3A_50, %slice3A_58 : vector<8x128xi1>, vector<8x128xf32>
      %gt3A_1040 = arith.cmpf ogt, %select_n3A_989, %select_n3A_1017 : vector<8x128xf32>
      %eq3A_1041 = arith.cmpf oeq, %select_n3A_989, %select_n3A_1017 : vector<8x128xf32>
      %gt3A_1042 = arith.cmpf ogt, %select_n3A_990, %select_n3A_1018 : vector<8x128xf32>
      %and3A_1043 = arith.andi %eq3A_1041, %gt3A_1042 : vector<8x128xi1>
      %or3A_1044 = arith.ori %gt3A_1040, %and3A_1043 : vector<8x128xi1>
      %select_n3A_1045 = arith.select %or3A_1044, %select_n3A_989, %select_n3A_1017 : vector<8x128xi1>, vector<8x128xf32>
      %select_n3A_1046 = arith.select %or3A_1044, %select_n3A_990, %select_n3A_1018 : vector<8x128xi1>, vector<8x128xf32>
      %gt3A_1047 = arith.cmpf ogt, %select_n3A_996, %select_n3A_1024 : vector<8x128xf32>
      %eq3A_1048 = arith.cmpf oeq, %select_n3A_996, %select_n3A_1024 : vector<8x128xf32>
      %gt3A_1049 = arith.cmpf ogt, %select_n3A_997, %select_n3A_1025 : vector<8x128xf32>
      %and3A_1050 = arith.andi %eq3A_1048, %gt3A_1049 : vector<8x128xi1>
      %or3A_1051 = arith.ori %gt3A_1047, %and3A_1050 : vector<8x128xi1>
      %select_n3A_1052 = arith.select %or3A_1051, %select_n3A_996, %select_n3A_1024 : vector<8x128xi1>, vector<8x128xf32>
      %select_n3A_1053 = arith.select %or3A_1051, %select_n3A_997, %select_n3A_1025 : vector<8x128xi1>, vector<8x128xf32>
      %gt3A_1054 = arith.cmpf ogt, %select_n3A_1003, %select_n3A_1031 : vector<8x128xf32>
      %eq3A_1055 = arith.cmpf oeq, %select_n3A_1003, %select_n3A_1031 : vector<8x128xf32>
      %gt3A_1056 = arith.cmpf ogt, %select_n3A_1004, %select_n3A_1032 : vector<8x128xf32>
      %and3A_1057 = arith.andi %eq3A_1055, %gt3A_1056 : vector<8x128xi1>
      %or3A_1058 = arith.ori %gt3A_1054, %and3A_1057 : vector<8x128xi1>
      %select_n3A_1059 = arith.select %or3A_1058, %select_n3A_1003, %select_n3A_1031 : vector<8x128xi1>, vector<8x128xf32>
      %select_n3A_1060 = arith.select %or3A_1058, %select_n3A_1004, %select_n3A_1032 : vector<8x128xi1>, vector<8x128xf32>
      %gt3A_1061 = arith.cmpf ogt, %select_n3A_1010, %select_n3A_1038 : vector<8x128xf32>
      %eq3A_1062 = arith.cmpf oeq, %select_n3A_1010, %select_n3A_1038 : vector<8x128xf32>
      %gt3A_1063 = arith.cmpf ogt, %select_n3A_1011, %select_n3A_1039 : vector<8x128xf32>
      %and3A_1064 = arith.andi %eq3A_1062, %gt3A_1063 : vector<8x128xi1>
      %or3A_1065 = arith.ori %gt3A_1061, %and3A_1064 : vector<8x128xi1>
      %select_n3A_1066 = arith.select %or3A_1065, %select_n3A_1010, %select_n3A_1038 : vector<8x128xi1>, vector<8x128xf32>
      %select_n3A_1067 = arith.select %or3A_1065, %select_n3A_1011, %select_n3A_1039 : vector<8x128xi1>, vector<8x128xf32>
      %gt3A_1068 = arith.cmpf ogt, %select_n3A_1045, %select_n3A_1059 : vector<8x128xf32>
      %eq3A_1069 = arith.cmpf oeq, %select_n3A_1045, %select_n3A_1059 : vector<8x128xf32>
      %gt3A_1070 = arith.cmpf ogt, %select_n3A_1046, %select_n3A_1060 : vector<8x128xf32>
      %and3A_1071 = arith.andi %eq3A_1069, %gt3A_1070 : vector<8x128xi1>
      %or3A_1072 = arith.ori %gt3A_1068, %and3A_1071 : vector<8x128xi1>
      %select_n3A_1073 = arith.select %or3A_1072, %select_n3A_1045, %select_n3A_1059 : vector<8x128xi1>, vector<8x128xf32>
      %select_n3A_1074 = arith.select %or3A_1072, %select_n3A_1046, %select_n3A_1060 : vector<8x128xi1>, vector<8x128xf32>
      %gt3A_1075 = arith.cmpf ogt, %select_n3A_1052, %select_n3A_1066 : vector<8x128xf32>
      %eq3A_1076 = arith.cmpf oeq, %select_n3A_1052, %select_n3A_1066 : vector<8x128xf32>
      %gt3A_1077 = arith.cmpf ogt, %select_n3A_1053, %select_n3A_1067 : vector<8x128xf32>
      %and3A_1078 = arith.andi %eq3A_1076, %gt3A_1077 : vector<8x128xi1>
      %or3A_1079 = arith.ori %gt3A_1075, %and3A_1078 : vector<8x128xi1>
      %select_n3A_1080 = arith.select %or3A_1079, %select_n3A_1052, %select_n3A_1066 : vector<8x128xi1>, vector<8x128xf32>
      %select_n3A_1081 = arith.select %or3A_1079, %select_n3A_1053, %select_n3A_1067 : vector<8x128xi1>, vector<8x128xf32>
      %gt3A_1082 = arith.cmpf ogt, %select_n3A_1073, %select_n3A_1080 : vector<8x128xf32>
      %eq3A_1083 = arith.cmpf oeq, %select_n3A_1073, %select_n3A_1080 : vector<8x128xf32>
      %gt3A_1084 = arith.cmpf ogt, %select_n3A_1074, %select_n3A_1081 : vector<8x128xf32>
      %and3A_1085 = arith.andi %eq3A_1083, %gt3A_1084 : vector<8x128xi1>
      %or3A_1086 = arith.ori %gt3A_1082, %and3A_1085 : vector<8x128xi1>
      %select_n3A_1087 = arith.select %or3A_1086, %select_n3A_1073, %select_n3A_1080 : vector<8x128xi1>, vector<8x128xf32>
      %select_n3A_1088 = arith.select %or3A_1086, %select_n3A_1074, %select_n3A_1081 : vector<8x128xi1>, vector<8x128xf32>
      %reduce_max3A_1089 = arith.constant dense<0xFF800000> : vector<8xf32>
      %reduce_max3A_1090 = vector.multi_reduction <maximumf>, %select_n3A_1087, %reduce_max3A_1089 [1] : vector<8x128xf32> to vector<8xf32>
      %broadcast_in_dim3A_1091 = vector.shape_cast %reduce_max3A_1090 : vector<8xf32> to vector<8x1xf32>
      %eq3A_1092 = vector.broadcast %broadcast_in_dim3A_1091 : vector<8x1xf32> to vector<8x128xf32>
      %eq3A_1093 = arith.cmpf oeq, %select_n3A_1087, %eq3A_1092 : vector<8x128xf32>
      %jit3A_1094 = arith.constant -1.000000e+00 : f32
      %broadcast_in_dim3A_1095 = vector.broadcast %jit3A_1094 : f32 to vector<8x128xf32>
      %select_n3A_1096 = arith.select %eq3A_1093, %select_n3A_1088, %broadcast_in_dim3A_1095 : vector<8x128xi1>, vector<8x128xf32>
      %reduce_max3A_1097 = arith.constant dense<0xFF800000> : vector<8xf32>
      %reduce_max3A_1098 = vector.multi_reduction <maximumf>, %select_n3A_1096, %reduce_max3A_1097 [1] : vector<8x128xf32> to vector<8xf32>
      %broadcast_in_dim3A_1099 = vector.shape_cast %reduce_max3A_1098 : vector<8xf32> to vector<8x1xf32>
      %sub3A_1100 = arith.constant 4.095000e+03 : f32
      %sub3A_1101 = vector.broadcast %sub3A_1100 : f32 to vector<8x1xf32>
      %sub3A_1102 = arith.subf %sub3A_1101, %broadcast_in_dim3A_1099 : vector<8x1xf32>
      %convert_element_type3A_1103 = arith.fptosi %sub3A_1102 : vector<8x1xf32> to vector<8x1xi32>
      %slice3A_1104 = vector.extract_strided_slice %broadcast_in_dim3A_1091 {offsets = [0, 0], sizes = [1, 1], strides = [1, 1]} : vector<8x1xf32> to vector<1x1xf32>
      %squeeze3A_1105 = vector.extract %slice3A_1104[0, 0] : f32 from vector<1x1xf32>
      %slice3A_1106 = vector.extract_strided_slice %broadcast_in_dim3A_1091 {offsets = [4, 0], sizes = [1, 1], strides = [1, 1]} : vector<8x1xf32> to vector<1x1xf32>
      %squeeze3A_1107 = vector.extract %slice3A_1106[0, 0] : f32 from vector<1x1xf32>
      %ge3A_1108 = arith.cmpf oge, %squeeze3A_1105, %squeeze3A_1107 : f32
      %slice3A_1109 = vector.extract_strided_slice %convert_element_type3A_1103 {offsets = [0, 0], sizes = [1, 1], strides = [1, 1]} : vector<8x1xi32> to vector<1x1xi32>
      %squeeze3A_1110 = vector.extract %slice3A_1109[0, 0] : i32 from vector<1x1xi32>
      %slice3A_1111 = vector.extract_strided_slice %convert_element_type3A_1103 {offsets = [4, 0], sizes = [1, 1], strides = [1, 1]} : vector<8x1xi32> to vector<1x1xi32>
      %squeeze3A_1112 = vector.extract %slice3A_1111[0, 0] : i32 from vector<1x1xi32>
      %select_n3A_1113 = arith.select %ge3A_1108, %squeeze3A_1110, %squeeze3A_1112 : i32
      %slice3A_1114 = vector.extract_strided_slice %broadcast_in_dim3A_1091 {offsets = [1, 0], sizes = [1, 1], strides = [1, 1]} : vector<8x1xf32> to vector<1x1xf32>
      %squeeze3A_1115 = vector.extract %slice3A_1114[0, 0] : f32 from vector<1x1xf32>
      %slice3A_1116 = vector.extract_strided_slice %broadcast_in_dim3A_1091 {offsets = [5, 0], sizes = [1, 1], strides = [1, 1]} : vector<8x1xf32> to vector<1x1xf32>
      %squeeze3A_1117 = vector.extract %slice3A_1116[0, 0] : f32 from vector<1x1xf32>
      %ge3A_1118 = arith.cmpf oge, %squeeze3A_1115, %squeeze3A_1117 : f32
      %slice3A_1119 = vector.extract_strided_slice %convert_element_type3A_1103 {offsets = [1, 0], sizes = [1, 1], strides = [1, 1]} : vector<8x1xi32> to vector<1x1xi32>
      %squeeze3A_1120 = vector.extract %slice3A_1119[0, 0] : i32 from vector<1x1xi32>
      %slice3A_1121 = vector.extract_strided_slice %convert_element_type3A_1103 {offsets = [5, 0], sizes = [1, 1], strides = [1, 1]} : vector<8x1xi32> to vector<1x1xi32>
      %squeeze3A_1122 = vector.extract %slice3A_1121[0, 0] : i32 from vector<1x1xi32>
      %select_n3A_1123 = arith.select %ge3A_1118, %squeeze3A_1120, %squeeze3A_1122 : i32
      %slice3A_1124 = vector.extract_strided_slice %broadcast_in_dim3A_1091 {offsets = [2, 0], sizes = [1, 1], strides = [1, 1]} : vector<8x1xf32> to vector<1x1xf32>
      %squeeze3A_1125 = vector.extract %slice3A_1124[0, 0] : f32 from vector<1x1xf32>
      %slice3A_1126 = vector.extract_strided_slice %broadcast_in_dim3A_1091 {offsets = [6, 0], sizes = [1, 1], strides = [1, 1]} : vector<8x1xf32> to vector<1x1xf32>
      %squeeze3A_1127 = vector.extract %slice3A_1126[0, 0] : f32 from vector<1x1xf32>
      %ge3A_1128 = arith.cmpf oge, %squeeze3A_1125, %squeeze3A_1127 : f32
      %slice3A_1129 = vector.extract_strided_slice %convert_element_type3A_1103 {offsets = [2, 0], sizes = [1, 1], strides = [1, 1]} : vector<8x1xi32> to vector<1x1xi32>
      %squeeze3A_1130 = vector.extract %slice3A_1129[0, 0] : i32 from vector<1x1xi32>
      %slice3A_1131 = vector.extract_strided_slice %convert_element_type3A_1103 {offsets = [6, 0], sizes = [1, 1], strides = [1, 1]} : vector<8x1xi32> to vector<1x1xi32>
      %squeeze3A_1132 = vector.extract %slice3A_1131[0, 0] : i32 from vector<1x1xi32>
      %select_n3A_1133 = arith.select %ge3A_1128, %squeeze3A_1130, %squeeze3A_1132 : i32
      %slice3A_1134 = vector.extract_strided_slice %broadcast_in_dim3A_1091 {offsets = [3, 0], sizes = [1, 1], strides = [1, 1]} : vector<8x1xf32> to vector<1x1xf32>
      %squeeze3A_1135 = vector.extract %slice3A_1134[0, 0] : f32 from vector<1x1xf32>
      %slice3A_1136 = vector.extract_strided_slice %broadcast_in_dim3A_1091 {offsets = [7, 0], sizes = [1, 1], strides = [1, 1]} : vector<8x1xf32> to vector<1x1xf32>
      %squeeze3A_1137 = vector.extract %slice3A_1136[0, 0] : f32 from vector<1x1xf32>
      %ge3A_1138 = arith.cmpf oge, %squeeze3A_1135, %squeeze3A_1137 : f32
      %slice3A_1139 = vector.extract_strided_slice %convert_element_type3A_1103 {offsets = [3, 0], sizes = [1, 1], strides = [1, 1]} : vector<8x1xi32> to vector<1x1xi32>
      %squeeze3A_1140 = vector.extract %slice3A_1139[0, 0] : i32 from vector<1x1xi32>
      %slice3A_1141 = vector.extract_strided_slice %convert_element_type3A_1103 {offsets = [7, 0], sizes = [1, 1], strides = [1, 1]} : vector<8x1xi32> to vector<1x1xi32>
      %squeeze3A_1142 = vector.extract %slice3A_1141[0, 0] : i32 from vector<1x1xi32>
      %select_n3A_1143 = arith.select %ge3A_1138, %squeeze3A_1140, %squeeze3A_1142 : i32
      %get3A_1144 = arith.constant 0 : index
      %get3A_1145 = arith.constant 0 : index
      %get3A_1146 = arith.index_cast %select_n3A_1113 : i32 to index
      %get3A_1147 = memref.load %arg2[%get3A_1144, %get3A_1145, %get3A_1146] : memref<3x4x4096xf32, #tpu.memory_space<smem>>
      %get3A_1148 = arith.constant 0 : index
      %get3A_1149 = arith.constant 1 : index
      %get3A_1150 = arith.index_cast %select_n3A_1123 : i32 to index
      %get3A_1151 = memref.load %arg2[%get3A_1148, %get3A_1149, %get3A_1150] : memref<3x4x4096xf32, #tpu.memory_space<smem>>
      %get3A_1152 = arith.constant 0 : index
      %get3A_1153 = arith.constant 2 : index
      %get3A_1154 = arith.index_cast %select_n3A_1133 : i32 to index
      %get3A_1155 = memref.load %arg2[%get3A_1152, %get3A_1153, %get3A_1154] : memref<3x4x4096xf32, #tpu.memory_space<smem>>
      %get3A_1156 = arith.constant 0 : index
      %get3A_1157 = arith.constant 3 : index
      %get3A_1158 = arith.index_cast %select_n3A_1143 : i32 to index
      %get3A_1159 = memref.load %arg2[%get3A_1156, %get3A_1157, %get3A_1158] : memref<3x4x4096xf32, #tpu.memory_space<smem>>
      %broadcast_in_dim3A_1160 = vector.broadcast %get3A_1155 : f32 to vector<8x2048xf32>
      %broadcast_in_dim3A_1161 = vector.broadcast %get3A_1159 : f32 to vector<8x2048xf32>
      %select_n3A_1162 = arith.select %eq3A_43, %broadcast_in_dim3A_1160, %broadcast_in_dim3A_1161 : vector<8x2048xi1>, vector<8x2048xf32>
      %broadcast_in_dim3A_1163 = vector.broadcast %get3A_1151 : f32 to vector<8x2048xf32>
      %select_n3A_1164 = arith.select %eq3A_37, %broadcast_in_dim3A_1163, %select_n3A_1162 : vector<8x2048xi1>, vector<8x2048xf32>
      %broadcast_in_dim3A_1165 = vector.broadcast %get3A_1147 : f32 to vector<8x2048xf32>
      %select_n3A_1166 = arith.select %eq3A_31, %broadcast_in_dim3A_1165, %select_n3A_1164 : vector<8x2048xi1>, vector<8x2048xf32>
      %get3A_1167 = arith.constant 1 : index
      %get3A_1168 = arith.constant 0 : index
      %get3A_1169 = arith.index_cast %select_n3A_1113 : i32 to index
      %get3A_1170 = memref.load %arg2[%get3A_1167, %get3A_1168, %get3A_1169] : memref<3x4x4096xf32, #tpu.memory_space<smem>>
      %get3A_1171 = arith.constant 1 : index
      %get3A_1172 = arith.constant 1 : index
      %get3A_1173 = arith.index_cast %select_n3A_1123 : i32 to index
      %get3A_1174 = memref.load %arg2[%get3A_1171, %get3A_1172, %get3A_1173] : memref<3x4x4096xf32, #tpu.memory_space<smem>>
      %get3A_1175 = arith.constant 1 : index
      %get3A_1176 = arith.constant 2 : index
      %get3A_1177 = arith.index_cast %select_n3A_1133 : i32 to index
      %get3A_1178 = memref.load %arg2[%get3A_1175, %get3A_1176, %get3A_1177] : memref<3x4x4096xf32, #tpu.memory_space<smem>>
      %get3A_1179 = arith.constant 1 : index
      %get3A_1180 = arith.constant 3 : index
      %get3A_1181 = arith.index_cast %select_n3A_1143 : i32 to index
      %get3A_1182 = memref.load %arg2[%get3A_1179, %get3A_1180, %get3A_1181] : memref<3x4x4096xf32, #tpu.memory_space<smem>>
      %broadcast_in_dim3A_1183 = vector.broadcast %get3A_1178 : f32 to vector<8x2048xf32>
      %broadcast_in_dim3A_1184 = vector.broadcast %get3A_1182 : f32 to vector<8x2048xf32>
      %select_n3A_1185 = arith.select %eq3A_43, %broadcast_in_dim3A_1183, %broadcast_in_dim3A_1184 : vector<8x2048xi1>, vector<8x2048xf32>
      %broadcast_in_dim3A_1186 = vector.broadcast %get3A_1174 : f32 to vector<8x2048xf32>
      %select_n3A_1187 = arith.select %eq3A_37, %broadcast_in_dim3A_1186, %select_n3A_1185 : vector<8x2048xi1>, vector<8x2048xf32>
      %broadcast_in_dim3A_1188 = vector.broadcast %get3A_1170 : f32 to vector<8x2048xf32>
      %select_n3A_1189 = arith.select %eq3A_31, %broadcast_in_dim3A_1188, %select_n3A_1187 : vector<8x2048xi1>, vector<8x2048xf32>
      %get3A_1190 = arith.constant 2 : index
      %get3A_1191 = arith.constant 0 : index
      %get3A_1192 = arith.index_cast %select_n3A_1113 : i32 to index
      %get3A_1193 = memref.load %arg2[%get3A_1190, %get3A_1191, %get3A_1192] : memref<3x4x4096xf32, #tpu.memory_space<smem>>
      %get3A_1194 = arith.constant 2 : index
      %get3A_1195 = arith.constant 1 : index
      %get3A_1196 = arith.index_cast %select_n3A_1123 : i32 to index
      %get3A_1197 = memref.load %arg2[%get3A_1194, %get3A_1195, %get3A_1196] : memref<3x4x4096xf32, #tpu.memory_space<smem>>
      %get3A_1198 = arith.constant 2 : index
      %get3A_1199 = arith.constant 2 : index
      %get3A_1200 = arith.index_cast %select_n3A_1133 : i32 to index
      %get3A_1201 = memref.load %arg2[%get3A_1198, %get3A_1199, %get3A_1200] : memref<3x4x4096xf32, #tpu.memory_space<smem>>
      %get3A_1202 = arith.constant 2 : index
      %get3A_1203 = arith.constant 3 : index
      %get3A_1204 = arith.index_cast %select_n3A_1143 : i32 to index
      %get3A_1205 = memref.load %arg2[%get3A_1202, %get3A_1203, %get3A_1204] : memref<3x4x4096xf32, #tpu.memory_space<smem>>
      %broadcast_in_dim3A_1206 = vector.broadcast %get3A_1201 : f32 to vector<8x2048xf32>
      %broadcast_in_dim3A_1207 = vector.broadcast %get3A_1205 : f32 to vector<8x2048xf32>
      %select_n3A_1208 = arith.select %eq3A_43, %broadcast_in_dim3A_1206, %broadcast_in_dim3A_1207 : vector<8x2048xi1>, vector<8x2048xf32>
      %broadcast_in_dim3A_1209 = vector.broadcast %get3A_1197 : f32 to vector<8x2048xf32>
      %select_n3A_1210 = arith.select %eq3A_37, %broadcast_in_dim3A_1209, %select_n3A_1208 : vector<8x2048xi1>, vector<8x2048xf32>
      %broadcast_in_dim3A_1211 = vector.broadcast %get3A_1193 : f32 to vector<8x2048xf32>
      %select_n3A_1212 = arith.select %eq3A_31, %broadcast_in_dim3A_1211, %select_n3A_1210 : vector<8x2048xi1>, vector<8x2048xf32>
      %broadcast_in_dim3A_1213 = vector.broadcast %select_n3A_1133 : i32 to vector<8x2048xi32>
      %broadcast_in_dim3A_1214 = vector.broadcast %select_n3A_1143 : i32 to vector<8x2048xi32>
      %select_n3A_1215 = arith.select %eq3A_43, %broadcast_in_dim3A_1213, %broadcast_in_dim3A_1214 : vector<8x2048xi1>, vector<8x2048xi32>
      %broadcast_in_dim3A_1216 = vector.broadcast %select_n3A_1123 : i32 to vector<8x2048xi32>
      %select_n3A_1217 = arith.select %eq3A_37, %broadcast_in_dim3A_1216, %select_n3A_1215 : vector<8x2048xi1>, vector<8x2048xi32>
      %broadcast_in_dim3A_1218 = vector.broadcast %select_n3A_1113 : i32 to vector<8x2048xi32>
      %select_n3A_1219 = arith.select %eq3A_31, %broadcast_in_dim3A_1218, %select_n3A_1217 : vector<8x2048xi1>, vector<8x2048xi32>
      %sub3A_1220 = arith.subf %get3A_3, %select_n3A_1166 : vector<8x2048xf32>
      %sub3A_1221 = arith.subf %get3A_8, %select_n3A_1189 : vector<8x2048xf32>
      %sub3A_1222 = arith.subf %get3A_13, %select_n3A_1212 : vector<8x2048xf32>
      %mul3A_1223 = arith.mulf %sub3A_1220, %sub3A_1220 : vector<8x2048xf32>
      %mul3A_1224 = arith.mulf %sub3A_1221, %sub3A_1221 : vector<8x2048xf32>
      %add3A_1225 = arith.addf %mul3A_1223, %mul3A_1224 : vector<8x2048xf32>
      %mul3A_1226 = arith.mulf %sub3A_1222, %sub3A_1222 : vector<8x2048xf32>
      %add3A_1227 = arith.addf %add3A_1225, %mul3A_1226 : vector<8x2048xf32>
      %add3A_1228 = arith.constant 9.99999996E-13 : f32
      %add3A_1229 = vector.broadcast %add3A_1228 : f32 to vector<8x2048xf32>
      %add3A_1230 = arith.addf %add3A_1227, %add3A_1229 : vector<8x2048xf32>
      %sqrt3A_1231 = math.sqrt %add3A_1230 : vector<8x2048xf32>
      %eq3A_1232 = vector.broadcast %scan3A_967 : i32 to vector<8x1024xi32>
      %eq3A_1233 = arith.cmpi eq, %iota3A_19, %eq3A_1232 : vector<8x1024xi32>
      %slice3A_1234 = vector.extract_strided_slice %select_n3A_1219 {offsets = [0, 0], sizes = [8, 1024], strides = [1, 1]} : vector<8x2048xi32> to vector<8x1024xi32>
      %add3A_1235 = arith.addi %slice3A_1234, %mul3A_24 : vector<8x1024xi32>
      %get3A_1236 = arith.constant 0 : index
      %get3A_1237 = arith.constant 0 : index
      %get3A_1238 = vector.load %arg3[%get3A_1236, %get3A_1237] : memref<8x1024xi32, #tpu.memory_space<vmem>>, vector<8x1024xi32>
      %select_n3A_1239 = arith.select %eq3A_1233, %add3A_1235, %get3A_1238 : vector<8x1024xi1>, vector<8x1024xi32>
      %swap3A_1240 = arith.constant 0 : index
      %swap3A_1241 = arith.constant 0 : index
      %swap3A_1242 = vector.load %arg3[%swap3A_1240, %swap3A_1241] : memref<8x1024xi32, #tpu.memory_space<vmem>>, vector<8x1024xi32>
      tpu.vector_store %arg3[%swap3A_1240, %swap3A_1241], %select_n3A_1239 {strides = array<i32>} : memref<8x1024xi32, #tpu.memory_space<vmem>>, vector<8x1024xi32>,
      %slice3A_1243 = vector.extract_strided_slice %select_n3A_1166 {offsets = [0, 0], sizes = [8, 1024], strides = [1, 1]} : vector<8x2048xf32> to vector<8x1024xf32>
      %get3A_1244 = arith.constant 0 : index
      %get3A_1245 = arith.constant 0 : index
      %get3A_1246 = vector.load %arg4[%get3A_1244, %get3A_1245] : memref<8x1024xf32, #tpu.memory_space<vmem>>, vector<8x1024xf32>
      %select_n3A_1247 = arith.select %eq3A_1233, %slice3A_1243, %get3A_1246 : vector<8x1024xi1>, vector<8x1024xf32>
      %swap3A_1248 = arith.constant 0 : index
      %swap3A_1249 = arith.constant 0 : index
      %swap3A_1250 = vector.load %arg4[%swap3A_1248, %swap3A_1249] : memref<8x1024xf32, #tpu.memory_space<vmem>>, vector<8x1024xf32>
      tpu.vector_store %arg4[%swap3A_1248, %swap3A_1249], %select_n3A_1247 {strides = array<i32>} : memref<8x1024xf32, #tpu.memory_space<vmem>>, vector<8x1024xf32>,
      %slice3A_1251 = vector.extract_strided_slice %select_n3A_1189 {offsets = [0, 0], sizes = [8, 1024], strides = [1, 1]} : vector<8x2048xf32> to vector<8x1024xf32>
      %get3A_1252 = arith.constant 0 : index
      %get3A_1253 = arith.constant 0 : index
      %get3A_1254 = vector.load %arg5[%get3A_1252, %get3A_1253] : memref<8x1024xf32, #tpu.memory_space<vmem>>, vector<8x1024xf32>
      %select_n3A_1255 = arith.select %eq3A_1233, %slice3A_1251, %get3A_1254 : vector<8x1024xi1>, vector<8x1024xf32>
      %swap3A_1256 = arith.constant 0 : index
      %swap3A_1257 = arith.constant 0 : index
      %swap3A_1258 = vector.load %arg5[%swap3A_1256, %swap3A_1257] : memref<8x1024xf32, #tpu.memory_space<vmem>>, vector<8x1024xf32>
      tpu.vector_store %arg5[%swap3A_1256, %swap3A_1257], %select_n3A_1255 {strides = array<i32>} : memref<8x1024xf32, #tpu.memory_space<vmem>>, vector<8x1024xf32>,
      %slice3A_1259 = vector.extract_strided_slice %select_n3A_1212 {offsets = [0, 0], sizes = [8, 1024], strides = [1, 1]} : vector<8x2048xf32> to vector<8x1024xf32>
      %get3A_1260 = arith.constant 0 : index
      %get3A_1261 = arith.constant 0 : index
      %get3A_1262 = vector.load %arg6[%get3A_1260, %get3A_1261] : memref<8x1024xf32, #tpu.memory_space<vmem>>, vector<8x1024xf32>
      %select_n3A_1263 = arith.select %eq3A_1233, %slice3A_1259, %get3A_1262 : vector<8x1024xi1>, vector<8x1024xf32>
      %swap3A_1264 = arith.constant 0 : index
      %swap3A_1265 = arith.constant 0 : index
      %swap3A_1266 = vector.load %arg6[%swap3A_1264, %swap3A_1265] : memref<8x1024xf32, #tpu.memory_space<vmem>>, vector<8x1024xf32>
      tpu.vector_store %arg6[%swap3A_1264, %swap3A_1265], %select_n3A_1263 {strides = array<i32>} : memref<8x1024xf32, #tpu.memory_space<vmem>>, vector<8x1024xf32>,
      %min3A_1267 = arith.minimumf %min3A_965, %sqrt3A_1231 : vector<8x2048xf32>
      %scan3A_1268 = arith.constant 4 : i32
      %scan3A_1269 = arith.addi %scan3A_67, %scan3A_1268 : i32
      %slice3A_1270 = vector.extract_strided_slice %min3A_1267 {offsets = [0, 0], sizes = [8, 128], strides = [1, 1]} : vector<8x2048xf32> to vector<8x128xf32>
      %slice3A_1271 = vector.extract_strided_slice %min3A_1267 {offsets = [0, 128], sizes = [8, 128], strides = [1, 1]} : vector<8x2048xf32> to vector<8x128xf32>
      %slice3A_1272 = vector.extract_strided_slice %min3A_1267 {offsets = [0, 256], sizes = [8, 128], strides = [1, 1]} : vector<8x2048xf32> to vector<8x128xf32>
      %slice3A_1273 = vector.extract_strided_slice %min3A_1267 {offsets = [0, 384], sizes = [8, 128], strides = [1, 1]} : vector<8x2048xf32> to vector<8x128xf32>
      %slice3A_1274 = vector.extract_strided_slice %min3A_1267 {offsets = [0, 512], sizes = [8, 128], strides = [1, 1]} : vector<8x2048xf32> to vector<8x128xf32>
      %slice3A_1275 = vector.extract_strided_slice %min3A_1267 {offsets = [0, 640], sizes = [8, 128], strides = [1, 1]} : vector<8x2048xf32> to vector<8x128xf32>
      %slice3A_1276 = vector.extract_strided_slice %min3A_1267 {offsets = [0, 768], sizes = [8, 128], strides = [1, 1]} : vector<8x2048xf32> to vector<8x128xf32>
      %slice3A_1277 = vector.extract_strided_slice %min3A_1267 {offsets = [0, 896], sizes = [8, 128], strides = [1, 1]} : vector<8x2048xf32> to vector<8x128xf32>
      %slice3A_1278 = vector.extract_strided_slice %min3A_1267 {offsets = [0, 1024], sizes = [8, 128], strides = [1, 1]} : vector<8x2048xf32> to vector<8x128xf32>
      %slice3A_1279 = vector.extract_strided_slice %min3A_1267 {offsets = [0, 1152], sizes = [8, 128], strides = [1, 1]} : vector<8x2048xf32> to vector<8x128xf32>
      %slice3A_1280 = vector.extract_strided_slice %min3A_1267 {offsets = [0, 1280], sizes = [8, 128], strides = [1, 1]} : vector<8x2048xf32> to vector<8x128xf32>
      %slice3A_1281 = vector.extract_strided_slice %min3A_1267 {offsets = [0, 1408], sizes = [8, 128], strides = [1, 1]} : vector<8x2048xf32> to vector<8x128xf32>
      %slice3A_1282 = vector.extract_strided_slice %min3A_1267 {offsets = [0, 1536], sizes = [8, 128], strides = [1, 1]} : vector<8x2048xf32> to vector<8x128xf32>
      %slice3A_1283 = vector.extract_strided_slice %min3A_1267 {offsets = [0, 1664], sizes = [8, 128], strides = [1, 1]} : vector<8x2048xf32> to vector<8x128xf32>
      %slice3A_1284 = vector.extract_strided_slice %min3A_1267 {offsets = [0, 1792], sizes = [8, 128], strides = [1, 1]} : vector<8x2048xf32> to vector<8x128xf32>
      %slice3A_1285 = vector.extract_strided_slice %min3A_1267 {offsets = [0, 1920], sizes = [8, 128], strides = [1, 1]} : vector<8x2048xf32> to vector<8x128xf32>
      %gt3A_1286 = arith.cmpf ogt, %slice3A_1270, %slice3A_1278 : vector<8x128xf32>
      %eq3A_1287 = arith.cmpf oeq, %slice3A_1270, %slice3A_1278 : vector<8x128xf32>
      %gt3A_1288 = arith.cmpf ogt, %slice3A, %slice3A_51 : vector<8x128xf32>
      %and3A_1289 = arith.andi %eq3A_1287, %gt3A_1288 : vector<8x128xi1>
      %or3A_1290 = arith.ori %gt3A_1286, %and3A_1289 : vector<8x128xi1>
      %select_n3A_1291 = arith.select %or3A_1290, %slice3A_1270, %slice3A_1278 : vector<8x128xi1>, vector<8x128xf32>
      %select_n3A_1292 = arith.select %or3A_1290, %slice3A, %slice3A_51 : vector<8x128xi1>, vector<8x128xf32>
      %gt3A_1293 = arith.cmpf ogt, %slice3A_1271, %slice3A_1279 : vector<8x128xf32>
      %eq3A_1294 = arith.cmpf oeq, %slice3A_1271, %slice3A_1279 : vector<8x128xf32>
      %gt3A_1295 = arith.cmpf ogt, %slice3A_44, %slice3A_52 : vector<8x128xf32>
      %and3A_1296 = arith.andi %eq3A_1294, %gt3A_1295 : vector<8x128xi1>
      %or3A_1297 = arith.ori %gt3A_1293, %and3A_1296 : vector<8x128xi1>
      %select_n3A_1298 = arith.select %or3A_1297, %slice3A_1271, %slice3A_1279 : vector<8x128xi1>, vector<8x128xf32>
      %select_n3A_1299 = arith.select %or3A_1297, %slice3A_44, %slice3A_52 : vector<8x128xi1>, vector<8x128xf32>
      %gt3A_1300 = arith.cmpf ogt, %slice3A_1272, %slice3A_1280 : vector<8x128xf32>
      %eq3A_1301 = arith.cmpf oeq, %slice3A_1272, %slice3A_1280 : vector<8x128xf32>
      %gt3A_1302 = arith.cmpf ogt, %slice3A_45, %slice3A_53 : vector<8x128xf32>
      %and3A_1303 = arith.andi %eq3A_1301, %gt3A_1302 : vector<8x128xi1>
      %or3A_1304 = arith.ori %gt3A_1300, %and3A_1303 : vector<8x128xi1>
      %select_n3A_1305 = arith.select %or3A_1304, %slice3A_1272, %slice3A_1280 : vector<8x128xi1>, vector<8x128xf32>
      %select_n3A_1306 = arith.select %or3A_1304, %slice3A_45, %slice3A_53 : vector<8x128xi1>, vector<8x128xf32>
      %gt3A_1307 = arith.cmpf ogt, %slice3A_1273, %slice3A_1281 : vector<8x128xf32>
      %eq3A_1308 = arith.cmpf oeq, %slice3A_1273, %slice3A_1281 : vector<8x128xf32>
      %gt3A_1309 = arith.cmpf ogt, %slice3A_46, %slice3A_54 : vector<8x128xf32>
      %and3A_1310 = arith.andi %eq3A_1308, %gt3A_1309 : vector<8x128xi1>
      %or3A_1311 = arith.ori %gt3A_1307, %and3A_1310 : vector<8x128xi1>
      %select_n3A_1312 = arith.select %or3A_1311, %slice3A_1273, %slice3A_1281 : vector<8x128xi1>, vector<8x128xf32>
      %select_n3A_1313 = arith.select %or3A_1311, %slice3A_46, %slice3A_54 : vector<8x128xi1>, vector<8x128xf32>
      %gt3A_1314 = arith.cmpf ogt, %slice3A_1274, %slice3A_1282 : vector<8x128xf32>
      %eq3A_1315 = arith.cmpf oeq, %slice3A_1274, %slice3A_1282 : vector<8x128xf32>
      %gt3A_1316 = arith.cmpf ogt, %slice3A_47, %slice3A_55 : vector<8x128xf32>
      %and3A_1317 = arith.andi %eq3A_1315, %gt3A_1316 : vector<8x128xi1>
      %or3A_1318 = arith.ori %gt3A_1314, %and3A_1317 : vector<8x128xi1>
      %select_n3A_1319 = arith.select %or3A_1318, %slice3A_1274, %slice3A_1282 : vector<8x128xi1>, vector<8x128xf32>
      %select_n3A_1320 = arith.select %or3A_1318, %slice3A_47, %slice3A_55 : vector<8x128xi1>, vector<8x128xf32>
      %gt3A_1321 = arith.cmpf ogt, %slice3A_1275, %slice3A_1283 : vector<8x128xf32>
      %eq3A_1322 = arith.cmpf oeq, %slice3A_1275, %slice3A_1283 : vector<8x128xf32>
      %gt3A_1323 = arith.cmpf ogt, %slice3A_48, %slice3A_56 : vector<8x128xf32>
      %and3A_1324 = arith.andi %eq3A_1322, %gt3A_1323 : vector<8x128xi1>
      %or3A_1325 = arith.ori %gt3A_1321, %and3A_1324 : vector<8x128xi1>
      %select_n3A_1326 = arith.select %or3A_1325, %slice3A_1275, %slice3A_1283 : vector<8x128xi1>, vector<8x128xf32>
      %select_n3A_1327 = arith.select %or3A_1325, %slice3A_48, %slice3A_56 : vector<8x128xi1>, vector<8x128xf32>
      %gt3A_1328 = arith.cmpf ogt, %slice3A_1276, %slice3A_1284 : vector<8x128xf32>
      %eq3A_1329 = arith.cmpf oeq, %slice3A_1276, %slice3A_1284 : vector<8x128xf32>
      %gt3A_1330 = arith.cmpf ogt, %slice3A_49, %slice3A_57 : vector<8x128xf32>
      %and3A_1331 = arith.andi %eq3A_1329, %gt3A_1330 : vector<8x128xi1>
      %or3A_1332 = arith.ori %gt3A_1328, %and3A_1331 : vector<8x128xi1>
      %select_n3A_1333 = arith.select %or3A_1332, %slice3A_1276, %slice3A_1284 : vector<8x128xi1>, vector<8x128xf32>
      %select_n3A_1334 = arith.select %or3A_1332, %slice3A_49, %slice3A_57 : vector<8x128xi1>, vector<8x128xf32>
      %gt3A_1335 = arith.cmpf ogt, %slice3A_1277, %slice3A_1285 : vector<8x128xf32>
      %eq3A_1336 = arith.cmpf oeq, %slice3A_1277, %slice3A_1285 : vector<8x128xf32>
      %gt3A_1337 = arith.cmpf ogt, %slice3A_50, %slice3A_58 : vector<8x128xf32>
      %and3A_1338 = arith.andi %eq3A_1336, %gt3A_1337 : vector<8x128xi1>
      %or3A_1339 = arith.ori %gt3A_1335, %and3A_1338 : vector<8x128xi1>
      %select_n3A_1340 = arith.select %or3A_1339, %slice3A_1277, %slice3A_1285 : vector<8x128xi1>, vector<8x128xf32>
      %select_n3A_1341 = arith.select %or3A_1339, %slice3A_50, %slice3A_58 : vector<8x128xi1>, vector<8x128xf32>
      %gt3A_1342 = arith.cmpf ogt, %select_n3A_1291, %select_n3A_1319 : vector<8x128xf32>
      %eq3A_1343 = arith.cmpf oeq, %select_n3A_1291, %select_n3A_1319 : vector<8x128xf32>
      %gt3A_1344 = arith.cmpf ogt, %select_n3A_1292, %select_n3A_1320 : vector<8x128xf32>
      %and3A_1345 = arith.andi %eq3A_1343, %gt3A_1344 : vector<8x128xi1>
      %or3A_1346 = arith.ori %gt3A_1342, %and3A_1345 : vector<8x128xi1>
      %select_n3A_1347 = arith.select %or3A_1346, %select_n3A_1291, %select_n3A_1319 : vector<8x128xi1>, vector<8x128xf32>
      %select_n3A_1348 = arith.select %or3A_1346, %select_n3A_1292, %select_n3A_1320 : vector<8x128xi1>, vector<8x128xf32>
      %gt3A_1349 = arith.cmpf ogt, %select_n3A_1298, %select_n3A_1326 : vector<8x128xf32>
      %eq3A_1350 = arith.cmpf oeq, %select_n3A_1298, %select_n3A_1326 : vector<8x128xf32>
      %gt3A_1351 = arith.cmpf ogt, %select_n3A_1299, %select_n3A_1327 : vector<8x128xf32>
      %and3A_1352 = arith.andi %eq3A_1350, %gt3A_1351 : vector<8x128xi1>
      %or3A_1353 = arith.ori %gt3A_1349, %and3A_1352 : vector<8x128xi1>
      %select_n3A_1354 = arith.select %or3A_1353, %select_n3A_1298, %select_n3A_1326 : vector<8x128xi1>, vector<8x128xf32>
      %select_n3A_1355 = arith.select %or3A_1353, %select_n3A_1299, %select_n3A_1327 : vector<8x128xi1>, vector<8x128xf32>
      %gt3A_1356 = arith.cmpf ogt, %select_n3A_1305, %select_n3A_1333 : vector<8x128xf32>
      %eq3A_1357 = arith.cmpf oeq, %select_n3A_1305, %select_n3A_1333 : vector<8x128xf32>
      %gt3A_1358 = arith.cmpf ogt, %select_n3A_1306, %select_n3A_1334 : vector<8x128xf32>
      %and3A_1359 = arith.andi %eq3A_1357, %gt3A_1358 : vector<8x128xi1>
      %or3A_1360 = arith.ori %gt3A_1356, %and3A_1359 : vector<8x128xi1>
      %select_n3A_1361 = arith.select %or3A_1360, %select_n3A_1305, %select_n3A_1333 : vector<8x128xi1>, vector<8x128xf32>
      %select_n3A_1362 = arith.select %or3A_1360, %select_n3A_1306, %select_n3A_1334 : vector<8x128xi1>, vector<8x128xf32>
      %gt3A_1363 = arith.cmpf ogt, %select_n3A_1312, %select_n3A_1340 : vector<8x128xf32>
      %eq3A_1364 = arith.cmpf oeq, %select_n3A_1312, %select_n3A_1340 : vector<8x128xf32>
      %gt3A_1365 = arith.cmpf ogt, %select_n3A_1313, %select_n3A_1341 : vector<8x128xf32>
      %and3A_1366 = arith.andi %eq3A_1364, %gt3A_1365 : vector<8x128xi1>
      %or3A_1367 = arith.ori %gt3A_1363, %and3A_1366 : vector<8x128xi1>
      %select_n3A_1368 = arith.select %or3A_1367, %select_n3A_1312, %select_n3A_1340 : vector<8x128xi1>, vector<8x128xf32>
      %select_n3A_1369 = arith.select %or3A_1367, %select_n3A_1313, %select_n3A_1341 : vector<8x128xi1>, vector<8x128xf32>
      %gt3A_1370 = arith.cmpf ogt, %select_n3A_1347, %select_n3A_1361 : vector<8x128xf32>
      %eq3A_1371 = arith.cmpf oeq, %select_n3A_1347, %select_n3A_1361 : vector<8x128xf32>
      %gt3A_1372 = arith.cmpf ogt, %select_n3A_1348, %select_n3A_1362 : vector<8x128xf32>
      %and3A_1373 = arith.andi %eq3A_1371, %gt3A_1372 : vector<8x128xi1>
      %or3A_1374 = arith.ori %gt3A_1370, %and3A_1373 : vector<8x128xi1>
      %select_n3A_1375 = arith.select %or3A_1374, %select_n3A_1347, %select_n3A_1361 : vector<8x128xi1>, vector<8x128xf32>
      %select_n3A_1376 = arith.select %or3A_1374, %select_n3A_1348, %select_n3A_1362 : vector<8x128xi1>, vector<8x128xf32>
      %gt3A_1377 = arith.cmpf ogt, %select_n3A_1354, %select_n3A_1368 : vector<8x128xf32>
      %eq3A_1378 = arith.cmpf oeq, %select_n3A_1354, %select_n3A_1368 : vector<8x128xf32>
      %gt3A_1379 = arith.cmpf ogt, %select_n3A_1355, %select_n3A_1369 : vector<8x128xf32>
      %and3A_1380 = arith.andi %eq3A_1378, %gt3A_1379 : vector<8x128xi1>
      %or3A_1381 = arith.ori %gt3A_1377, %and3A_1380 : vector<8x128xi1>
      %select_n3A_1382 = arith.select %or3A_1381, %select_n3A_1354, %select_n3A_1368 : vector<8x128xi1>, vector<8x128xf32>
      %select_n3A_1383 = arith.select %or3A_1381, %select_n3A_1355, %select_n3A_1369 : vector<8x128xi1>, vector<8x128xf32>
      %gt3A_1384 = arith.cmpf ogt, %select_n3A_1375, %select_n3A_1382 : vector<8x128xf32>
      %eq3A_1385 = arith.cmpf oeq, %select_n3A_1375, %select_n3A_1382 : vector<8x128xf32>
      %gt3A_1386 = arith.cmpf ogt, %select_n3A_1376, %select_n3A_1383 : vector<8x128xf32>
      %and3A_1387 = arith.andi %eq3A_1385, %gt3A_1386 : vector<8x128xi1>
      %or3A_1388 = arith.ori %gt3A_1384, %and3A_1387 : vector<8x128xi1>
      %select_n3A_1389 = arith.select %or3A_1388, %select_n3A_1375, %select_n3A_1382 : vector<8x128xi1>, vector<8x128xf32>
      %select_n3A_1390 = arith.select %or3A_1388, %select_n3A_1376, %select_n3A_1383 : vector<8x128xi1>, vector<8x128xf32>
      %reduce_max3A_1391 = arith.constant dense<0xFF800000> : vector<8xf32>
      %reduce_max3A_1392 = vector.multi_reduction <maximumf>, %select_n3A_1389, %reduce_max3A_1391 [1] : vector<8x128xf32> to vector<8xf32>
      %broadcast_in_dim3A_1393 = vector.shape_cast %reduce_max3A_1392 : vector<8xf32> to vector<8x1xf32>
      %eq3A_1394 = vector.broadcast %broadcast_in_dim3A_1393 : vector<8x1xf32> to vector<8x128xf32>
      %eq3A_1395 = arith.cmpf oeq, %select_n3A_1389, %eq3A_1394 : vector<8x128xf32>
      %jit3A_1396 = arith.constant -1.000000e+00 : f32
      %broadcast_in_dim3A_1397 = vector.broadcast %jit3A_1396 : f32 to vector<8x128xf32>
      %select_n3A_1398 = arith.select %eq3A_1395, %select_n3A_1390, %broadcast_in_dim3A_1397 : vector<8x128xi1>, vector<8x128xf32>
      %reduce_max3A_1399 = arith.constant dense<0xFF800000> : vector<8xf32>
      %reduce_max3A_1400 = vector.multi_reduction <maximumf>, %select_n3A_1398, %reduce_max3A_1399 [1] : vector<8x128xf32> to vector<8xf32>
      %broadcast_in_dim3A_1401 = vector.shape_cast %reduce_max3A_1400 : vector<8xf32> to vector<8x1xf32>
      %sub3A_1402 = arith.constant 4.095000e+03 : f32
      %sub3A_1403 = vector.broadcast %sub3A_1402 : f32 to vector<8x1xf32>
      %sub3A_1404 = arith.subf %sub3A_1403, %broadcast_in_dim3A_1401 : vector<8x1xf32>
      %convert_element_type3A_1405 = arith.fptosi %sub3A_1404 : vector<8x1xf32> to vector<8x1xi32>
      %slice3A_1406 = vector.extract_strided_slice %broadcast_in_dim3A_1393 {offsets = [0, 0], sizes = [1, 1], strides = [1, 1]} : vector<8x1xf32> to vector<1x1xf32>
      %squeeze3A_1407 = vector.extract %slice3A_1406[0, 0] : f32 from vector<1x1xf32>
      %slice3A_1408 = vector.extract_strided_slice %broadcast_in_dim3A_1393 {offsets = [4, 0], sizes = [1, 1], strides = [1, 1]} : vector<8x1xf32> to vector<1x1xf32>
      %squeeze3A_1409 = vector.extract %slice3A_1408[0, 0] : f32 from vector<1x1xf32>
      %ge3A_1410 = arith.cmpf oge, %squeeze3A_1407, %squeeze3A_1409 : f32
      %slice3A_1411 = vector.extract_strided_slice %convert_element_type3A_1405 {offsets = [0, 0], sizes = [1, 1], strides = [1, 1]} : vector<8x1xi32> to vector<1x1xi32>
      %squeeze3A_1412 = vector.extract %slice3A_1411[0, 0] : i32 from vector<1x1xi32>
      %slice3A_1413 = vector.extract_strided_slice %convert_element_type3A_1405 {offsets = [4, 0], sizes = [1, 1], strides = [1, 1]} : vector<8x1xi32> to vector<1x1xi32>
      %squeeze3A_1414 = vector.extract %slice3A_1413[0, 0] : i32 from vector<1x1xi32>
      %select_n3A_1415 = arith.select %ge3A_1410, %squeeze3A_1412, %squeeze3A_1414 : i32
      %slice3A_1416 = vector.extract_strided_slice %broadcast_in_dim3A_1393 {offsets = [1, 0], sizes = [1, 1], strides = [1, 1]} : vector<8x1xf32> to vector<1x1xf32>
      %squeeze3A_1417 = vector.extract %slice3A_1416[0, 0] : f32 from vector<1x1xf32>
      %slice3A_1418 = vector.extract_strided_slice %broadcast_in_dim3A_1393 {offsets = [5, 0], sizes = [1, 1], strides = [1, 1]} : vector<8x1xf32> to vector<1x1xf32>
      %squeeze3A_1419 = vector.extract %slice3A_1418[0, 0] : f32 from vector<1x1xf32>
      %ge3A_1420 = arith.cmpf oge, %squeeze3A_1417, %squeeze3A_1419 : f32
      %slice3A_1421 = vector.extract_strided_slice %convert_element_type3A_1405 {offsets = [1, 0], sizes = [1, 1], strides = [1, 1]} : vector<8x1xi32> to vector<1x1xi32>
      %squeeze3A_1422 = vector.extract %slice3A_1421[0, 0] : i32 from vector<1x1xi32>
      %slice3A_1423 = vector.extract_strided_slice %convert_element_type3A_1405 {offsets = [5, 0], sizes = [1, 1], strides = [1, 1]} : vector<8x1xi32> to vector<1x1xi32>
      %squeeze3A_1424 = vector.extract %slice3A_1423[0, 0] : i32 from vector<1x1xi32>
      %select_n3A_1425 = arith.select %ge3A_1420, %squeeze3A_1422, %squeeze3A_1424 : i32
      %slice3A_1426 = vector.extract_strided_slice %broadcast_in_dim3A_1393 {offsets = [2, 0], sizes = [1, 1], strides = [1, 1]} : vector<8x1xf32> to vector<1x1xf32>
      %squeeze3A_1427 = vector.extract %slice3A_1426[0, 0] : f32 from vector<1x1xf32>
      %slice3A_1428 = vector.extract_strided_slice %broadcast_in_dim3A_1393 {offsets = [6, 0], sizes = [1, 1], strides = [1, 1]} : vector<8x1xf32> to vector<1x1xf32>
      %squeeze3A_1429 = vector.extract %slice3A_1428[0, 0] : f32 from vector<1x1xf32>
      %ge3A_1430 = arith.cmpf oge, %squeeze3A_1427, %squeeze3A_1429 : f32
      %slice3A_1431 = vector.extract_strided_slice %convert_element_type3A_1405 {offsets = [2, 0], sizes = [1, 1], strides = [1, 1]} : vector<8x1xi32> to vector<1x1xi32>
      %squeeze3A_1432 = vector.extract %slice3A_1431[0, 0] : i32 from vector<1x1xi32>
      %slice3A_1433 = vector.extract_strided_slice %convert_element_type3A_1405 {offsets = [6, 0], sizes = [1, 1], strides = [1, 1]} : vector<8x1xi32> to vector<1x1xi32>
      %squeeze3A_1434 = vector.extract %slice3A_1433[0, 0] : i32 from vector<1x1xi32>
      %select_n3A_1435 = arith.select %ge3A_1430, %squeeze3A_1432, %squeeze3A_1434 : i32
      %slice3A_1436 = vector.extract_strided_slice %broadcast_in_dim3A_1393 {offsets = [3, 0], sizes = [1, 1], strides = [1, 1]} : vector<8x1xf32> to vector<1x1xf32>
      %squeeze3A_1437 = vector.extract %slice3A_1436[0, 0] : f32 from vector<1x1xf32>
      %slice3A_1438 = vector.extract_strided_slice %broadcast_in_dim3A_1393 {offsets = [7, 0], sizes = [1, 1], strides = [1, 1]} : vector<8x1xf32> to vector<1x1xf32>
      %squeeze3A_1439 = vector.extract %slice3A_1438[0, 0] : f32 from vector<1x1xf32>
      %ge3A_1440 = arith.cmpf oge, %squeeze3A_1437, %squeeze3A_1439 : f32
      %slice3A_1441 = vector.extract_strided_slice %convert_element_type3A_1405 {offsets = [3, 0], sizes = [1, 1], strides = [1, 1]} : vector<8x1xi32> to vector<1x1xi32>
      %squeeze3A_1442 = vector.extract %slice3A_1441[0, 0] : i32 from vector<1x1xi32>
      %slice3A_1443 = vector.extract_strided_slice %convert_element_type3A_1405 {offsets = [7, 0], sizes = [1, 1], strides = [1, 1]} : vector<8x1xi32> to vector<1x1xi32>
      %squeeze3A_1444 = vector.extract %slice3A_1443[0, 0] : i32 from vector<1x1xi32>
      %select_n3A_1445 = arith.select %ge3A_1440, %squeeze3A_1442, %squeeze3A_1444 : i32
      %get3A_1446 = arith.constant 0 : index
      %get3A_1447 = arith.constant 0 : index
      %get3A_1448 = arith.index_cast %select_n3A_1415 : i32 to index
      %get3A_1449 = memref.load %arg2[%get3A_1446, %get3A_1447, %get3A_1448] : memref<3x4x4096xf32, #tpu.memory_space<smem>>
      %get3A_1450 = arith.constant 0 : index
      %get3A_1451 = arith.constant 1 : index
      %get3A_1452 = arith.index_cast %select_n3A_1425 : i32 to index
      %get3A_1453 = memref.load %arg2[%get3A_1450, %get3A_1451, %get3A_1452] : memref<3x4x4096xf32, #tpu.memory_space<smem>>
      %get3A_1454 = arith.constant 0 : index
      %get3A_1455 = arith.constant 2 : index
      %get3A_1456 = arith.index_cast %select_n3A_1435 : i32 to index
      %get3A_1457 = memref.load %arg2[%get3A_1454, %get3A_1455, %get3A_1456] : memref<3x4x4096xf32, #tpu.memory_space<smem>>
      %get3A_1458 = arith.constant 0 : index
      %get3A_1459 = arith.constant 3 : index
      %get3A_1460 = arith.index_cast %select_n3A_1445 : i32 to index
      %get3A_1461 = memref.load %arg2[%get3A_1458, %get3A_1459, %get3A_1460] : memref<3x4x4096xf32, #tpu.memory_space<smem>>
      %broadcast_in_dim3A_1462 = vector.broadcast %get3A_1457 : f32 to vector<8x2048xf32>
      %broadcast_in_dim3A_1463 = vector.broadcast %get3A_1461 : f32 to vector<8x2048xf32>
      %select_n3A_1464 = arith.select %eq3A_43, %broadcast_in_dim3A_1462, %broadcast_in_dim3A_1463 : vector<8x2048xi1>, vector<8x2048xf32>
      %broadcast_in_dim3A_1465 = vector.broadcast %get3A_1453 : f32 to vector<8x2048xf32>
      %select_n3A_1466 = arith.select %eq3A_37, %broadcast_in_dim3A_1465, %select_n3A_1464 : vector<8x2048xi1>, vector<8x2048xf32>
      %broadcast_in_dim3A_1467 = vector.broadcast %get3A_1449 : f32 to vector<8x2048xf32>
      %select_n3A_1468 = arith.select %eq3A_31, %broadcast_in_dim3A_1467, %select_n3A_1466 : vector<8x2048xi1>, vector<8x2048xf32>
      %get3A_1469 = arith.constant 1 : index
      %get3A_1470 = arith.constant 0 : index
      %get3A_1471 = arith.index_cast %select_n3A_1415 : i32 to index
      %get3A_1472 = memref.load %arg2[%get3A_1469, %get3A_1470, %get3A_1471] : memref<3x4x4096xf32, #tpu.memory_space<smem>>
      %get3A_1473 = arith.constant 1 : index
      %get3A_1474 = arith.constant 1 : index
      %get3A_1475 = arith.index_cast %select_n3A_1425 : i32 to index
      %get3A_1476 = memref.load %arg2[%get3A_1473, %get3A_1474, %get3A_1475] : memref<3x4x4096xf32, #tpu.memory_space<smem>>
      %get3A_1477 = arith.constant 1 : index
      %get3A_1478 = arith.constant 2 : index
      %get3A_1479 = arith.index_cast %select_n3A_1435 : i32 to index
      %get3A_1480 = memref.load %arg2[%get3A_1477, %get3A_1478, %get3A_1479] : memref<3x4x4096xf32, #tpu.memory_space<smem>>
      %get3A_1481 = arith.constant 1 : index
      %get3A_1482 = arith.constant 3 : index
      %get3A_1483 = arith.index_cast %select_n3A_1445 : i32 to index
      %get3A_1484 = memref.load %arg2[%get3A_1481, %get3A_1482, %get3A_1483] : memref<3x4x4096xf32, #tpu.memory_space<smem>>
      %broadcast_in_dim3A_1485 = vector.broadcast %get3A_1480 : f32 to vector<8x2048xf32>
      %broadcast_in_dim3A_1486 = vector.broadcast %get3A_1484 : f32 to vector<8x2048xf32>
      %select_n3A_1487 = arith.select %eq3A_43, %broadcast_in_dim3A_1485, %broadcast_in_dim3A_1486 : vector<8x2048xi1>, vector<8x2048xf32>
      %broadcast_in_dim3A_1488 = vector.broadcast %get3A_1476 : f32 to vector<8x2048xf32>
      %select_n3A_1489 = arith.select %eq3A_37, %broadcast_in_dim3A_1488, %select_n3A_1487 : vector<8x2048xi1>, vector<8x2048xf32>
      %broadcast_in_dim3A_1490 = vector.broadcast %get3A_1472 : f32 to vector<8x2048xf32>
      %select_n3A_1491 = arith.select %eq3A_31, %broadcast_in_dim3A_1490, %select_n3A_1489 : vector<8x2048xi1>, vector<8x2048xf32>
      %get3A_1492 = arith.constant 2 : index
      %get3A_1493 = arith.constant 0 : index
      %get3A_1494 = arith.index_cast %select_n3A_1415 : i32 to index
      %get3A_1495 = memref.load %arg2[%get3A_1492, %get3A_1493, %get3A_1494] : memref<3x4x4096xf32, #tpu.memory_space<smem>>
      %get3A_1496 = arith.constant 2 : index
      %get3A_1497 = arith.constant 1 : index
      %get3A_1498 = arith.index_cast %select_n3A_1425 : i32 to index
      %get3A_1499 = memref.load %arg2[%get3A_1496, %get3A_1497, %get3A_1498] : memref<3x4x4096xf32, #tpu.memory_space<smem>>
      %get3A_1500 = arith.constant 2 : index
      %get3A_1501 = arith.constant 2 : index
      %get3A_1502 = arith.index_cast %select_n3A_1435 : i32 to index
      %get3A_1503 = memref.load %arg2[%get3A_1500, %get3A_1501, %get3A_1502] : memref<3x4x4096xf32, #tpu.memory_space<smem>>
      %get3A_1504 = arith.constant 2 : index
      %get3A_1505 = arith.constant 3 : index
      %get3A_1506 = arith.index_cast %select_n3A_1445 : i32 to index
      %get3A_1507 = memref.load %arg2[%get3A_1504, %get3A_1505, %get3A_1506] : memref<3x4x4096xf32, #tpu.memory_space<smem>>
      %broadcast_in_dim3A_1508 = vector.broadcast %get3A_1503 : f32 to vector<8x2048xf32>
      %broadcast_in_dim3A_1509 = vector.broadcast %get3A_1507 : f32 to vector<8x2048xf32>
      %select_n3A_1510 = arith.select %eq3A_43, %broadcast_in_dim3A_1508, %broadcast_in_dim3A_1509 : vector<8x2048xi1>, vector<8x2048xf32>
      %broadcast_in_dim3A_1511 = vector.broadcast %get3A_1499 : f32 to vector<8x2048xf32>
      %select_n3A_1512 = arith.select %eq3A_37, %broadcast_in_dim3A_1511, %select_n3A_1510 : vector<8x2048xi1>, vector<8x2048xf32>
      %broadcast_in_dim3A_1513 = vector.broadcast %get3A_1495 : f32 to vector<8x2048xf32>
      %select_n3A_1514 = arith.select %eq3A_31, %broadcast_in_dim3A_1513, %select_n3A_1512 : vector<8x2048xi1>, vector<8x2048xf32>
      %broadcast_in_dim3A_1515 = vector.broadcast %select_n3A_1435 : i32 to vector<8x2048xi32>
      %broadcast_in_dim3A_1516 = vector.broadcast %select_n3A_1445 : i32 to vector<8x2048xi32>
      %select_n3A_1517 = arith.select %eq3A_43, %broadcast_in_dim3A_1515, %broadcast_in_dim3A_1516 : vector<8x2048xi1>, vector<8x2048xi32>
      %broadcast_in_dim3A_1518 = vector.broadcast %select_n3A_1425 : i32 to vector<8x2048xi32>
      %select_n3A_1519 = arith.select %eq3A_37, %broadcast_in_dim3A_1518, %select_n3A_1517 : vector<8x2048xi1>, vector<8x2048xi32>
      %broadcast_in_dim3A_1520 = vector.broadcast %select_n3A_1415 : i32 to vector<8x2048xi32>
      %select_n3A_1521 = arith.select %eq3A_31, %broadcast_in_dim3A_1520, %select_n3A_1519 : vector<8x2048xi1>, vector<8x2048xi32>
      %sub3A_1522 = arith.subf %get3A_3, %select_n3A_1468 : vector<8x2048xf32>
      %sub3A_1523 = arith.subf %get3A_8, %select_n3A_1491 : vector<8x2048xf32>
      %sub3A_1524 = arith.subf %get3A_13, %select_n3A_1514 : vector<8x2048xf32>
      %mul3A_1525 = arith.mulf %sub3A_1522, %sub3A_1522 : vector<8x2048xf32>
      %mul3A_1526 = arith.mulf %sub3A_1523, %sub3A_1523 : vector<8x2048xf32>
      %add3A_1527 = arith.addf %mul3A_1525, %mul3A_1526 : vector<8x2048xf32>
      %mul3A_1528 = arith.mulf %sub3A_1524, %sub3A_1524 : vector<8x2048xf32>
      %add3A_1529 = arith.addf %add3A_1527, %mul3A_1528 : vector<8x2048xf32>
      %add3A_1530 = arith.constant 9.99999996E-13 : f32
      %add3A_1531 = vector.broadcast %add3A_1530 : f32 to vector<8x2048xf32>
      %add3A_1532 = arith.addf %add3A_1529, %add3A_1531 : vector<8x2048xf32>
      %sqrt3A_1533 = math.sqrt %add3A_1532 : vector<8x2048xf32>
      %eq3A_1534 = vector.broadcast %scan3A_1269 : i32 to vector<8x1024xi32>
      %eq3A_1535 = arith.cmpi eq, %iota3A_19, %eq3A_1534 : vector<8x1024xi32>
      %slice3A_1536 = vector.extract_strided_slice %select_n3A_1521 {offsets = [0, 0], sizes = [8, 1024], strides = [1, 1]} : vector<8x2048xi32> to vector<8x1024xi32>
      %add3A_1537 = arith.addi %slice3A_1536, %mul3A_24 : vector<8x1024xi32>
      %get3A_1538 = arith.constant 0 : index
      %get3A_1539 = arith.constant 0 : index
      %get3A_1540 = vector.load %arg3[%get3A_1538, %get3A_1539] : memref<8x1024xi32, #tpu.memory_space<vmem>>, vector<8x1024xi32>
      %select_n3A_1541 = arith.select %eq3A_1535, %add3A_1537, %get3A_1540 : vector<8x1024xi1>, vector<8x1024xi32>
      %swap3A_1542 = arith.constant 0 : index
      %swap3A_1543 = arith.constant 0 : index
      %swap3A_1544 = vector.load %arg3[%swap3A_1542, %swap3A_1543] : memref<8x1024xi32, #tpu.memory_space<vmem>>, vector<8x1024xi32>
      tpu.vector_store %arg3[%swap3A_1542, %swap3A_1543], %select_n3A_1541 {strides = array<i32>} : memref<8x1024xi32, #tpu.memory_space<vmem>>, vector<8x1024xi32>,
      %slice3A_1545 = vector.extract_strided_slice %select_n3A_1468 {offsets = [0, 0], sizes = [8, 1024], strides = [1, 1]} : vector<8x2048xf32> to vector<8x1024xf32>
      %get3A_1546 = arith.constant 0 : index
      %get3A_1547 = arith.constant 0 : index
      %get3A_1548 = vector.load %arg4[%get3A_1546, %get3A_1547] : memref<8x1024xf32, #tpu.memory_space<vmem>>, vector<8x1024xf32>
      %select_n3A_1549 = arith.select %eq3A_1535, %slice3A_1545, %get3A_1548 : vector<8x1024xi1>, vector<8x1024xf32>
      %swap3A_1550 = arith.constant 0 : index
      %swap3A_1551 = arith.constant 0 : index
      %swap3A_1552 = vector.load %arg4[%swap3A_1550, %swap3A_1551] : memref<8x1024xf32, #tpu.memory_space<vmem>>, vector<8x1024xf32>
      tpu.vector_store %arg4[%swap3A_1550, %swap3A_1551], %select_n3A_1549 {strides = array<i32>} : memref<8x1024xf32, #tpu.memory_space<vmem>>, vector<8x1024xf32>,
      %slice3A_1553 = vector.extract_strided_slice %select_n3A_1491 {offsets = [0, 0], sizes = [8, 1024], strides = [1, 1]} : vector<8x2048xf32> to vector<8x1024xf32>
      %get3A_1554 = arith.constant 0 : index
      %get3A_1555 = arith.constant 0 : index
      %get3A_1556 = vector.load %arg5[%get3A_1554, %get3A_1555] : memref<8x1024xf32, #tpu.memory_space<vmem>>, vector<8x1024xf32>
      %select_n3A_1557 = arith.select %eq3A_1535, %slice3A_1553, %get3A_1556 : vector<8x1024xi1>, vector<8x1024xf32>
      %swap3A_1558 = arith.constant 0 : index
      %swap3A_1559 = arith.constant 0 : index
      %swap3A_1560 = vector.load %arg5[%swap3A_1558, %swap3A_1559] : memref<8x1024xf32, #tpu.memory_space<vmem>>, vector<8x1024xf32>
      tpu.vector_store %arg5[%swap3A_1558, %swap3A_1559], %select_n3A_1557 {strides = array<i32>} : memref<8x1024xf32, #tpu.memory_space<vmem>>, vector<8x1024xf32>,
      %slice3A_1561 = vector.extract_strided_slice %select_n3A_1514 {offsets = [0, 0], sizes = [8, 1024], strides = [1, 1]} : vector<8x2048xf32> to vector<8x1024xf32>
      %get3A_1562 = arith.constant 0 : index
      %get3A_1563 = arith.constant 0 : index
      %get3A_1564 = vector.load %arg6[%get3A_1562, %get3A_1563] : memref<8x1024xf32, #tpu.memory_space<vmem>>, vector<8x1024xf32>
      %select_n3A_1565 = arith.select %eq3A_1535, %slice3A_1561, %get3A_1564 : vector<8x1024xi1>, vector<8x1024xf32>
      %swap3A_1566 = arith.constant 0 : index
      %swap3A_1567 = arith.constant 0 : index
      %swap3A_1568 = vector.load %arg6[%swap3A_1566, %swap3A_1567] : memref<8x1024xf32, #tpu.memory_space<vmem>>, vector<8x1024xf32>
      tpu.vector_store %arg6[%swap3A_1566, %swap3A_1567], %select_n3A_1565 {strides = array<i32>} : memref<8x1024xf32, #tpu.memory_space<vmem>>, vector<8x1024xf32>,
      %min3A_1569 = arith.minimumf %min3A_1267, %sqrt3A_1533 : vector<8x2048xf32>
      %scan3A_1570 = arith.constant 5 : i32
      %scan3A_1571 = arith.addi %scan3A_67, %scan3A_1570 : i32
      %slice3A_1572 = vector.extract_strided_slice %min3A_1569 {offsets = [0, 0], sizes = [8, 128], strides = [1, 1]} : vector<8x2048xf32> to vector<8x128xf32>
      %slice3A_1573 = vector.extract_strided_slice %min3A_1569 {offsets = [0, 128], sizes = [8, 128], strides = [1, 1]} : vector<8x2048xf32> to vector<8x128xf32>
      %slice3A_1574 = vector.extract_strided_slice %min3A_1569 {offsets = [0, 256], sizes = [8, 128], strides = [1, 1]} : vector<8x2048xf32> to vector<8x128xf32>
      %slice3A_1575 = vector.extract_strided_slice %min3A_1569 {offsets = [0, 384], sizes = [8, 128], strides = [1, 1]} : vector<8x2048xf32> to vector<8x128xf32>
      %slice3A_1576 = vector.extract_strided_slice %min3A_1569 {offsets = [0, 512], sizes = [8, 128], strides = [1, 1]} : vector<8x2048xf32> to vector<8x128xf32>
      %slice3A_1577 = vector.extract_strided_slice %min3A_1569 {offsets = [0, 640], sizes = [8, 128], strides = [1, 1]} : vector<8x2048xf32> to vector<8x128xf32>
      %slice3A_1578 = vector.extract_strided_slice %min3A_1569 {offsets = [0, 768], sizes = [8, 128], strides = [1, 1]} : vector<8x2048xf32> to vector<8x128xf32>
      %slice3A_1579 = vector.extract_strided_slice %min3A_1569 {offsets = [0, 896], sizes = [8, 128], strides = [1, 1]} : vector<8x2048xf32> to vector<8x128xf32>
      %slice3A_1580 = vector.extract_strided_slice %min3A_1569 {offsets = [0, 1024], sizes = [8, 128], strides = [1, 1]} : vector<8x2048xf32> to vector<8x128xf32>
      %slice3A_1581 = vector.extract_strided_slice %min3A_1569 {offsets = [0, 1152], sizes = [8, 128], strides = [1, 1]} : vector<8x2048xf32> to vector<8x128xf32>
      %slice3A_1582 = vector.extract_strided_slice %min3A_1569 {offsets = [0, 1280], sizes = [8, 128], strides = [1, 1]} : vector<8x2048xf32> to vector<8x128xf32>
      %slice3A_1583 = vector.extract_strided_slice %min3A_1569 {offsets = [0, 1408], sizes = [8, 128], strides = [1, 1]} : vector<8x2048xf32> to vector<8x128xf32>
      %slice3A_1584 = vector.extract_strided_slice %min3A_1569 {offsets = [0, 1536], sizes = [8, 128], strides = [1, 1]} : vector<8x2048xf32> to vector<8x128xf32>
      %slice3A_1585 = vector.extract_strided_slice %min3A_1569 {offsets = [0, 1664], sizes = [8, 128], strides = [1, 1]} : vector<8x2048xf32> to vector<8x128xf32>
      %slice3A_1586 = vector.extract_strided_slice %min3A_1569 {offsets = [0, 1792], sizes = [8, 128], strides = [1, 1]} : vector<8x2048xf32> to vector<8x128xf32>
      %slice3A_1587 = vector.extract_strided_slice %min3A_1569 {offsets = [0, 1920], sizes = [8, 128], strides = [1, 1]} : vector<8x2048xf32> to vector<8x128xf32>
      %gt3A_1588 = arith.cmpf ogt, %slice3A_1572, %slice3A_1580 : vector<8x128xf32>
      %eq3A_1589 = arith.cmpf oeq, %slice3A_1572, %slice3A_1580 : vector<8x128xf32>
      %gt3A_1590 = arith.cmpf ogt, %slice3A, %slice3A_51 : vector<8x128xf32>
      %and3A_1591 = arith.andi %eq3A_1589, %gt3A_1590 : vector<8x128xi1>
      %or3A_1592 = arith.ori %gt3A_1588, %and3A_1591 : vector<8x128xi1>
      %select_n3A_1593 = arith.select %or3A_1592, %slice3A_1572, %slice3A_1580 : vector<8x128xi1>, vector<8x128xf32>
      %select_n3A_1594 = arith.select %or3A_1592, %slice3A, %slice3A_51 : vector<8x128xi1>, vector<8x128xf32>
      %gt3A_1595 = arith.cmpf ogt, %slice3A_1573, %slice3A_1581 : vector<8x128xf32>
      %eq3A_1596 = arith.cmpf oeq, %slice3A_1573, %slice3A_1581 : vector<8x128xf32>
      %gt3A_1597 = arith.cmpf ogt, %slice3A_44, %slice3A_52 : vector<8x128xf32>
      %and3A_1598 = arith.andi %eq3A_1596, %gt3A_1597 : vector<8x128xi1>
      %or3A_1599 = arith.ori %gt3A_1595, %and3A_1598 : vector<8x128xi1>
      %select_n3A_1600 = arith.select %or3A_1599, %slice3A_1573, %slice3A_1581 : vector<8x128xi1>, vector<8x128xf32>
      %select_n3A_1601 = arith.select %or3A_1599, %slice3A_44, %slice3A_52 : vector<8x128xi1>, vector<8x128xf32>
      %gt3A_1602 = arith.cmpf ogt, %slice3A_1574, %slice3A_1582 : vector<8x128xf32>
      %eq3A_1603 = arith.cmpf oeq, %slice3A_1574, %slice3A_1582 : vector<8x128xf32>
      %gt3A_1604 = arith.cmpf ogt, %slice3A_45, %slice3A_53 : vector<8x128xf32>
      %and3A_1605 = arith.andi %eq3A_1603, %gt3A_1604 : vector<8x128xi1>
      %or3A_1606 = arith.ori %gt3A_1602, %and3A_1605 : vector<8x128xi1>
      %select_n3A_1607 = arith.select %or3A_1606, %slice3A_1574, %slice3A_1582 : vector<8x128xi1>, vector<8x128xf32>
      %select_n3A_1608 = arith.select %or3A_1606, %slice3A_45, %slice3A_53 : vector<8x128xi1>, vector<8x128xf32>
      %gt3A_1609 = arith.cmpf ogt, %slice3A_1575, %slice3A_1583 : vector<8x128xf32>
      %eq3A_1610 = arith.cmpf oeq, %slice3A_1575, %slice3A_1583 : vector<8x128xf32>
      %gt3A_1611 = arith.cmpf ogt, %slice3A_46, %slice3A_54 : vector<8x128xf32>
      %and3A_1612 = arith.andi %eq3A_1610, %gt3A_1611 : vector<8x128xi1>
      %or3A_1613 = arith.ori %gt3A_1609, %and3A_1612 : vector<8x128xi1>
      %select_n3A_1614 = arith.select %or3A_1613, %slice3A_1575, %slice3A_1583 : vector<8x128xi1>, vector<8x128xf32>
      %select_n3A_1615 = arith.select %or3A_1613, %slice3A_46, %slice3A_54 : vector<8x128xi1>, vector<8x128xf32>
      %gt3A_1616 = arith.cmpf ogt, %slice3A_1576, %slice3A_1584 : vector<8x128xf32>
      %eq3A_1617 = arith.cmpf oeq, %slice3A_1576, %slice3A_1584 : vector<8x128xf32>
      %gt3A_1618 = arith.cmpf ogt, %slice3A_47, %slice3A_55 : vector<8x128xf32>
      %and3A_1619 = arith.andi %eq3A_1617, %gt3A_1618 : vector<8x128xi1>
      %or3A_1620 = arith.ori %gt3A_1616, %and3A_1619 : vector<8x128xi1>
      %select_n3A_1621 = arith.select %or3A_1620, %slice3A_1576, %slice3A_1584 : vector<8x128xi1>, vector<8x128xf32>
      %select_n3A_1622 = arith.select %or3A_1620, %slice3A_47, %slice3A_55 : vector<8x128xi1>, vector<8x128xf32>
      %gt3A_1623 = arith.cmpf ogt, %slice3A_1577, %slice3A_1585 : vector<8x128xf32>
      %eq3A_1624 = arith.cmpf oeq, %slice3A_1577, %slice3A_1585 : vector<8x128xf32>
      %gt3A_1625 = arith.cmpf ogt, %slice3A_48, %slice3A_56 : vector<8x128xf32>
      %and3A_1626 = arith.andi %eq3A_1624, %gt3A_1625 : vector<8x128xi1>
      %or3A_1627 = arith.ori %gt3A_1623, %and3A_1626 : vector<8x128xi1>
      %select_n3A_1628 = arith.select %or3A_1627, %slice3A_1577, %slice3A_1585 : vector<8x128xi1>, vector<8x128xf32>
      %select_n3A_1629 = arith.select %or3A_1627, %slice3A_48, %slice3A_56 : vector<8x128xi1>, vector<8x128xf32>
      %gt3A_1630 = arith.cmpf ogt, %slice3A_1578, %slice3A_1586 : vector<8x128xf32>
      %eq3A_1631 = arith.cmpf oeq, %slice3A_1578, %slice3A_1586 : vector<8x128xf32>
      %gt3A_1632 = arith.cmpf ogt, %slice3A_49, %slice3A_57 : vector<8x128xf32>
      %and3A_1633 = arith.andi %eq3A_1631, %gt3A_1632 : vector<8x128xi1>
      %or3A_1634 = arith.ori %gt3A_1630, %and3A_1633 : vector<8x128xi1>
      %select_n3A_1635 = arith.select %or3A_1634, %slice3A_1578, %slice3A_1586 : vector<8x128xi1>, vector<8x128xf32>
      %select_n3A_1636 = arith.select %or3A_1634, %slice3A_49, %slice3A_57 : vector<8x128xi1>, vector<8x128xf32>
      %gt3A_1637 = arith.cmpf ogt, %slice3A_1579, %slice3A_1587 : vector<8x128xf32>
      %eq3A_1638 = arith.cmpf oeq, %slice3A_1579, %slice3A_1587 : vector<8x128xf32>
      %gt3A_1639 = arith.cmpf ogt, %slice3A_50, %slice3A_58 : vector<8x128xf32>
      %and3A_1640 = arith.andi %eq3A_1638, %gt3A_1639 : vector<8x128xi1>
      %or3A_1641 = arith.ori %gt3A_1637, %and3A_1640 : vector<8x128xi1>
      %select_n3A_1642 = arith.select %or3A_1641, %slice3A_1579, %slice3A_1587 : vector<8x128xi1>, vector<8x128xf32>
      %select_n3A_1643 = arith.select %or3A_1641, %slice3A_50, %slice3A_58 : vector<8x128xi1>, vector<8x128xf32>
      %gt3A_1644 = arith.cmpf ogt, %select_n3A_1593, %select_n3A_1621 : vector<8x128xf32>
      %eq3A_1645 = arith.cmpf oeq, %select_n3A_1593, %select_n3A_1621 : vector<8x128xf32>
      %gt3A_1646 = arith.cmpf ogt, %select_n3A_1594, %select_n3A_1622 : vector<8x128xf32>
      %and3A_1647 = arith.andi %eq3A_1645, %gt3A_1646 : vector<8x128xi1>
      %or3A_1648 = arith.ori %gt3A_1644, %and3A_1647 : vector<8x128xi1>
      %select_n3A_1649 = arith.select %or3A_1648, %select_n3A_1593, %select_n3A_1621 : vector<8x128xi1>, vector<8x128xf32>
      %select_n3A_1650 = arith.select %or3A_1648, %select_n3A_1594, %select_n3A_1622 : vector<8x128xi1>, vector<8x128xf32>
      %gt3A_1651 = arith.cmpf ogt, %select_n3A_1600, %select_n3A_1628 : vector<8x128xf32>
      %eq3A_1652 = arith.cmpf oeq, %select_n3A_1600, %select_n3A_1628 : vector<8x128xf32>
      %gt3A_1653 = arith.cmpf ogt, %select_n3A_1601, %select_n3A_1629 : vector<8x128xf32>
      %and3A_1654 = arith.andi %eq3A_1652, %gt3A_1653 : vector<8x128xi1>
      %or3A_1655 = arith.ori %gt3A_1651, %and3A_1654 : vector<8x128xi1>
      %select_n3A_1656 = arith.select %or3A_1655, %select_n3A_1600, %select_n3A_1628 : vector<8x128xi1>, vector<8x128xf32>
      %select_n3A_1657 = arith.select %or3A_1655, %select_n3A_1601, %select_n3A_1629 : vector<8x128xi1>, vector<8x128xf32>
      %gt3A_1658 = arith.cmpf ogt, %select_n3A_1607, %select_n3A_1635 : vector<8x128xf32>
      %eq3A_1659 = arith.cmpf oeq, %select_n3A_1607, %select_n3A_1635 : vector<8x128xf32>
      %gt3A_1660 = arith.cmpf ogt, %select_n3A_1608, %select_n3A_1636 : vector<8x128xf32>
      %and3A_1661 = arith.andi %eq3A_1659, %gt3A_1660 : vector<8x128xi1>
      %or3A_1662 = arith.ori %gt3A_1658, %and3A_1661 : vector<8x128xi1>
      %select_n3A_1663 = arith.select %or3A_1662, %select_n3A_1607, %select_n3A_1635 : vector<8x128xi1>, vector<8x128xf32>
      %select_n3A_1664 = arith.select %or3A_1662, %select_n3A_1608, %select_n3A_1636 : vector<8x128xi1>, vector<8x128xf32>
      %gt3A_1665 = arith.cmpf ogt, %select_n3A_1614, %select_n3A_1642 : vector<8x128xf32>
      %eq3A_1666 = arith.cmpf oeq, %select_n3A_1614, %select_n3A_1642 : vector<8x128xf32>
      %gt3A_1667 = arith.cmpf ogt, %select_n3A_1615, %select_n3A_1643 : vector<8x128xf32>
      %and3A_1668 = arith.andi %eq3A_1666, %gt3A_1667 : vector<8x128xi1>
      %or3A_1669 = arith.ori %gt3A_1665, %and3A_1668 : vector<8x128xi1>
      %select_n3A_1670 = arith.select %or3A_1669, %select_n3A_1614, %select_n3A_1642 : vector<8x128xi1>, vector<8x128xf32>
      %select_n3A_1671 = arith.select %or3A_1669, %select_n3A_1615, %select_n3A_1643 : vector<8x128xi1>, vector<8x128xf32>
      %gt3A_1672 = arith.cmpf ogt, %select_n3A_1649, %select_n3A_1663 : vector<8x128xf32>
      %eq3A_1673 = arith.cmpf oeq, %select_n3A_1649, %select_n3A_1663 : vector<8x128xf32>
      %gt3A_1674 = arith.cmpf ogt, %select_n3A_1650, %select_n3A_1664 : vector<8x128xf32>
      %and3A_1675 = arith.andi %eq3A_1673, %gt3A_1674 : vector<8x128xi1>
      %or3A_1676 = arith.ori %gt3A_1672, %and3A_1675 : vector<8x128xi1>
      %select_n3A_1677 = arith.select %or3A_1676, %select_n3A_1649, %select_n3A_1663 : vector<8x128xi1>, vector<8x128xf32>
      %select_n3A_1678 = arith.select %or3A_1676, %select_n3A_1650, %select_n3A_1664 : vector<8x128xi1>, vector<8x128xf32>
      %gt3A_1679 = arith.cmpf ogt, %select_n3A_1656, %select_n3A_1670 : vector<8x128xf32>
      %eq3A_1680 = arith.cmpf oeq, %select_n3A_1656, %select_n3A_1670 : vector<8x128xf32>
      %gt3A_1681 = arith.cmpf ogt, %select_n3A_1657, %select_n3A_1671 : vector<8x128xf32>
      %and3A_1682 = arith.andi %eq3A_1680, %gt3A_1681 : vector<8x128xi1>
      %or3A_1683 = arith.ori %gt3A_1679, %and3A_1682 : vector<8x128xi1>
      %select_n3A_1684 = arith.select %or3A_1683, %select_n3A_1656, %select_n3A_1670 : vector<8x128xi1>, vector<8x128xf32>
      %select_n3A_1685 = arith.select %or3A_1683, %select_n3A_1657, %select_n3A_1671 : vector<8x128xi1>, vector<8x128xf32>
      %gt3A_1686 = arith.cmpf ogt, %select_n3A_1677, %select_n3A_1684 : vector<8x128xf32>
      %eq3A_1687 = arith.cmpf oeq, %select_n3A_1677, %select_n3A_1684 : vector<8x128xf32>
      %gt3A_1688 = arith.cmpf ogt, %select_n3A_1678, %select_n3A_1685 : vector<8x128xf32>
      %and3A_1689 = arith.andi %eq3A_1687, %gt3A_1688 : vector<8x128xi1>
      %or3A_1690 = arith.ori %gt3A_1686, %and3A_1689 : vector<8x128xi1>
      %select_n3A_1691 = arith.select %or3A_1690, %select_n3A_1677, %select_n3A_1684 : vector<8x128xi1>, vector<8x128xf32>
      %select_n3A_1692 = arith.select %or3A_1690, %select_n3A_1678, %select_n3A_1685 : vector<8x128xi1>, vector<8x128xf32>
      %reduce_max3A_1693 = arith.constant dense<0xFF800000> : vector<8xf32>
      %reduce_max3A_1694 = vector.multi_reduction <maximumf>, %select_n3A_1691, %reduce_max3A_1693 [1] : vector<8x128xf32> to vector<8xf32>
      %broadcast_in_dim3A_1695 = vector.shape_cast %reduce_max3A_1694 : vector<8xf32> to vector<8x1xf32>
      %eq3A_1696 = vector.broadcast %broadcast_in_dim3A_1695 : vector<8x1xf32> to vector<8x128xf32>
      %eq3A_1697 = arith.cmpf oeq, %select_n3A_1691, %eq3A_1696 : vector<8x128xf32>
      %jit3A_1698 = arith.constant -1.000000e+00 : f32
      %broadcast_in_dim3A_1699 = vector.broadcast %jit3A_1698 : f32 to vector<8x128xf32>
      %select_n3A_1700 = arith.select %eq3A_1697, %select_n3A_1692, %broadcast_in_dim3A_1699 : vector<8x128xi1>, vector<8x128xf32>
      %reduce_max3A_1701 = arith.constant dense<0xFF800000> : vector<8xf32>
      %reduce_max3A_1702 = vector.multi_reduction <maximumf>, %select_n3A_1700, %reduce_max3A_1701 [1] : vector<8x128xf32> to vector<8xf32>
      %broadcast_in_dim3A_1703 = vector.shape_cast %reduce_max3A_1702 : vector<8xf32> to vector<8x1xf32>
      %sub3A_1704 = arith.constant 4.095000e+03 : f32
      %sub3A_1705 = vector.broadcast %sub3A_1704 : f32 to vector<8x1xf32>
      %sub3A_1706 = arith.subf %sub3A_1705, %broadcast_in_dim3A_1703 : vector<8x1xf32>
      %convert_element_type3A_1707 = arith.fptosi %sub3A_1706 : vector<8x1xf32> to vector<8x1xi32>
      %slice3A_1708 = vector.extract_strided_slice %broadcast_in_dim3A_1695 {offsets = [0, 0], sizes = [1, 1], strides = [1, 1]} : vector<8x1xf32> to vector<1x1xf32>
      %squeeze3A_1709 = vector.extract %slice3A_1708[0, 0] : f32 from vector<1x1xf32>
      %slice3A_1710 = vector.extract_strided_slice %broadcast_in_dim3A_1695 {offsets = [4, 0], sizes = [1, 1], strides = [1, 1]} : vector<8x1xf32> to vector<1x1xf32>
      %squeeze3A_1711 = vector.extract %slice3A_1710[0, 0] : f32 from vector<1x1xf32>
      %ge3A_1712 = arith.cmpf oge, %squeeze3A_1709, %squeeze3A_1711 : f32
      %slice3A_1713 = vector.extract_strided_slice %convert_element_type3A_1707 {offsets = [0, 0], sizes = [1, 1], strides = [1, 1]} : vector<8x1xi32> to vector<1x1xi32>
      %squeeze3A_1714 = vector.extract %slice3A_1713[0, 0] : i32 from vector<1x1xi32>
      %slice3A_1715 = vector.extract_strided_slice %convert_element_type3A_1707 {offsets = [4, 0], sizes = [1, 1], strides = [1, 1]} : vector<8x1xi32> to vector<1x1xi32>
      %squeeze3A_1716 = vector.extract %slice3A_1715[0, 0] : i32 from vector<1x1xi32>
      %select_n3A_1717 = arith.select %ge3A_1712, %squeeze3A_1714, %squeeze3A_1716 : i32
      %slice3A_1718 = vector.extract_strided_slice %broadcast_in_dim3A_1695 {offsets = [1, 0], sizes = [1, 1], strides = [1, 1]} : vector<8x1xf32> to vector<1x1xf32>
      %squeeze3A_1719 = vector.extract %slice3A_1718[0, 0] : f32 from vector<1x1xf32>
      %slice3A_1720 = vector.extract_strided_slice %broadcast_in_dim3A_1695 {offsets = [5, 0], sizes = [1, 1], strides = [1, 1]} : vector<8x1xf32> to vector<1x1xf32>
      %squeeze3A_1721 = vector.extract %slice3A_1720[0, 0] : f32 from vector<1x1xf32>
      %ge3A_1722 = arith.cmpf oge, %squeeze3A_1719, %squeeze3A_1721 : f32
      %slice3A_1723 = vector.extract_strided_slice %convert_element_type3A_1707 {offsets = [1, 0], sizes = [1, 1], strides = [1, 1]} : vector<8x1xi32> to vector<1x1xi32>
      %squeeze3A_1724 = vector.extract %slice3A_1723[0, 0] : i32 from vector<1x1xi32>
      %slice3A_1725 = vector.extract_strided_slice %convert_element_type3A_1707 {offsets = [5, 0], sizes = [1, 1], strides = [1, 1]} : vector<8x1xi32> to vector<1x1xi32>
      %squeeze3A_1726 = vector.extract %slice3A_1725[0, 0] : i32 from vector<1x1xi32>
      %select_n3A_1727 = arith.select %ge3A_1722, %squeeze3A_1724, %squeeze3A_1726 : i32
      %slice3A_1728 = vector.extract_strided_slice %broadcast_in_dim3A_1695 {offsets = [2, 0], sizes = [1, 1], strides = [1, 1]} : vector<8x1xf32> to vector<1x1xf32>
      %squeeze3A_1729 = vector.extract %slice3A_1728[0, 0] : f32 from vector<1x1xf32>
      %slice3A_1730 = vector.extract_strided_slice %broadcast_in_dim3A_1695 {offsets = [6, 0], sizes = [1, 1], strides = [1, 1]} : vector<8x1xf32> to vector<1x1xf32>
      %squeeze3A_1731 = vector.extract %slice3A_1730[0, 0] : f32 from vector<1x1xf32>
      %ge3A_1732 = arith.cmpf oge, %squeeze3A_1729, %squeeze3A_1731 : f32
      %slice3A_1733 = vector.extract_strided_slice %convert_element_type3A_1707 {offsets = [2, 0], sizes = [1, 1], strides = [1, 1]} : vector<8x1xi32> to vector<1x1xi32>
      %squeeze3A_1734 = vector.extract %slice3A_1733[0, 0] : i32 from vector<1x1xi32>
      %slice3A_1735 = vector.extract_strided_slice %convert_element_type3A_1707 {offsets = [6, 0], sizes = [1, 1], strides = [1, 1]} : vector<8x1xi32> to vector<1x1xi32>
      %squeeze3A_1736 = vector.extract %slice3A_1735[0, 0] : i32 from vector<1x1xi32>
      %select_n3A_1737 = arith.select %ge3A_1732, %squeeze3A_1734, %squeeze3A_1736 : i32
      %slice3A_1738 = vector.extract_strided_slice %broadcast_in_dim3A_1695 {offsets = [3, 0], sizes = [1, 1], strides = [1, 1]} : vector<8x1xf32> to vector<1x1xf32>
      %squeeze3A_1739 = vector.extract %slice3A_1738[0, 0] : f32 from vector<1x1xf32>
      %slice3A_1740 = vector.extract_strided_slice %broadcast_in_dim3A_1695 {offsets = [7, 0], sizes = [1, 1], strides = [1, 1]} : vector<8x1xf32> to vector<1x1xf32>
      %squeeze3A_1741 = vector.extract %slice3A_1740[0, 0] : f32 from vector<1x1xf32>
      %ge3A_1742 = arith.cmpf oge, %squeeze3A_1739, %squeeze3A_1741 : f32
      %slice3A_1743 = vector.extract_strided_slice %convert_element_type3A_1707 {offsets = [3, 0], sizes = [1, 1], strides = [1, 1]} : vector<8x1xi32> to vector<1x1xi32>
      %squeeze3A_1744 = vector.extract %slice3A_1743[0, 0] : i32 from vector<1x1xi32>
      %slice3A_1745 = vector.extract_strided_slice %convert_element_type3A_1707 {offsets = [7, 0], sizes = [1, 1], strides = [1, 1]} : vector<8x1xi32> to vector<1x1xi32>
      %squeeze3A_1746 = vector.extract %slice3A_1745[0, 0] : i32 from vector<1x1xi32>
      %select_n3A_1747 = arith.select %ge3A_1742, %squeeze3A_1744, %squeeze3A_1746 : i32
      %get3A_1748 = arith.constant 0 : index
      %get3A_1749 = arith.constant 0 : index
      %get3A_1750 = arith.index_cast %select_n3A_1717 : i32 to index
      %get3A_1751 = memref.load %arg2[%get3A_1748, %get3A_1749, %get3A_1750] : memref<3x4x4096xf32, #tpu.memory_space<smem>>
      %get3A_1752 = arith.constant 0 : index
      %get3A_1753 = arith.constant 1 : index
      %get3A_1754 = arith.index_cast %select_n3A_1727 : i32 to index
      %get3A_1755 = memref.load %arg2[%get3A_1752, %get3A_1753, %get3A_1754] : memref<3x4x4096xf32, #tpu.memory_space<smem>>
      %get3A_1756 = arith.constant 0 : index
      %get3A_1757 = arith.constant 2 : index
      %get3A_1758 = arith.index_cast %select_n3A_1737 : i32 to index
      %get3A_1759 = memref.load %arg2[%get3A_1756, %get3A_1757, %get3A_1758] : memref<3x4x4096xf32, #tpu.memory_space<smem>>
      %get3A_1760 = arith.constant 0 : index
      %get3A_1761 = arith.constant 3 : index
      %get3A_1762 = arith.index_cast %select_n3A_1747 : i32 to index
      %get3A_1763 = memref.load %arg2[%get3A_1760, %get3A_1761, %get3A_1762] : memref<3x4x4096xf32, #tpu.memory_space<smem>>
      %broadcast_in_dim3A_1764 = vector.broadcast %get3A_1759 : f32 to vector<8x2048xf32>
      %broadcast_in_dim3A_1765 = vector.broadcast %get3A_1763 : f32 to vector<8x2048xf32>
      %select_n3A_1766 = arith.select %eq3A_43, %broadcast_in_dim3A_1764, %broadcast_in_dim3A_1765 : vector<8x2048xi1>, vector<8x2048xf32>
      %broadcast_in_dim3A_1767 = vector.broadcast %get3A_1755 : f32 to vector<8x2048xf32>
      %select_n3A_1768 = arith.select %eq3A_37, %broadcast_in_dim3A_1767, %select_n3A_1766 : vector<8x2048xi1>, vector<8x2048xf32>
      %broadcast_in_dim3A_1769 = vector.broadcast %get3A_1751 : f32 to vector<8x2048xf32>
      %select_n3A_1770 = arith.select %eq3A_31, %broadcast_in_dim3A_1769, %select_n3A_1768 : vector<8x2048xi1>, vector<8x2048xf32>
      %get3A_1771 = arith.constant 1 : index
      %get3A_1772 = arith.constant 0 : index
      %get3A_1773 = arith.index_cast %select_n3A_1717 : i32 to index
      %get3A_1774 = memref.load %arg2[%get3A_1771, %get3A_1772, %get3A_1773] : memref<3x4x4096xf32, #tpu.memory_space<smem>>
      %get3A_1775 = arith.constant 1 : index
      %get3A_1776 = arith.constant 1 : index
      %get3A_1777 = arith.index_cast %select_n3A_1727 : i32 to index
      %get3A_1778 = memref.load %arg2[%get3A_1775, %get3A_1776, %get3A_1777] : memref<3x4x4096xf32, #tpu.memory_space<smem>>
      %get3A_1779 = arith.constant 1 : index
      %get3A_1780 = arith.constant 2 : index
      %get3A_1781 = arith.index_cast %select_n3A_1737 : i32 to index
      %get3A_1782 = memref.load %arg2[%get3A_1779, %get3A_1780, %get3A_1781] : memref<3x4x4096xf32, #tpu.memory_space<smem>>
      %get3A_1783 = arith.constant 1 : index
      %get3A_1784 = arith.constant 3 : index
      %get3A_1785 = arith.index_cast %select_n3A_1747 : i32 to index
      %get3A_1786 = memref.load %arg2[%get3A_1783, %get3A_1784, %get3A_1785] : memref<3x4x4096xf32, #tpu.memory_space<smem>>
      %broadcast_in_dim3A_1787 = vector.broadcast %get3A_1782 : f32 to vector<8x2048xf32>
      %broadcast_in_dim3A_1788 = vector.broadcast %get3A_1786 : f32 to vector<8x2048xf32>
      %select_n3A_1789 = arith.select %eq3A_43, %broadcast_in_dim3A_1787, %broadcast_in_dim3A_1788 : vector<8x2048xi1>, vector<8x2048xf32>
      %broadcast_in_dim3A_1790 = vector.broadcast %get3A_1778 : f32 to vector<8x2048xf32>
      %select_n3A_1791 = arith.select %eq3A_37, %broadcast_in_dim3A_1790, %select_n3A_1789 : vector<8x2048xi1>, vector<8x2048xf32>
      %broadcast_in_dim3A_1792 = vector.broadcast %get3A_1774 : f32 to vector<8x2048xf32>
      %select_n3A_1793 = arith.select %eq3A_31, %broadcast_in_dim3A_1792, %select_n3A_1791 : vector<8x2048xi1>, vector<8x2048xf32>
      %get3A_1794 = arith.constant 2 : index
      %get3A_1795 = arith.constant 0 : index
      %get3A_1796 = arith.index_cast %select_n3A_1717 : i32 to index
      %get3A_1797 = memref.load %arg2[%get3A_1794, %get3A_1795, %get3A_1796] : memref<3x4x4096xf32, #tpu.memory_space<smem>>
      %get3A_1798 = arith.constant 2 : index
      %get3A_1799 = arith.constant 1 : index
      %get3A_1800 = arith.index_cast %select_n3A_1727 : i32 to index
      %get3A_1801 = memref.load %arg2[%get3A_1798, %get3A_1799, %get3A_1800] : memref<3x4x4096xf32, #tpu.memory_space<smem>>
      %get3A_1802 = arith.constant 2 : index
      %get3A_1803 = arith.constant 2 : index
      %get3A_1804 = arith.index_cast %select_n3A_1737 : i32 to index
      %get3A_1805 = memref.load %arg2[%get3A_1802, %get3A_1803, %get3A_1804] : memref<3x4x4096xf32, #tpu.memory_space<smem>>
      %get3A_1806 = arith.constant 2 : index
      %get3A_1807 = arith.constant 3 : index
      %get3A_1808 = arith.index_cast %select_n3A_1747 : i32 to index
      %get3A_1809 = memref.load %arg2[%get3A_1806, %get3A_1807, %get3A_1808] : memref<3x4x4096xf32, #tpu.memory_space<smem>>
      %broadcast_in_dim3A_1810 = vector.broadcast %get3A_1805 : f32 to vector<8x2048xf32>
      %broadcast_in_dim3A_1811 = vector.broadcast %get3A_1809 : f32 to vector<8x2048xf32>
      %select_n3A_1812 = arith.select %eq3A_43, %broadcast_in_dim3A_1810, %broadcast_in_dim3A_1811 : vector<8x2048xi1>, vector<8x2048xf32>
      %broadcast_in_dim3A_1813 = vector.broadcast %get3A_1801 : f32 to vector<8x2048xf32>
      %select_n3A_1814 = arith.select %eq3A_37, %broadcast_in_dim3A_1813, %select_n3A_1812 : vector<8x2048xi1>, vector<8x2048xf32>
      %broadcast_in_dim3A_1815 = vector.broadcast %get3A_1797 : f32 to vector<8x2048xf32>
      %select_n3A_1816 = arith.select %eq3A_31, %broadcast_in_dim3A_1815, %select_n3A_1814 : vector<8x2048xi1>, vector<8x2048xf32>
      %broadcast_in_dim3A_1817 = vector.broadcast %select_n3A_1737 : i32 to vector<8x2048xi32>
      %broadcast_in_dim3A_1818 = vector.broadcast %select_n3A_1747 : i32 to vector<8x2048xi32>
      %select_n3A_1819 = arith.select %eq3A_43, %broadcast_in_dim3A_1817, %broadcast_in_dim3A_1818 : vector<8x2048xi1>, vector<8x2048xi32>
      %broadcast_in_dim3A_1820 = vector.broadcast %select_n3A_1727 : i32 to vector<8x2048xi32>
      %select_n3A_1821 = arith.select %eq3A_37, %broadcast_in_dim3A_1820, %select_n3A_1819 : vector<8x2048xi1>, vector<8x2048xi32>
      %broadcast_in_dim3A_1822 = vector.broadcast %select_n3A_1717 : i32 to vector<8x2048xi32>
      %select_n3A_1823 = arith.select %eq3A_31, %broadcast_in_dim3A_1822, %select_n3A_1821 : vector<8x2048xi1>, vector<8x2048xi32>
      %sub3A_1824 = arith.subf %get3A_3, %select_n3A_1770 : vector<8x2048xf32>
      %sub3A_1825 = arith.subf %get3A_8, %select_n3A_1793 : vector<8x2048xf32>
      %sub3A_1826 = arith.subf %get3A_13, %select_n3A_1816 : vector<8x2048xf32>
      %mul3A_1827 = arith.mulf %sub3A_1824, %sub3A_1824 : vector<8x2048xf32>
      %mul3A_1828 = arith.mulf %sub3A_1825, %sub3A_1825 : vector<8x2048xf32>
      %add3A_1829 = arith.addf %mul3A_1827, %mul3A_1828 : vector<8x2048xf32>
      %mul3A_1830 = arith.mulf %sub3A_1826, %sub3A_1826 : vector<8x2048xf32>
      %add3A_1831 = arith.addf %add3A_1829, %mul3A_1830 : vector<8x2048xf32>
      %add3A_1832 = arith.constant 9.99999996E-13 : f32
      %add3A_1833 = vector.broadcast %add3A_1832 : f32 to vector<8x2048xf32>
      %add3A_1834 = arith.addf %add3A_1831, %add3A_1833 : vector<8x2048xf32>
      %sqrt3A_1835 = math.sqrt %add3A_1834 : vector<8x2048xf32>
      %eq3A_1836 = vector.broadcast %scan3A_1571 : i32 to vector<8x1024xi32>
      %eq3A_1837 = arith.cmpi eq, %iota3A_19, %eq3A_1836 : vector<8x1024xi32>
      %slice3A_1838 = vector.extract_strided_slice %select_n3A_1823 {offsets = [0, 0], sizes = [8, 1024], strides = [1, 1]} : vector<8x2048xi32> to vector<8x1024xi32>
      %add3A_1839 = arith.addi %slice3A_1838, %mul3A_24 : vector<8x1024xi32>
      %get3A_1840 = arith.constant 0 : index
      %get3A_1841 = arith.constant 0 : index
      %get3A_1842 = vector.load %arg3[%get3A_1840, %get3A_1841] : memref<8x1024xi32, #tpu.memory_space<vmem>>, vector<8x1024xi32>
      %select_n3A_1843 = arith.select %eq3A_1837, %add3A_1839, %get3A_1842 : vector<8x1024xi1>, vector<8x1024xi32>
      %swap3A_1844 = arith.constant 0 : index
      %swap3A_1845 = arith.constant 0 : index
      %swap3A_1846 = vector.load %arg3[%swap3A_1844, %swap3A_1845] : memref<8x1024xi32, #tpu.memory_space<vmem>>, vector<8x1024xi32>
      tpu.vector_store %arg3[%swap3A_1844, %swap3A_1845], %select_n3A_1843 {strides = array<i32>} : memref<8x1024xi32, #tpu.memory_space<vmem>>, vector<8x1024xi32>,
      %slice3A_1847 = vector.extract_strided_slice %select_n3A_1770 {offsets = [0, 0], sizes = [8, 1024], strides = [1, 1]} : vector<8x2048xf32> to vector<8x1024xf32>
      %get3A_1848 = arith.constant 0 : index
      %get3A_1849 = arith.constant 0 : index
      %get3A_1850 = vector.load %arg4[%get3A_1848, %get3A_1849] : memref<8x1024xf32, #tpu.memory_space<vmem>>, vector<8x1024xf32>
      %select_n3A_1851 = arith.select %eq3A_1837, %slice3A_1847, %get3A_1850 : vector<8x1024xi1>, vector<8x1024xf32>
      %swap3A_1852 = arith.constant 0 : index
      %swap3A_1853 = arith.constant 0 : index
      %swap3A_1854 = vector.load %arg4[%swap3A_1852, %swap3A_1853] : memref<8x1024xf32, #tpu.memory_space<vmem>>, vector<8x1024xf32>
      tpu.vector_store %arg4[%swap3A_1852, %swap3A_1853], %select_n3A_1851 {strides = array<i32>} : memref<8x1024xf32, #tpu.memory_space<vmem>>, vector<8x1024xf32>,
      %slice3A_1855 = vector.extract_strided_slice %select_n3A_1793 {offsets = [0, 0], sizes = [8, 1024], strides = [1, 1]} : vector<8x2048xf32> to vector<8x1024xf32>
      %get3A_1856 = arith.constant 0 : index
      %get3A_1857 = arith.constant 0 : index
      %get3A_1858 = vector.load %arg5[%get3A_1856, %get3A_1857] : memref<8x1024xf32, #tpu.memory_space<vmem>>, vector<8x1024xf32>
      %select_n3A_1859 = arith.select %eq3A_1837, %slice3A_1855, %get3A_1858 : vector<8x1024xi1>, vector<8x1024xf32>
      %swap3A_1860 = arith.constant 0 : index
      %swap3A_1861 = arith.constant 0 : index
      %swap3A_1862 = vector.load %arg5[%swap3A_1860, %swap3A_1861] : memref<8x1024xf32, #tpu.memory_space<vmem>>, vector<8x1024xf32>
      tpu.vector_store %arg5[%swap3A_1860, %swap3A_1861], %select_n3A_1859 {strides = array<i32>} : memref<8x1024xf32, #tpu.memory_space<vmem>>, vector<8x1024xf32>,
      %slice3A_1863 = vector.extract_strided_slice %select_n3A_1816 {offsets = [0, 0], sizes = [8, 1024], strides = [1, 1]} : vector<8x2048xf32> to vector<8x1024xf32>
      %get3A_1864 = arith.constant 0 : index
      %get3A_1865 = arith.constant 0 : index
      %get3A_1866 = vector.load %arg6[%get3A_1864, %get3A_1865] : memref<8x1024xf32, #tpu.memory_space<vmem>>, vector<8x1024xf32>
      %select_n3A_1867 = arith.select %eq3A_1837, %slice3A_1863, %get3A_1866 : vector<8x1024xi1>, vector<8x1024xf32>
      %swap3A_1868 = arith.constant 0 : index
      %swap3A_1869 = arith.constant 0 : index
      %swap3A_1870 = vector.load %arg6[%swap3A_1868, %swap3A_1869] : memref<8x1024xf32, #tpu.memory_space<vmem>>, vector<8x1024xf32>
      tpu.vector_store %arg6[%swap3A_1868, %swap3A_1869], %select_n3A_1867 {strides = array<i32>} : memref<8x1024xf32, #tpu.memory_space<vmem>>, vector<8x1024xf32>,
      %min3A_1871 = arith.minimumf %min3A_1569, %sqrt3A_1835 : vector<8x2048xf32>
      %scan3A_1872 = arith.constant 6 : i32
      %scan3A_1873 = arith.addi %scan3A_67, %scan3A_1872 : i32
      %slice3A_1874 = vector.extract_strided_slice %min3A_1871 {offsets = [0, 0], sizes = [8, 128], strides = [1, 1]} : vector<8x2048xf32> to vector<8x128xf32>
      %slice3A_1875 = vector.extract_strided_slice %min3A_1871 {offsets = [0, 128], sizes = [8, 128], strides = [1, 1]} : vector<8x2048xf32> to vector<8x128xf32>
      %slice3A_1876 = vector.extract_strided_slice %min3A_1871 {offsets = [0, 256], sizes = [8, 128], strides = [1, 1]} : vector<8x2048xf32> to vector<8x128xf32>
      %slice3A_1877 = vector.extract_strided_slice %min3A_1871 {offsets = [0, 384], sizes = [8, 128], strides = [1, 1]} : vector<8x2048xf32> to vector<8x128xf32>
      %slice3A_1878 = vector.extract_strided_slice %min3A_1871 {offsets = [0, 512], sizes = [8, 128], strides = [1, 1]} : vector<8x2048xf32> to vector<8x128xf32>
      %slice3A_1879 = vector.extract_strided_slice %min3A_1871 {offsets = [0, 640], sizes = [8, 128], strides = [1, 1]} : vector<8x2048xf32> to vector<8x128xf32>
      %slice3A_1880 = vector.extract_strided_slice %min3A_1871 {offsets = [0, 768], sizes = [8, 128], strides = [1, 1]} : vector<8x2048xf32> to vector<8x128xf32>
      %slice3A_1881 = vector.extract_strided_slice %min3A_1871 {offsets = [0, 896], sizes = [8, 128], strides = [1, 1]} : vector<8x2048xf32> to vector<8x128xf32>
      %slice3A_1882 = vector.extract_strided_slice %min3A_1871 {offsets = [0, 1024], sizes = [8, 128], strides = [1, 1]} : vector<8x2048xf32> to vector<8x128xf32>
      %slice3A_1883 = vector.extract_strided_slice %min3A_1871 {offsets = [0, 1152], sizes = [8, 128], strides = [1, 1]} : vector<8x2048xf32> to vector<8x128xf32>
      %slice3A_1884 = vector.extract_strided_slice %min3A_1871 {offsets = [0, 1280], sizes = [8, 128], strides = [1, 1]} : vector<8x2048xf32> to vector<8x128xf32>
      %slice3A_1885 = vector.extract_strided_slice %min3A_1871 {offsets = [0, 1408], sizes = [8, 128], strides = [1, 1]} : vector<8x2048xf32> to vector<8x128xf32>
      %slice3A_1886 = vector.extract_strided_slice %min3A_1871 {offsets = [0, 1536], sizes = [8, 128], strides = [1, 1]} : vector<8x2048xf32> to vector<8x128xf32>
      %slice3A_1887 = vector.extract_strided_slice %min3A_1871 {offsets = [0, 1664], sizes = [8, 128], strides = [1, 1]} : vector<8x2048xf32> to vector<8x128xf32>
      %slice3A_1888 = vector.extract_strided_slice %min3A_1871 {offsets = [0, 1792], sizes = [8, 128], strides = [1, 1]} : vector<8x2048xf32> to vector<8x128xf32>
      %slice3A_1889 = vector.extract_strided_slice %min3A_1871 {offsets = [0, 1920], sizes = [8, 128], strides = [1, 1]} : vector<8x2048xf32> to vector<8x128xf32>
      %gt3A_1890 = arith.cmpf ogt, %slice3A_1874, %slice3A_1882 : vector<8x128xf32>
      %eq3A_1891 = arith.cmpf oeq, %slice3A_1874, %slice3A_1882 : vector<8x128xf32>
      %gt3A_1892 = arith.cmpf ogt, %slice3A, %slice3A_51 : vector<8x128xf32>
      %and3A_1893 = arith.andi %eq3A_1891, %gt3A_1892 : vector<8x128xi1>
      %or3A_1894 = arith.ori %gt3A_1890, %and3A_1893 : vector<8x128xi1>
      %select_n3A_1895 = arith.select %or3A_1894, %slice3A_1874, %slice3A_1882 : vector<8x128xi1>, vector<8x128xf32>
      %select_n3A_1896 = arith.select %or3A_1894, %slice3A, %slice3A_51 : vector<8x128xi1>, vector<8x128xf32>
      %gt3A_1897 = arith.cmpf ogt, %slice3A_1875, %slice3A_1883 : vector<8x128xf32>
      %eq3A_1898 = arith.cmpf oeq, %slice3A_1875, %slice3A_1883 : vector<8x128xf32>
      %gt3A_1899 = arith.cmpf ogt, %slice3A_44, %slice3A_52 : vector<8x128xf32>
      %and3A_1900 = arith.andi %eq3A_1898, %gt3A_1899 : vector<8x128xi1>
      %or3A_1901 = arith.ori %gt3A_1897, %and3A_1900 : vector<8x128xi1>
      %select_n3A_1902 = arith.select %or3A_1901, %slice3A_1875, %slice3A_1883 : vector<8x128xi1>, vector<8x128xf32>
      %select_n3A_1903 = arith.select %or3A_1901, %slice3A_44, %slice3A_52 : vector<8x128xi1>, vector<8x128xf32>
      %gt3A_1904 = arith.cmpf ogt, %slice3A_1876, %slice3A_1884 : vector<8x128xf32>
      %eq3A_1905 = arith.cmpf oeq, %slice3A_1876, %slice3A_1884 : vector<8x128xf32>
      %gt3A_1906 = arith.cmpf ogt, %slice3A_45, %slice3A_53 : vector<8x128xf32>
      %and3A_1907 = arith.andi %eq3A_1905, %gt3A_1906 : vector<8x128xi1>
      %or3A_1908 = arith.ori %gt3A_1904, %and3A_1907 : vector<8x128xi1>
      %select_n3A_1909 = arith.select %or3A_1908, %slice3A_1876, %slice3A_1884 : vector<8x128xi1>, vector<8x128xf32>
      %select_n3A_1910 = arith.select %or3A_1908, %slice3A_45, %slice3A_53 : vector<8x128xi1>, vector<8x128xf32>
      %gt3A_1911 = arith.cmpf ogt, %slice3A_1877, %slice3A_1885 : vector<8x128xf32>
      %eq3A_1912 = arith.cmpf oeq, %slice3A_1877, %slice3A_1885 : vector<8x128xf32>
      %gt3A_1913 = arith.cmpf ogt, %slice3A_46, %slice3A_54 : vector<8x128xf32>
      %and3A_1914 = arith.andi %eq3A_1912, %gt3A_1913 : vector<8x128xi1>
      %or3A_1915 = arith.ori %gt3A_1911, %and3A_1914 : vector<8x128xi1>
      %select_n3A_1916 = arith.select %or3A_1915, %slice3A_1877, %slice3A_1885 : vector<8x128xi1>, vector<8x128xf32>
      %select_n3A_1917 = arith.select %or3A_1915, %slice3A_46, %slice3A_54 : vector<8x128xi1>, vector<8x128xf32>
      %gt3A_1918 = arith.cmpf ogt, %slice3A_1878, %slice3A_1886 : vector<8x128xf32>
      %eq3A_1919 = arith.cmpf oeq, %slice3A_1878, %slice3A_1886 : vector<8x128xf32>
      %gt3A_1920 = arith.cmpf ogt, %slice3A_47, %slice3A_55 : vector<8x128xf32>
      %and3A_1921 = arith.andi %eq3A_1919, %gt3A_1920 : vector<8x128xi1>
      %or3A_1922 = arith.ori %gt3A_1918, %and3A_1921 : vector<8x128xi1>
      %select_n3A_1923 = arith.select %or3A_1922, %slice3A_1878, %slice3A_1886 : vector<8x128xi1>, vector<8x128xf32>
      %select_n3A_1924 = arith.select %or3A_1922, %slice3A_47, %slice3A_55 : vector<8x128xi1>, vector<8x128xf32>
      %gt3A_1925 = arith.cmpf ogt, %slice3A_1879, %slice3A_1887 : vector<8x128xf32>
      %eq3A_1926 = arith.cmpf oeq, %slice3A_1879, %slice3A_1887 : vector<8x128xf32>
      %gt3A_1927 = arith.cmpf ogt, %slice3A_48, %slice3A_56 : vector<8x128xf32>
      %and3A_1928 = arith.andi %eq3A_1926, %gt3A_1927 : vector<8x128xi1>
      %or3A_1929 = arith.ori %gt3A_1925, %and3A_1928 : vector<8x128xi1>
      %select_n3A_1930 = arith.select %or3A_1929, %slice3A_1879, %slice3A_1887 : vector<8x128xi1>, vector<8x128xf32>
      %select_n3A_1931 = arith.select %or3A_1929, %slice3A_48, %slice3A_56 : vector<8x128xi1>, vector<8x128xf32>
      %gt3A_1932 = arith.cmpf ogt, %slice3A_1880, %slice3A_1888 : vector<8x128xf32>
      %eq3A_1933 = arith.cmpf oeq, %slice3A_1880, %slice3A_1888 : vector<8x128xf32>
      %gt3A_1934 = arith.cmpf ogt, %slice3A_49, %slice3A_57 : vector<8x128xf32>
      %and3A_1935 = arith.andi %eq3A_1933, %gt3A_1934 : vector<8x128xi1>
      %or3A_1936 = arith.ori %gt3A_1932, %and3A_1935 : vector<8x128xi1>
      %select_n3A_1937 = arith.select %or3A_1936, %slice3A_1880, %slice3A_1888 : vector<8x128xi1>, vector<8x128xf32>
      %select_n3A_1938 = arith.select %or3A_1936, %slice3A_49, %slice3A_57 : vector<8x128xi1>, vector<8x128xf32>
      %gt3A_1939 = arith.cmpf ogt, %slice3A_1881, %slice3A_1889 : vector<8x128xf32>
      %eq3A_1940 = arith.cmpf oeq, %slice3A_1881, %slice3A_1889 : vector<8x128xf32>
      %gt3A_1941 = arith.cmpf ogt, %slice3A_50, %slice3A_58 : vector<8x128xf32>
      %and3A_1942 = arith.andi %eq3A_1940, %gt3A_1941 : vector<8x128xi1>
      %or3A_1943 = arith.ori %gt3A_1939, %and3A_1942 : vector<8x128xi1>
      %select_n3A_1944 = arith.select %or3A_1943, %slice3A_1881, %slice3A_1889 : vector<8x128xi1>, vector<8x128xf32>
      %select_n3A_1945 = arith.select %or3A_1943, %slice3A_50, %slice3A_58 : vector<8x128xi1>, vector<8x128xf32>
      %gt3A_1946 = arith.cmpf ogt, %select_n3A_1895, %select_n3A_1923 : vector<8x128xf32>
      %eq3A_1947 = arith.cmpf oeq, %select_n3A_1895, %select_n3A_1923 : vector<8x128xf32>
      %gt3A_1948 = arith.cmpf ogt, %select_n3A_1896, %select_n3A_1924 : vector<8x128xf32>
      %and3A_1949 = arith.andi %eq3A_1947, %gt3A_1948 : vector<8x128xi1>
      %or3A_1950 = arith.ori %gt3A_1946, %and3A_1949 : vector<8x128xi1>
      %select_n3A_1951 = arith.select %or3A_1950, %select_n3A_1895, %select_n3A_1923 : vector<8x128xi1>, vector<8x128xf32>
      %select_n3A_1952 = arith.select %or3A_1950, %select_n3A_1896, %select_n3A_1924 : vector<8x128xi1>, vector<8x128xf32>
      %gt3A_1953 = arith.cmpf ogt, %select_n3A_1902, %select_n3A_1930 : vector<8x128xf32>
      %eq3A_1954 = arith.cmpf oeq, %select_n3A_1902, %select_n3A_1930 : vector<8x128xf32>
      %gt3A_1955 = arith.cmpf ogt, %select_n3A_1903, %select_n3A_1931 : vector<8x128xf32>
      %and3A_1956 = arith.andi %eq3A_1954, %gt3A_1955 : vector<8x128xi1>
      %or3A_1957 = arith.ori %gt3A_1953, %and3A_1956 : vector<8x128xi1>
      %select_n3A_1958 = arith.select %or3A_1957, %select_n3A_1902, %select_n3A_1930 : vector<8x128xi1>, vector<8x128xf32>
      %select_n3A_1959 = arith.select %or3A_1957, %select_n3A_1903, %select_n3A_1931 : vector<8x128xi1>, vector<8x128xf32>
      %gt3A_1960 = arith.cmpf ogt, %select_n3A_1909, %select_n3A_1937 : vector<8x128xf32>
      %eq3A_1961 = arith.cmpf oeq, %select_n3A_1909, %select_n3A_1937 : vector<8x128xf32>
      %gt3A_1962 = arith.cmpf ogt, %select_n3A_1910, %select_n3A_1938 : vector<8x128xf32>
      %and3A_1963 = arith.andi %eq3A_1961, %gt3A_1962 : vector<8x128xi1>
      %or3A_1964 = arith.ori %gt3A_1960, %and3A_1963 : vector<8x128xi1>
      %select_n3A_1965 = arith.select %or3A_1964, %select_n3A_1909, %select_n3A_1937 : vector<8x128xi1>, vector<8x128xf32>
      %select_n3A_1966 = arith.select %or3A_1964, %select_n3A_1910, %select_n3A_1938 : vector<8x128xi1>, vector<8x128xf32>
      %gt3A_1967 = arith.cmpf ogt, %select_n3A_1916, %select_n3A_1944 : vector<8x128xf32>
      %eq3A_1968 = arith.cmpf oeq, %select_n3A_1916, %select_n3A_1944 : vector<8x128xf32>
      %gt3A_1969 = arith.cmpf ogt, %select_n3A_1917, %select_n3A_1945 : vector<8x128xf32>
      %and3A_1970 = arith.andi %eq3A_1968, %gt3A_1969 : vector<8x128xi1>
      %or3A_1971 = arith.ori %gt3A_1967, %and3A_1970 : vector<8x128xi1>
      %select_n3A_1972 = arith.select %or3A_1971, %select_n3A_1916, %select_n3A_1944 : vector<8x128xi1>, vector<8x128xf32>
      %select_n3A_1973 = arith.select %or3A_1971, %select_n3A_1917, %select_n3A_1945 : vector<8x128xi1>, vector<8x128xf32>
      %gt3A_1974 = arith.cmpf ogt, %select_n3A_1951, %select_n3A_1965 : vector<8x128xf32>
      %eq3A_1975 = arith.cmpf oeq, %select_n3A_1951, %select_n3A_1965 : vector<8x128xf32>
      %gt3A_1976 = arith.cmpf ogt, %select_n3A_1952, %select_n3A_1966 : vector<8x128xf32>
      %and3A_1977 = arith.andi %eq3A_1975, %gt3A_1976 : vector<8x128xi1>
      %or3A_1978 = arith.ori %gt3A_1974, %and3A_1977 : vector<8x128xi1>
      %select_n3A_1979 = arith.select %or3A_1978, %select_n3A_1951, %select_n3A_1965 : vector<8x128xi1>, vector<8x128xf32>
      %select_n3A_1980 = arith.select %or3A_1978, %select_n3A_1952, %select_n3A_1966 : vector<8x128xi1>, vector<8x128xf32>
      %gt3A_1981 = arith.cmpf ogt, %select_n3A_1958, %select_n3A_1972 : vector<8x128xf32>
      %eq3A_1982 = arith.cmpf oeq, %select_n3A_1958, %select_n3A_1972 : vector<8x128xf32>
      %gt3A_1983 = arith.cmpf ogt, %select_n3A_1959, %select_n3A_1973 : vector<8x128xf32>
      %and3A_1984 = arith.andi %eq3A_1982, %gt3A_1983 : vector<8x128xi1>
      %or3A_1985 = arith.ori %gt3A_1981, %and3A_1984 : vector<8x128xi1>
      %select_n3A_1986 = arith.select %or3A_1985, %select_n3A_1958, %select_n3A_1972 : vector<8x128xi1>, vector<8x128xf32>
      %select_n3A_1987 = arith.select %or3A_1985, %select_n3A_1959, %select_n3A_1973 : vector<8x128xi1>, vector<8x128xf32>
      %gt3A_1988 = arith.cmpf ogt, %select_n3A_1979, %select_n3A_1986 : vector<8x128xf32>
      %eq3A_1989 = arith.cmpf oeq, %select_n3A_1979, %select_n3A_1986 : vector<8x128xf32>
      %gt3A_1990 = arith.cmpf ogt, %select_n3A_1980, %select_n3A_1987 : vector<8x128xf32>
      %and3A_1991 = arith.andi %eq3A_1989, %gt3A_1990 : vector<8x128xi1>
      %or3A_1992 = arith.ori %gt3A_1988, %and3A_1991 : vector<8x128xi1>
      %select_n3A_1993 = arith.select %or3A_1992, %select_n3A_1979, %select_n3A_1986 : vector<8x128xi1>, vector<8x128xf32>
      %select_n3A_1994 = arith.select %or3A_1992, %select_n3A_1980, %select_n3A_1987 : vector<8x128xi1>, vector<8x128xf32>
      %reduce_max3A_1995 = arith.constant dense<0xFF800000> : vector<8xf32>
      %reduce_max3A_1996 = vector.multi_reduction <maximumf>, %select_n3A_1993, %reduce_max3A_1995 [1] : vector<8x128xf32> to vector<8xf32>
      %broadcast_in_dim3A_1997 = vector.shape_cast %reduce_max3A_1996 : vector<8xf32> to vector<8x1xf32>
      %eq3A_1998 = vector.broadcast %broadcast_in_dim3A_1997 : vector<8x1xf32> to vector<8x128xf32>
      %eq3A_1999 = arith.cmpf oeq, %select_n3A_1993, %eq3A_1998 : vector<8x128xf32>
      %jit3A_2000 = arith.constant -1.000000e+00 : f32
      %broadcast_in_dim3A_2001 = vector.broadcast %jit3A_2000 : f32 to vector<8x128xf32>
      %select_n3A_2002 = arith.select %eq3A_1999, %select_n3A_1994, %broadcast_in_dim3A_2001 : vector<8x128xi1>, vector<8x128xf32>
      %reduce_max3A_2003 = arith.constant dense<0xFF800000> : vector<8xf32>
      %reduce_max3A_2004 = vector.multi_reduction <maximumf>, %select_n3A_2002, %reduce_max3A_2003 [1] : vector<8x128xf32> to vector<8xf32>
      %broadcast_in_dim3A_2005 = vector.shape_cast %reduce_max3A_2004 : vector<8xf32> to vector<8x1xf32>
      %sub3A_2006 = arith.constant 4.095000e+03 : f32
      %sub3A_2007 = vector.broadcast %sub3A_2006 : f32 to vector<8x1xf32>
      %sub3A_2008 = arith.subf %sub3A_2007, %broadcast_in_dim3A_2005 : vector<8x1xf32>
      %convert_element_type3A_2009 = arith.fptosi %sub3A_2008 : vector<8x1xf32> to vector<8x1xi32>
      %slice3A_2010 = vector.extract_strided_slice %broadcast_in_dim3A_1997 {offsets = [0, 0], sizes = [1, 1], strides = [1, 1]} : vector<8x1xf32> to vector<1x1xf32>
      %squeeze3A_2011 = vector.extract %slice3A_2010[0, 0] : f32 from vector<1x1xf32>
      %slice3A_2012 = vector.extract_strided_slice %broadcast_in_dim3A_1997 {offsets = [4, 0], sizes = [1, 1], strides = [1, 1]} : vector<8x1xf32> to vector<1x1xf32>
      %squeeze3A_2013 = vector.extract %slice3A_2012[0, 0] : f32 from vector<1x1xf32>
      %ge3A_2014 = arith.cmpf oge, %squeeze3A_2011, %squeeze3A_2013 : f32
      %slice3A_2015 = vector.extract_strided_slice %convert_element_type3A_2009 {offsets = [0, 0], sizes = [1, 1], strides = [1, 1]} : vector<8x1xi32> to vector<1x1xi32>
      %squeeze3A_2016 = vector.extract %slice3A_2015[0, 0] : i32 from vector<1x1xi32>
      %slice3A_2017 = vector.extract_strided_slice %convert_element_type3A_2009 {offsets = [4, 0], sizes = [1, 1], strides = [1, 1]} : vector<8x1xi32> to vector<1x1xi32>
      %squeeze3A_2018 = vector.extract %slice3A_2017[0, 0] : i32 from vector<1x1xi32>
      %select_n3A_2019 = arith.select %ge3A_2014, %squeeze3A_2016, %squeeze3A_2018 : i32
      %slice3A_2020 = vector.extract_strided_slice %broadcast_in_dim3A_1997 {offsets = [1, 0], sizes = [1, 1], strides = [1, 1]} : vector<8x1xf32> to vector<1x1xf32>
      %squeeze3A_2021 = vector.extract %slice3A_2020[0, 0] : f32 from vector<1x1xf32>
      %slice3A_2022 = vector.extract_strided_slice %broadcast_in_dim3A_1997 {offsets = [5, 0], sizes = [1, 1], strides = [1, 1]} : vector<8x1xf32> to vector<1x1xf32>
      %squeeze3A_2023 = vector.extract %slice3A_2022[0, 0] : f32 from vector<1x1xf32>
      %ge3A_2024 = arith.cmpf oge, %squeeze3A_2021, %squeeze3A_2023 : f32
      %slice3A_2025 = vector.extract_strided_slice %convert_element_type3A_2009 {offsets = [1, 0], sizes = [1, 1], strides = [1, 1]} : vector<8x1xi32> to vector<1x1xi32>
      %squeeze3A_2026 = vector.extract %slice3A_2025[0, 0] : i32 from vector<1x1xi32>
      %slice3A_2027 = vector.extract_strided_slice %convert_element_type3A_2009 {offsets = [5, 0], sizes = [1, 1], strides = [1, 1]} : vector<8x1xi32> to vector<1x1xi32>
      %squeeze3A_2028 = vector.extract %slice3A_2027[0, 0] : i32 from vector<1x1xi32>
      %select_n3A_2029 = arith.select %ge3A_2024, %squeeze3A_2026, %squeeze3A_2028 : i32
      %slice3A_2030 = vector.extract_strided_slice %broadcast_in_dim3A_1997 {offsets = [2, 0], sizes = [1, 1], strides = [1, 1]} : vector<8x1xf32> to vector<1x1xf32>
      %squeeze3A_2031 = vector.extract %slice3A_2030[0, 0] : f32 from vector<1x1xf32>
      %slice3A_2032 = vector.extract_strided_slice %broadcast_in_dim3A_1997 {offsets = [6, 0], sizes = [1, 1], strides = [1, 1]} : vector<8x1xf32> to vector<1x1xf32>
      %squeeze3A_2033 = vector.extract %slice3A_2032[0, 0] : f32 from vector<1x1xf32>
      %ge3A_2034 = arith.cmpf oge, %squeeze3A_2031, %squeeze3A_2033 : f32
      %slice3A_2035 = vector.extract_strided_slice %convert_element_type3A_2009 {offsets = [2, 0], sizes = [1, 1], strides = [1, 1]} : vector<8x1xi32> to vector<1x1xi32>
      %squeeze3A_2036 = vector.extract %slice3A_2035[0, 0] : i32 from vector<1x1xi32>
      %slice3A_2037 = vector.extract_strided_slice %convert_element_type3A_2009 {offsets = [6, 0], sizes = [1, 1], strides = [1, 1]} : vector<8x1xi32> to vector<1x1xi32>
      %squeeze3A_2038 = vector.extract %slice3A_2037[0, 0] : i32 from vector<1x1xi32>
      %select_n3A_2039 = arith.select %ge3A_2034, %squeeze3A_2036, %squeeze3A_2038 : i32
      %slice3A_2040 = vector.extract_strided_slice %broadcast_in_dim3A_1997 {offsets = [3, 0], sizes = [1, 1], strides = [1, 1]} : vector<8x1xf32> to vector<1x1xf32>
      %squeeze3A_2041 = vector.extract %slice3A_2040[0, 0] : f32 from vector<1x1xf32>
      %slice3A_2042 = vector.extract_strided_slice %broadcast_in_dim3A_1997 {offsets = [7, 0], sizes = [1, 1], strides = [1, 1]} : vector<8x1xf32> to vector<1x1xf32>
      %squeeze3A_2043 = vector.extract %slice3A_2042[0, 0] : f32 from vector<1x1xf32>
      %ge3A_2044 = arith.cmpf oge, %squeeze3A_2041, %squeeze3A_2043 : f32
      %slice3A_2045 = vector.extract_strided_slice %convert_element_type3A_2009 {offsets = [3, 0], sizes = [1, 1], strides = [1, 1]} : vector<8x1xi32> to vector<1x1xi32>
      %squeeze3A_2046 = vector.extract %slice3A_2045[0, 0] : i32 from vector<1x1xi32>
      %slice3A_2047 = vector.extract_strided_slice %convert_element_type3A_2009 {offsets = [7, 0], sizes = [1, 1], strides = [1, 1]} : vector<8x1xi32> to vector<1x1xi32>
      %squeeze3A_2048 = vector.extract %slice3A_2047[0, 0] : i32 from vector<1x1xi32>
      %select_n3A_2049 = arith.select %ge3A_2044, %squeeze3A_2046, %squeeze3A_2048 : i32
      %get3A_2050 = arith.constant 0 : index
      %get3A_2051 = arith.constant 0 : index
      %get3A_2052 = arith.index_cast %select_n3A_2019 : i32 to index
      %get3A_2053 = memref.load %arg2[%get3A_2050, %get3A_2051, %get3A_2052] : memref<3x4x4096xf32, #tpu.memory_space<smem>>
      %get3A_2054 = arith.constant 0 : index
      %get3A_2055 = arith.constant 1 : index
      %get3A_2056 = arith.index_cast %select_n3A_2029 : i32 to index
      %get3A_2057 = memref.load %arg2[%get3A_2054, %get3A_2055, %get3A_2056] : memref<3x4x4096xf32, #tpu.memory_space<smem>>
      %get3A_2058 = arith.constant 0 : index
      %get3A_2059 = arith.constant 2 : index
      %get3A_2060 = arith.index_cast %select_n3A_2039 : i32 to index
      %get3A_2061 = memref.load %arg2[%get3A_2058, %get3A_2059, %get3A_2060] : memref<3x4x4096xf32, #tpu.memory_space<smem>>
      %get3A_2062 = arith.constant 0 : index
      %get3A_2063 = arith.constant 3 : index
      %get3A_2064 = arith.index_cast %select_n3A_2049 : i32 to index
      %get3A_2065 = memref.load %arg2[%get3A_2062, %get3A_2063, %get3A_2064] : memref<3x4x4096xf32, #tpu.memory_space<smem>>
      %broadcast_in_dim3A_2066 = vector.broadcast %get3A_2061 : f32 to vector<8x2048xf32>
      %broadcast_in_dim3A_2067 = vector.broadcast %get3A_2065 : f32 to vector<8x2048xf32>
      %select_n3A_2068 = arith.select %eq3A_43, %broadcast_in_dim3A_2066, %broadcast_in_dim3A_2067 : vector<8x2048xi1>, vector<8x2048xf32>
      %broadcast_in_dim3A_2069 = vector.broadcast %get3A_2057 : f32 to vector<8x2048xf32>
      %select_n3A_2070 = arith.select %eq3A_37, %broadcast_in_dim3A_2069, %select_n3A_2068 : vector<8x2048xi1>, vector<8x2048xf32>
      %broadcast_in_dim3A_2071 = vector.broadcast %get3A_2053 : f32 to vector<8x2048xf32>
      %select_n3A_2072 = arith.select %eq3A_31, %broadcast_in_dim3A_2071, %select_n3A_2070 : vector<8x2048xi1>, vector<8x2048xf32>
      %get3A_2073 = arith.constant 1 : index
      %get3A_2074 = arith.constant 0 : index
      %get3A_2075 = arith.index_cast %select_n3A_2019 : i32 to index
      %get3A_2076 = memref.load %arg2[%get3A_2073, %get3A_2074, %get3A_2075] : memref<3x4x4096xf32, #tpu.memory_space<smem>>
      %get3A_2077 = arith.constant 1 : index
      %get3A_2078 = arith.constant 1 : index
      %get3A_2079 = arith.index_cast %select_n3A_2029 : i32 to index
      %get3A_2080 = memref.load %arg2[%get3A_2077, %get3A_2078, %get3A_2079] : memref<3x4x4096xf32, #tpu.memory_space<smem>>
      %get3A_2081 = arith.constant 1 : index
      %get3A_2082 = arith.constant 2 : index
      %get3A_2083 = arith.index_cast %select_n3A_2039 : i32 to index
      %get3A_2084 = memref.load %arg2[%get3A_2081, %get3A_2082, %get3A_2083] : memref<3x4x4096xf32, #tpu.memory_space<smem>>
      %get3A_2085 = arith.constant 1 : index
      %get3A_2086 = arith.constant 3 : index
      %get3A_2087 = arith.index_cast %select_n3A_2049 : i32 to index
      %get3A_2088 = memref.load %arg2[%get3A_2085, %get3A_2086, %get3A_2087] : memref<3x4x4096xf32, #tpu.memory_space<smem>>
      %broadcast_in_dim3A_2089 = vector.broadcast %get3A_2084 : f32 to vector<8x2048xf32>
      %broadcast_in_dim3A_2090 = vector.broadcast %get3A_2088 : f32 to vector<8x2048xf32>
      %select_n3A_2091 = arith.select %eq3A_43, %broadcast_in_dim3A_2089, %broadcast_in_dim3A_2090 : vector<8x2048xi1>, vector<8x2048xf32>
      %broadcast_in_dim3A_2092 = vector.broadcast %get3A_2080 : f32 to vector<8x2048xf32>
      %select_n3A_2093 = arith.select %eq3A_37, %broadcast_in_dim3A_2092, %select_n3A_2091 : vector<8x2048xi1>, vector<8x2048xf32>
      %broadcast_in_dim3A_2094 = vector.broadcast %get3A_2076 : f32 to vector<8x2048xf32>
      %select_n3A_2095 = arith.select %eq3A_31, %broadcast_in_dim3A_2094, %select_n3A_2093 : vector<8x2048xi1>, vector<8x2048xf32>
      %get3A_2096 = arith.constant 2 : index
      %get3A_2097 = arith.constant 0 : index
      %get3A_2098 = arith.index_cast %select_n3A_2019 : i32 to index
      %get3A_2099 = memref.load %arg2[%get3A_2096, %get3A_2097, %get3A_2098] : memref<3x4x4096xf32, #tpu.memory_space<smem>>
      %get3A_2100 = arith.constant 2 : index
      %get3A_2101 = arith.constant 1 : index
      %get3A_2102 = arith.index_cast %select_n3A_2029 : i32 to index
      %get3A_2103 = memref.load %arg2[%get3A_2100, %get3A_2101, %get3A_2102] : memref<3x4x4096xf32, #tpu.memory_space<smem>>
      %get3A_2104 = arith.constant 2 : index
      %get3A_2105 = arith.constant 2 : index
      %get3A_2106 = arith.index_cast %select_n3A_2039 : i32 to index
      %get3A_2107 = memref.load %arg2[%get3A_2104, %get3A_2105, %get3A_2106] : memref<3x4x4096xf32, #tpu.memory_space<smem>>
      %get3A_2108 = arith.constant 2 : index
      %get3A_2109 = arith.constant 3 : index
      %get3A_2110 = arith.index_cast %select_n3A_2049 : i32 to index
      %get3A_2111 = memref.load %arg2[%get3A_2108, %get3A_2109, %get3A_2110] : memref<3x4x4096xf32, #tpu.memory_space<smem>>
      %broadcast_in_dim3A_2112 = vector.broadcast %get3A_2107 : f32 to vector<8x2048xf32>
      %broadcast_in_dim3A_2113 = vector.broadcast %get3A_2111 : f32 to vector<8x2048xf32>
      %select_n3A_2114 = arith.select %eq3A_43, %broadcast_in_dim3A_2112, %broadcast_in_dim3A_2113 : vector<8x2048xi1>, vector<8x2048xf32>
      %broadcast_in_dim3A_2115 = vector.broadcast %get3A_2103 : f32 to vector<8x2048xf32>
      %select_n3A_2116 = arith.select %eq3A_37, %broadcast_in_dim3A_2115, %select_n3A_2114 : vector<8x2048xi1>, vector<8x2048xf32>
      %broadcast_in_dim3A_2117 = vector.broadcast %get3A_2099 : f32 to vector<8x2048xf32>
      %select_n3A_2118 = arith.select %eq3A_31, %broadcast_in_dim3A_2117, %select_n3A_2116 : vector<8x2048xi1>, vector<8x2048xf32>
      %broadcast_in_dim3A_2119 = vector.broadcast %select_n3A_2039 : i32 to vector<8x2048xi32>
      %broadcast_in_dim3A_2120 = vector.broadcast %select_n3A_2049 : i32 to vector<8x2048xi32>
      %select_n3A_2121 = arith.select %eq3A_43, %broadcast_in_dim3A_2119, %broadcast_in_dim3A_2120 : vector<8x2048xi1>, vector<8x2048xi32>
      %broadcast_in_dim3A_2122 = vector.broadcast %select_n3A_2029 : i32 to vector<8x2048xi32>
      %select_n3A_2123 = arith.select %eq3A_37, %broadcast_in_dim3A_2122, %select_n3A_2121 : vector<8x2048xi1>, vector<8x2048xi32>
      %broadcast_in_dim3A_2124 = vector.broadcast %select_n3A_2019 : i32 to vector<8x2048xi32>
      %select_n3A_2125 = arith.select %eq3A_31, %broadcast_in_dim3A_2124, %select_n3A_2123 : vector<8x2048xi1>, vector<8x2048xi32>
      %sub3A_2126 = arith.subf %get3A_3, %select_n3A_2072 : vector<8x2048xf32>
      %sub3A_2127 = arith.subf %get3A_8, %select_n3A_2095 : vector<8x2048xf32>
      %sub3A_2128 = arith.subf %get3A_13, %select_n3A_2118 : vector<8x2048xf32>
      %mul3A_2129 = arith.mulf %sub3A_2126, %sub3A_2126 : vector<8x2048xf32>
      %mul3A_2130 = arith.mulf %sub3A_2127, %sub3A_2127 : vector<8x2048xf32>
      %add3A_2131 = arith.addf %mul3A_2129, %mul3A_2130 : vector<8x2048xf32>
      %mul3A_2132 = arith.mulf %sub3A_2128, %sub3A_2128 : vector<8x2048xf32>
      %add3A_2133 = arith.addf %add3A_2131, %mul3A_2132 : vector<8x2048xf32>
      %add3A_2134 = arith.constant 9.99999996E-13 : f32
      %add3A_2135 = vector.broadcast %add3A_2134 : f32 to vector<8x2048xf32>
      %add3A_2136 = arith.addf %add3A_2133, %add3A_2135 : vector<8x2048xf32>
      %sqrt3A_2137 = math.sqrt %add3A_2136 : vector<8x2048xf32>
      %eq3A_2138 = vector.broadcast %scan3A_1873 : i32 to vector<8x1024xi32>
      %eq3A_2139 = arith.cmpi eq, %iota3A_19, %eq3A_2138 : vector<8x1024xi32>
      %slice3A_2140 = vector.extract_strided_slice %select_n3A_2125 {offsets = [0, 0], sizes = [8, 1024], strides = [1, 1]} : vector<8x2048xi32> to vector<8x1024xi32>
      %add3A_2141 = arith.addi %slice3A_2140, %mul3A_24 : vector<8x1024xi32>
      %get3A_2142 = arith.constant 0 : index
      %get3A_2143 = arith.constant 0 : index
      %get3A_2144 = vector.load %arg3[%get3A_2142, %get3A_2143] : memref<8x1024xi32, #tpu.memory_space<vmem>>, vector<8x1024xi32>
      %select_n3A_2145 = arith.select %eq3A_2139, %add3A_2141, %get3A_2144 : vector<8x1024xi1>, vector<8x1024xi32>
      %swap3A_2146 = arith.constant 0 : index
      %swap3A_2147 = arith.constant 0 : index
      %swap3A_2148 = vector.load %arg3[%swap3A_2146, %swap3A_2147] : memref<8x1024xi32, #tpu.memory_space<vmem>>, vector<8x1024xi32>
      tpu.vector_store %arg3[%swap3A_2146, %swap3A_2147], %select_n3A_2145 {strides = array<i32>} : memref<8x1024xi32, #tpu.memory_space<vmem>>, vector<8x1024xi32>,
      %slice3A_2149 = vector.extract_strided_slice %select_n3A_2072 {offsets = [0, 0], sizes = [8, 1024], strides = [1, 1]} : vector<8x2048xf32> to vector<8x1024xf32>
      %get3A_2150 = arith.constant 0 : index
      %get3A_2151 = arith.constant 0 : index
      %get3A_2152 = vector.load %arg4[%get3A_2150, %get3A_2151] : memref<8x1024xf32, #tpu.memory_space<vmem>>, vector<8x1024xf32>
      %select_n3A_2153 = arith.select %eq3A_2139, %slice3A_2149, %get3A_2152 : vector<8x1024xi1>, vector<8x1024xf32>
      %swap3A_2154 = arith.constant 0 : index
      %swap3A_2155 = arith.constant 0 : index
      %swap3A_2156 = vector.load %arg4[%swap3A_2154, %swap3A_2155] : memref<8x1024xf32, #tpu.memory_space<vmem>>, vector<8x1024xf32>
      tpu.vector_store %arg4[%swap3A_2154, %swap3A_2155], %select_n3A_2153 {strides = array<i32>} : memref<8x1024xf32, #tpu.memory_space<vmem>>, vector<8x1024xf32>,
      %slice3A_2157 = vector.extract_strided_slice %select_n3A_2095 {offsets = [0, 0], sizes = [8, 1024], strides = [1, 1]} : vector<8x2048xf32> to vector<8x1024xf32>
      %get3A_2158 = arith.constant 0 : index
      %get3A_2159 = arith.constant 0 : index
      %get3A_2160 = vector.load %arg5[%get3A_2158, %get3A_2159] : memref<8x1024xf32, #tpu.memory_space<vmem>>, vector<8x1024xf32>
      %select_n3A_2161 = arith.select %eq3A_2139, %slice3A_2157, %get3A_2160 : vector<8x1024xi1>, vector<8x1024xf32>
      %swap3A_2162 = arith.constant 0 : index
      %swap3A_2163 = arith.constant 0 : index
      %swap3A_2164 = vector.load %arg5[%swap3A_2162, %swap3A_2163] : memref<8x1024xf32, #tpu.memory_space<vmem>>, vector<8x1024xf32>
      tpu.vector_store %arg5[%swap3A_2162, %swap3A_2163], %select_n3A_2161 {strides = array<i32>} : memref<8x1024xf32, #tpu.memory_space<vmem>>, vector<8x1024xf32>,
      %slice3A_2165 = vector.extract_strided_slice %select_n3A_2118 {offsets = [0, 0], sizes = [8, 1024], strides = [1, 1]} : vector<8x2048xf32> to vector<8x1024xf32>
      %get3A_2166 = arith.constant 0 : index
      %get3A_2167 = arith.constant 0 : index
      %get3A_2168 = vector.load %arg6[%get3A_2166, %get3A_2167] : memref<8x1024xf32, #tpu.memory_space<vmem>>, vector<8x1024xf32>
      %select_n3A_2169 = arith.select %eq3A_2139, %slice3A_2165, %get3A_2168 : vector<8x1024xi1>, vector<8x1024xf32>
      %swap3A_2170 = arith.constant 0 : index
      %swap3A_2171 = arith.constant 0 : index
      %swap3A_2172 = vector.load %arg6[%swap3A_2170, %swap3A_2171] : memref<8x1024xf32, #tpu.memory_space<vmem>>, vector<8x1024xf32>
      tpu.vector_store %arg6[%swap3A_2170, %swap3A_2171], %select_n3A_2169 {strides = array<i32>} : memref<8x1024xf32, #tpu.memory_space<vmem>>, vector<8x1024xf32>,
      %min3A_2173 = arith.minimumf %min3A_1871, %sqrt3A_2137 : vector<8x2048xf32>
      %scan3A_2174 = arith.constant 7 : i32
      %scan3A_2175 = arith.addi %scan3A_67, %scan3A_2174 : i32
      %slice3A_2176 = vector.extract_strided_slice %min3A_2173 {offsets = [0, 0], sizes = [8, 128], strides = [1, 1]} : vector<8x2048xf32> to vector<8x128xf32>
      %slice3A_2177 = vector.extract_strided_slice %min3A_2173 {offsets = [0, 128], sizes = [8, 128], strides = [1, 1]} : vector<8x2048xf32> to vector<8x128xf32>
      %slice3A_2178 = vector.extract_strided_slice %min3A_2173 {offsets = [0, 256], sizes = [8, 128], strides = [1, 1]} : vector<8x2048xf32> to vector<8x128xf32>
      %slice3A_2179 = vector.extract_strided_slice %min3A_2173 {offsets = [0, 384], sizes = [8, 128], strides = [1, 1]} : vector<8x2048xf32> to vector<8x128xf32>
      %slice3A_2180 = vector.extract_strided_slice %min3A_2173 {offsets = [0, 512], sizes = [8, 128], strides = [1, 1]} : vector<8x2048xf32> to vector<8x128xf32>
      %slice3A_2181 = vector.extract_strided_slice %min3A_2173 {offsets = [0, 640], sizes = [8, 128], strides = [1, 1]} : vector<8x2048xf32> to vector<8x128xf32>
      %slice3A_2182 = vector.extract_strided_slice %min3A_2173 {offsets = [0, 768], sizes = [8, 128], strides = [1, 1]} : vector<8x2048xf32> to vector<8x128xf32>
      %slice3A_2183 = vector.extract_strided_slice %min3A_2173 {offsets = [0, 896], sizes = [8, 128], strides = [1, 1]} : vector<8x2048xf32> to vector<8x128xf32>
      %slice3A_2184 = vector.extract_strided_slice %min3A_2173 {offsets = [0, 1024], sizes = [8, 128], strides = [1, 1]} : vector<8x2048xf32> to vector<8x128xf32>
      %slice3A_2185 = vector.extract_strided_slice %min3A_2173 {offsets = [0, 1152], sizes = [8, 128], strides = [1, 1]} : vector<8x2048xf32> to vector<8x128xf32>
      %slice3A_2186 = vector.extract_strided_slice %min3A_2173 {offsets = [0, 1280], sizes = [8, 128], strides = [1, 1]} : vector<8x2048xf32> to vector<8x128xf32>
      %slice3A_2187 = vector.extract_strided_slice %min3A_2173 {offsets = [0, 1408], sizes = [8, 128], strides = [1, 1]} : vector<8x2048xf32> to vector<8x128xf32>
      %slice3A_2188 = vector.extract_strided_slice %min3A_2173 {offsets = [0, 1536], sizes = [8, 128], strides = [1, 1]} : vector<8x2048xf32> to vector<8x128xf32>
      %slice3A_2189 = vector.extract_strided_slice %min3A_2173 {offsets = [0, 1664], sizes = [8, 128], strides = [1, 1]} : vector<8x2048xf32> to vector<8x128xf32>
      %slice3A_2190 = vector.extract_strided_slice %min3A_2173 {offsets = [0, 1792], sizes = [8, 128], strides = [1, 1]} : vector<8x2048xf32> to vector<8x128xf32>
      %slice3A_2191 = vector.extract_strided_slice %min3A_2173 {offsets = [0, 1920], sizes = [8, 128], strides = [1, 1]} : vector<8x2048xf32> to vector<8x128xf32>
      %gt3A_2192 = arith.cmpf ogt, %slice3A_2176, %slice3A_2184 : vector<8x128xf32>
      %eq3A_2193 = arith.cmpf oeq, %slice3A_2176, %slice3A_2184 : vector<8x128xf32>
      %gt3A_2194 = arith.cmpf ogt, %slice3A, %slice3A_51 : vector<8x128xf32>
      %and3A_2195 = arith.andi %eq3A_2193, %gt3A_2194 : vector<8x128xi1>
      %or3A_2196 = arith.ori %gt3A_2192, %and3A_2195 : vector<8x128xi1>
      %select_n3A_2197 = arith.select %or3A_2196, %slice3A_2176, %slice3A_2184 : vector<8x128xi1>, vector<8x128xf32>
      %select_n3A_2198 = arith.select %or3A_2196, %slice3A, %slice3A_51 : vector<8x128xi1>, vector<8x128xf32>
      %gt3A_2199 = arith.cmpf ogt, %slice3A_2177, %slice3A_2185 : vector<8x128xf32>
      %eq3A_2200 = arith.cmpf oeq, %slice3A_2177, %slice3A_2185 : vector<8x128xf32>
      %gt3A_2201 = arith.cmpf ogt, %slice3A_44, %slice3A_52 : vector<8x128xf32>
      %and3A_2202 = arith.andi %eq3A_2200, %gt3A_2201 : vector<8x128xi1>
      %or3A_2203 = arith.ori %gt3A_2199, %and3A_2202 : vector<8x128xi1>
      %select_n3A_2204 = arith.select %or3A_2203, %slice3A_2177, %slice3A_2185 : vector<8x128xi1>, vector<8x128xf32>
      %select_n3A_2205 = arith.select %or3A_2203, %slice3A_44, %slice3A_52 : vector<8x128xi1>, vector<8x128xf32>
      %gt3A_2206 = arith.cmpf ogt, %slice3A_2178, %slice3A_2186 : vector<8x128xf32>
      %eq3A_2207 = arith.cmpf oeq, %slice3A_2178, %slice3A_2186 : vector<8x128xf32>
      %gt3A_2208 = arith.cmpf ogt, %slice3A_45, %slice3A_53 : vector<8x128xf32>
      %and3A_2209 = arith.andi %eq3A_2207, %gt3A_2208 : vector<8x128xi1>
      %or3A_2210 = arith.ori %gt3A_2206, %and3A_2209 : vector<8x128xi1>
      %select_n3A_2211 = arith.select %or3A_2210, %slice3A_2178, %slice3A_2186 : vector<8x128xi1>, vector<8x128xf32>
      %select_n3A_2212 = arith.select %or3A_2210, %slice3A_45, %slice3A_53 : vector<8x128xi1>, vector<8x128xf32>
      %gt3A_2213 = arith.cmpf ogt, %slice3A_2179, %slice3A_2187 : vector<8x128xf32>
      %eq3A_2214 = arith.cmpf oeq, %slice3A_2179, %slice3A_2187 : vector<8x128xf32>
      %gt3A_2215 = arith.cmpf ogt, %slice3A_46, %slice3A_54 : vector<8x128xf32>
      %and3A_2216 = arith.andi %eq3A_2214, %gt3A_2215 : vector<8x128xi1>
      %or3A_2217 = arith.ori %gt3A_2213, %and3A_2216 : vector<8x128xi1>
      %select_n3A_2218 = arith.select %or3A_2217, %slice3A_2179, %slice3A_2187 : vector<8x128xi1>, vector<8x128xf32>
      %select_n3A_2219 = arith.select %or3A_2217, %slice3A_46, %slice3A_54 : vector<8x128xi1>, vector<8x128xf32>
      %gt3A_2220 = arith.cmpf ogt, %slice3A_2180, %slice3A_2188 : vector<8x128xf32>
      %eq3A_2221 = arith.cmpf oeq, %slice3A_2180, %slice3A_2188 : vector<8x128xf32>
      %gt3A_2222 = arith.cmpf ogt, %slice3A_47, %slice3A_55 : vector<8x128xf32>
      %and3A_2223 = arith.andi %eq3A_2221, %gt3A_2222 : vector<8x128xi1>
      %or3A_2224 = arith.ori %gt3A_2220, %and3A_2223 : vector<8x128xi1>
      %select_n3A_2225 = arith.select %or3A_2224, %slice3A_2180, %slice3A_2188 : vector<8x128xi1>, vector<8x128xf32>
      %select_n3A_2226 = arith.select %or3A_2224, %slice3A_47, %slice3A_55 : vector<8x128xi1>, vector<8x128xf32>
      %gt3A_2227 = arith.cmpf ogt, %slice3A_2181, %slice3A_2189 : vector<8x128xf32>
      %eq3A_2228 = arith.cmpf oeq, %slice3A_2181, %slice3A_2189 : vector<8x128xf32>
      %gt3A_2229 = arith.cmpf ogt, %slice3A_48, %slice3A_56 : vector<8x128xf32>
      %and3A_2230 = arith.andi %eq3A_2228, %gt3A_2229 : vector<8x128xi1>
      %or3A_2231 = arith.ori %gt3A_2227, %and3A_2230 : vector<8x128xi1>
      %select_n3A_2232 = arith.select %or3A_2231, %slice3A_2181, %slice3A_2189 : vector<8x128xi1>, vector<8x128xf32>
      %select_n3A_2233 = arith.select %or3A_2231, %slice3A_48, %slice3A_56 : vector<8x128xi1>, vector<8x128xf32>
      %gt3A_2234 = arith.cmpf ogt, %slice3A_2182, %slice3A_2190 : vector<8x128xf32>
      %eq3A_2235 = arith.cmpf oeq, %slice3A_2182, %slice3A_2190 : vector<8x128xf32>
      %gt3A_2236 = arith.cmpf ogt, %slice3A_49, %slice3A_57 : vector<8x128xf32>
      %and3A_2237 = arith.andi %eq3A_2235, %gt3A_2236 : vector<8x128xi1>
      %or3A_2238 = arith.ori %gt3A_2234, %and3A_2237 : vector<8x128xi1>
      %select_n3A_2239 = arith.select %or3A_2238, %slice3A_2182, %slice3A_2190 : vector<8x128xi1>, vector<8x128xf32>
      %select_n3A_2240 = arith.select %or3A_2238, %slice3A_49, %slice3A_57 : vector<8x128xi1>, vector<8x128xf32>
      %gt3A_2241 = arith.cmpf ogt, %slice3A_2183, %slice3A_2191 : vector<8x128xf32>
      %eq3A_2242 = arith.cmpf oeq, %slice3A_2183, %slice3A_2191 : vector<8x128xf32>
      %gt3A_2243 = arith.cmpf ogt, %slice3A_50, %slice3A_58 : vector<8x128xf32>
      %and3A_2244 = arith.andi %eq3A_2242, %gt3A_2243 : vector<8x128xi1>
      %or3A_2245 = arith.ori %gt3A_2241, %and3A_2244 : vector<8x128xi1>
      %select_n3A_2246 = arith.select %or3A_2245, %slice3A_2183, %slice3A_2191 : vector<8x128xi1>, vector<8x128xf32>
      %select_n3A_2247 = arith.select %or3A_2245, %slice3A_50, %slice3A_58 : vector<8x128xi1>, vector<8x128xf32>
      %gt3A_2248 = arith.cmpf ogt, %select_n3A_2197, %select_n3A_2225 : vector<8x128xf32>
      %eq3A_2249 = arith.cmpf oeq, %select_n3A_2197, %select_n3A_2225 : vector<8x128xf32>
      %gt3A_2250 = arith.cmpf ogt, %select_n3A_2198, %select_n3A_2226 : vector<8x128xf32>
      %and3A_2251 = arith.andi %eq3A_2249, %gt3A_2250 : vector<8x128xi1>
      %or3A_2252 = arith.ori %gt3A_2248, %and3A_2251 : vector<8x128xi1>
      %select_n3A_2253 = arith.select %or3A_2252, %select_n3A_2197, %select_n3A_2225 : vector<8x128xi1>, vector<8x128xf32>
      %select_n3A_2254 = arith.select %or3A_2252, %select_n3A_2198, %select_n3A_2226 : vector<8x128xi1>, vector<8x128xf32>
      %gt3A_2255 = arith.cmpf ogt, %select_n3A_2204, %select_n3A_2232 : vector<8x128xf32>
      %eq3A_2256 = arith.cmpf oeq, %select_n3A_2204, %select_n3A_2232 : vector<8x128xf32>
      %gt3A_2257 = arith.cmpf ogt, %select_n3A_2205, %select_n3A_2233 : vector<8x128xf32>
      %and3A_2258 = arith.andi %eq3A_2256, %gt3A_2257 : vector<8x128xi1>
      %or3A_2259 = arith.ori %gt3A_2255, %and3A_2258 : vector<8x128xi1>
      %select_n3A_2260 = arith.select %or3A_2259, %select_n3A_2204, %select_n3A_2232 : vector<8x128xi1>, vector<8x128xf32>
      %select_n3A_2261 = arith.select %or3A_2259, %select_n3A_2205, %select_n3A_2233 : vector<8x128xi1>, vector<8x128xf32>
      %gt3A_2262 = arith.cmpf ogt, %select_n3A_2211, %select_n3A_2239 : vector<8x128xf32>
      %eq3A_2263 = arith.cmpf oeq, %select_n3A_2211, %select_n3A_2239 : vector<8x128xf32>
      %gt3A_2264 = arith.cmpf ogt, %select_n3A_2212, %select_n3A_2240 : vector<8x128xf32>
      %and3A_2265 = arith.andi %eq3A_2263, %gt3A_2264 : vector<8x128xi1>
      %or3A_2266 = arith.ori %gt3A_2262, %and3A_2265 : vector<8x128xi1>
      %select_n3A_2267 = arith.select %or3A_2266, %select_n3A_2211, %select_n3A_2239 : vector<8x128xi1>, vector<8x128xf32>
      %select_n3A_2268 = arith.select %or3A_2266, %select_n3A_2212, %select_n3A_2240 : vector<8x128xi1>, vector<8x128xf32>
      %gt3A_2269 = arith.cmpf ogt, %select_n3A_2218, %select_n3A_2246 : vector<8x128xf32>
      %eq3A_2270 = arith.cmpf oeq, %select_n3A_2218, %select_n3A_2246 : vector<8x128xf32>
      %gt3A_2271 = arith.cmpf ogt, %select_n3A_2219, %select_n3A_2247 : vector<8x128xf32>
      %and3A_2272 = arith.andi %eq3A_2270, %gt3A_2271 : vector<8x128xi1>
      %or3A_2273 = arith.ori %gt3A_2269, %and3A_2272 : vector<8x128xi1>
      %select_n3A_2274 = arith.select %or3A_2273, %select_n3A_2218, %select_n3A_2246 : vector<8x128xi1>, vector<8x128xf32>
      %select_n3A_2275 = arith.select %or3A_2273, %select_n3A_2219, %select_n3A_2247 : vector<8x128xi1>, vector<8x128xf32>
      %gt3A_2276 = arith.cmpf ogt, %select_n3A_2253, %select_n3A_2267 : vector<8x128xf32>
      %eq3A_2277 = arith.cmpf oeq, %select_n3A_2253, %select_n3A_2267 : vector<8x128xf32>
      %gt3A_2278 = arith.cmpf ogt, %select_n3A_2254, %select_n3A_2268 : vector<8x128xf32>
      %and3A_2279 = arith.andi %eq3A_2277, %gt3A_2278 : vector<8x128xi1>
      %or3A_2280 = arith.ori %gt3A_2276, %and3A_2279 : vector<8x128xi1>
      %select_n3A_2281 = arith.select %or3A_2280, %select_n3A_2253, %select_n3A_2267 : vector<8x128xi1>, vector<8x128xf32>
      %select_n3A_2282 = arith.select %or3A_2280, %select_n3A_2254, %select_n3A_2268 : vector<8x128xi1>, vector<8x128xf32>
      %gt3A_2283 = arith.cmpf ogt, %select_n3A_2260, %select_n3A_2274 : vector<8x128xf32>
      %eq3A_2284 = arith.cmpf oeq, %select_n3A_2260, %select_n3A_2274 : vector<8x128xf32>
      %gt3A_2285 = arith.cmpf ogt, %select_n3A_2261, %select_n3A_2275 : vector<8x128xf32>
      %and3A_2286 = arith.andi %eq3A_2284, %gt3A_2285 : vector<8x128xi1>
      %or3A_2287 = arith.ori %gt3A_2283, %and3A_2286 : vector<8x128xi1>
      %select_n3A_2288 = arith.select %or3A_2287, %select_n3A_2260, %select_n3A_2274 : vector<8x128xi1>, vector<8x128xf32>
      %select_n3A_2289 = arith.select %or3A_2287, %select_n3A_2261, %select_n3A_2275 : vector<8x128xi1>, vector<8x128xf32>
      %gt3A_2290 = arith.cmpf ogt, %select_n3A_2281, %select_n3A_2288 : vector<8x128xf32>
      %eq3A_2291 = arith.cmpf oeq, %select_n3A_2281, %select_n3A_2288 : vector<8x128xf32>
      %gt3A_2292 = arith.cmpf ogt, %select_n3A_2282, %select_n3A_2289 : vector<8x128xf32>
      %and3A_2293 = arith.andi %eq3A_2291, %gt3A_2292 : vector<8x128xi1>
      %or3A_2294 = arith.ori %gt3A_2290, %and3A_2293 : vector<8x128xi1>
      %select_n3A_2295 = arith.select %or3A_2294, %select_n3A_2281, %select_n3A_2288 : vector<8x128xi1>, vector<8x128xf32>
      %select_n3A_2296 = arith.select %or3A_2294, %select_n3A_2282, %select_n3A_2289 : vector<8x128xi1>, vector<8x128xf32>
      %reduce_max3A_2297 = arith.constant dense<0xFF800000> : vector<8xf32>
      %reduce_max3A_2298 = vector.multi_reduction <maximumf>, %select_n3A_2295, %reduce_max3A_2297 [1] : vector<8x128xf32> to vector<8xf32>
      %broadcast_in_dim3A_2299 = vector.shape_cast %reduce_max3A_2298 : vector<8xf32> to vector<8x1xf32>
      %eq3A_2300 = vector.broadcast %broadcast_in_dim3A_2299 : vector<8x1xf32> to vector<8x128xf32>
      %eq3A_2301 = arith.cmpf oeq, %select_n3A_2295, %eq3A_2300 : vector<8x128xf32>
      %jit3A_2302 = arith.constant -1.000000e+00 : f32
      %broadcast_in_dim3A_2303 = vector.broadcast %jit3A_2302 : f32 to vector<8x128xf32>
      %select_n3A_2304 = arith.select %eq3A_2301, %select_n3A_2296, %broadcast_in_dim3A_2303 : vector<8x128xi1>, vector<8x128xf32>
      %reduce_max3A_2305 = arith.constant dense<0xFF800000> : vector<8xf32>
      %reduce_max3A_2306 = vector.multi_reduction <maximumf>, %select_n3A_2304, %reduce_max3A_2305 [1] : vector<8x128xf32> to vector<8xf32>
      %broadcast_in_dim3A_2307 = vector.shape_cast %reduce_max3A_2306 : vector<8xf32> to vector<8x1xf32>
      %sub3A_2308 = arith.constant 4.095000e+03 : f32
      %sub3A_2309 = vector.broadcast %sub3A_2308 : f32 to vector<8x1xf32>
      %sub3A_2310 = arith.subf %sub3A_2309, %broadcast_in_dim3A_2307 : vector<8x1xf32>
      %convert_element_type3A_2311 = arith.fptosi %sub3A_2310 : vector<8x1xf32> to vector<8x1xi32>
      %slice3A_2312 = vector.extract_strided_slice %broadcast_in_dim3A_2299 {offsets = [0, 0], sizes = [1, 1], strides = [1, 1]} : vector<8x1xf32> to vector<1x1xf32>
      %squeeze3A_2313 = vector.extract %slice3A_2312[0, 0] : f32 from vector<1x1xf32>
      %slice3A_2314 = vector.extract_strided_slice %broadcast_in_dim3A_2299 {offsets = [4, 0], sizes = [1, 1], strides = [1, 1]} : vector<8x1xf32> to vector<1x1xf32>
      %squeeze3A_2315 = vector.extract %slice3A_2314[0, 0] : f32 from vector<1x1xf32>
      %ge3A_2316 = arith.cmpf oge, %squeeze3A_2313, %squeeze3A_2315 : f32
      %slice3A_2317 = vector.extract_strided_slice %convert_element_type3A_2311 {offsets = [0, 0], sizes = [1, 1], strides = [1, 1]} : vector<8x1xi32> to vector<1x1xi32>
      %squeeze3A_2318 = vector.extract %slice3A_2317[0, 0] : i32 from vector<1x1xi32>
      %slice3A_2319 = vector.extract_strided_slice %convert_element_type3A_2311 {offsets = [4, 0], sizes = [1, 1], strides = [1, 1]} : vector<8x1xi32> to vector<1x1xi32>
      %squeeze3A_2320 = vector.extract %slice3A_2319[0, 0] : i32 from vector<1x1xi32>
      %select_n3A_2321 = arith.select %ge3A_2316, %squeeze3A_2318, %squeeze3A_2320 : i32
      %slice3A_2322 = vector.extract_strided_slice %broadcast_in_dim3A_2299 {offsets = [1, 0], sizes = [1, 1], strides = [1, 1]} : vector<8x1xf32> to vector<1x1xf32>
      %squeeze3A_2323 = vector.extract %slice3A_2322[0, 0] : f32 from vector<1x1xf32>
      %slice3A_2324 = vector.extract_strided_slice %broadcast_in_dim3A_2299 {offsets = [5, 0], sizes = [1, 1], strides = [1, 1]} : vector<8x1xf32> to vector<1x1xf32>
      %squeeze3A_2325 = vector.extract %slice3A_2324[0, 0] : f32 from vector<1x1xf32>
      %ge3A_2326 = arith.cmpf oge, %squeeze3A_2323, %squeeze3A_2325 : f32
      %slice3A_2327 = vector.extract_strided_slice %convert_element_type3A_2311 {offsets = [1, 0], sizes = [1, 1], strides = [1, 1]} : vector<8x1xi32> to vector<1x1xi32>
      %squeeze3A_2328 = vector.extract %slice3A_2327[0, 0] : i32 from vector<1x1xi32>
      %slice3A_2329 = vector.extract_strided_slice %convert_element_type3A_2311 {offsets = [5, 0], sizes = [1, 1], strides = [1, 1]} : vector<8x1xi32> to vector<1x1xi32>
      %squeeze3A_2330 = vector.extract %slice3A_2329[0, 0] : i32 from vector<1x1xi32>
      %select_n3A_2331 = arith.select %ge3A_2326, %squeeze3A_2328, %squeeze3A_2330 : i32
      %slice3A_2332 = vector.extract_strided_slice %broadcast_in_dim3A_2299 {offsets = [2, 0], sizes = [1, 1], strides = [1, 1]} : vector<8x1xf32> to vector<1x1xf32>
      %squeeze3A_2333 = vector.extract %slice3A_2332[0, 0] : f32 from vector<1x1xf32>
      %slice3A_2334 = vector.extract_strided_slice %broadcast_in_dim3A_2299 {offsets = [6, 0], sizes = [1, 1], strides = [1, 1]} : vector<8x1xf32> to vector<1x1xf32>
      %squeeze3A_2335 = vector.extract %slice3A_2334[0, 0] : f32 from vector<1x1xf32>
      %ge3A_2336 = arith.cmpf oge, %squeeze3A_2333, %squeeze3A_2335 : f32
      %slice3A_2337 = vector.extract_strided_slice %convert_element_type3A_2311 {offsets = [2, 0], sizes = [1, 1], strides = [1, 1]} : vector<8x1xi32> to vector<1x1xi32>
      %squeeze3A_2338 = vector.extract %slice3A_2337[0, 0] : i32 from vector<1x1xi32>
      %slice3A_2339 = vector.extract_strided_slice %convert_element_type3A_2311 {offsets = [6, 0], sizes = [1, 1], strides = [1, 1]} : vector<8x1xi32> to vector<1x1xi32>
      %squeeze3A_2340 = vector.extract %slice3A_2339[0, 0] : i32 from vector<1x1xi32>
      %select_n3A_2341 = arith.select %ge3A_2336, %squeeze3A_2338, %squeeze3A_2340 : i32
      %slice3A_2342 = vector.extract_strided_slice %broadcast_in_dim3A_2299 {offsets = [3, 0], sizes = [1, 1], strides = [1, 1]} : vector<8x1xf32> to vector<1x1xf32>
      %squeeze3A_2343 = vector.extract %slice3A_2342[0, 0] : f32 from vector<1x1xf32>
      %slice3A_2344 = vector.extract_strided_slice %broadcast_in_dim3A_2299 {offsets = [7, 0], sizes = [1, 1], strides = [1, 1]} : vector<8x1xf32> to vector<1x1xf32>
      %squeeze3A_2345 = vector.extract %slice3A_2344[0, 0] : f32 from vector<1x1xf32>
      %ge3A_2346 = arith.cmpf oge, %squeeze3A_2343, %squeeze3A_2345 : f32
      %slice3A_2347 = vector.extract_strided_slice %convert_element_type3A_2311 {offsets = [3, 0], sizes = [1, 1], strides = [1, 1]} : vector<8x1xi32> to vector<1x1xi32>
      %squeeze3A_2348 = vector.extract %slice3A_2347[0, 0] : i32 from vector<1x1xi32>
      %slice3A_2349 = vector.extract_strided_slice %convert_element_type3A_2311 {offsets = [7, 0], sizes = [1, 1], strides = [1, 1]} : vector<8x1xi32> to vector<1x1xi32>
      %squeeze3A_2350 = vector.extract %slice3A_2349[0, 0] : i32 from vector<1x1xi32>
      %select_n3A_2351 = arith.select %ge3A_2346, %squeeze3A_2348, %squeeze3A_2350 : i32
      %get3A_2352 = arith.constant 0 : index
      %get3A_2353 = arith.constant 0 : index
      %get3A_2354 = arith.index_cast %select_n3A_2321 : i32 to index
      %get3A_2355 = memref.load %arg2[%get3A_2352, %get3A_2353, %get3A_2354] : memref<3x4x4096xf32, #tpu.memory_space<smem>>
      %get3A_2356 = arith.constant 0 : index
      %get3A_2357 = arith.constant 1 : index
      %get3A_2358 = arith.index_cast %select_n3A_2331 : i32 to index
      %get3A_2359 = memref.load %arg2[%get3A_2356, %get3A_2357, %get3A_2358] : memref<3x4x4096xf32, #tpu.memory_space<smem>>
      %get3A_2360 = arith.constant 0 : index
      %get3A_2361 = arith.constant 2 : index
      %get3A_2362 = arith.index_cast %select_n3A_2341 : i32 to index
      %get3A_2363 = memref.load %arg2[%get3A_2360, %get3A_2361, %get3A_2362] : memref<3x4x4096xf32, #tpu.memory_space<smem>>
      %get3A_2364 = arith.constant 0 : index
      %get3A_2365 = arith.constant 3 : index
      %get3A_2366 = arith.index_cast %select_n3A_2351 : i32 to index
      %get3A_2367 = memref.load %arg2[%get3A_2364, %get3A_2365, %get3A_2366] : memref<3x4x4096xf32, #tpu.memory_space<smem>>
      %broadcast_in_dim3A_2368 = vector.broadcast %get3A_2363 : f32 to vector<8x2048xf32>
      %broadcast_in_dim3A_2369 = vector.broadcast %get3A_2367 : f32 to vector<8x2048xf32>
      %select_n3A_2370 = arith.select %eq3A_43, %broadcast_in_dim3A_2368, %broadcast_in_dim3A_2369 : vector<8x2048xi1>, vector<8x2048xf32>
      %broadcast_in_dim3A_2371 = vector.broadcast %get3A_2359 : f32 to vector<8x2048xf32>
      %select_n3A_2372 = arith.select %eq3A_37, %broadcast_in_dim3A_2371, %select_n3A_2370 : vector<8x2048xi1>, vector<8x2048xf32>
      %broadcast_in_dim3A_2373 = vector.broadcast %get3A_2355 : f32 to vector<8x2048xf32>
      %select_n3A_2374 = arith.select %eq3A_31, %broadcast_in_dim3A_2373, %select_n3A_2372 : vector<8x2048xi1>, vector<8x2048xf32>
      %get3A_2375 = arith.constant 1 : index
      %get3A_2376 = arith.constant 0 : index
      %get3A_2377 = arith.index_cast %select_n3A_2321 : i32 to index
      %get3A_2378 = memref.load %arg2[%get3A_2375, %get3A_2376, %get3A_2377] : memref<3x4x4096xf32, #tpu.memory_space<smem>>
      %get3A_2379 = arith.constant 1 : index
      %get3A_2380 = arith.constant 1 : index
      %get3A_2381 = arith.index_cast %select_n3A_2331 : i32 to index
      %get3A_2382 = memref.load %arg2[%get3A_2379, %get3A_2380, %get3A_2381] : memref<3x4x4096xf32, #tpu.memory_space<smem>>
      %get3A_2383 = arith.constant 1 : index
      %get3A_2384 = arith.constant 2 : index
      %get3A_2385 = arith.index_cast %select_n3A_2341 : i32 to index
      %get3A_2386 = memref.load %arg2[%get3A_2383, %get3A_2384, %get3A_2385] : memref<3x4x4096xf32, #tpu.memory_space<smem>>
      %get3A_2387 = arith.constant 1 : index
      %get3A_2388 = arith.constant 3 : index
      %get3A_2389 = arith.index_cast %select_n3A_2351 : i32 to index
      %get3A_2390 = memref.load %arg2[%get3A_2387, %get3A_2388, %get3A_2389] : memref<3x4x4096xf32, #tpu.memory_space<smem>>
      %broadcast_in_dim3A_2391 = vector.broadcast %get3A_2386 : f32 to vector<8x2048xf32>
      %broadcast_in_dim3A_2392 = vector.broadcast %get3A_2390 : f32 to vector<8x2048xf32>
      %select_n3A_2393 = arith.select %eq3A_43, %broadcast_in_dim3A_2391, %broadcast_in_dim3A_2392 : vector<8x2048xi1>, vector<8x2048xf32>
      %broadcast_in_dim3A_2394 = vector.broadcast %get3A_2382 : f32 to vector<8x2048xf32>
      %select_n3A_2395 = arith.select %eq3A_37, %broadcast_in_dim3A_2394, %select_n3A_2393 : vector<8x2048xi1>, vector<8x2048xf32>
      %broadcast_in_dim3A_2396 = vector.broadcast %get3A_2378 : f32 to vector<8x2048xf32>
      %select_n3A_2397 = arith.select %eq3A_31, %broadcast_in_dim3A_2396, %select_n3A_2395 : vector<8x2048xi1>, vector<8x2048xf32>
      %get3A_2398 = arith.constant 2 : index
      %get3A_2399 = arith.constant 0 : index
      %get3A_2400 = arith.index_cast %select_n3A_2321 : i32 to index
      %get3A_2401 = memref.load %arg2[%get3A_2398, %get3A_2399, %get3A_2400] : memref<3x4x4096xf32, #tpu.memory_space<smem>>
      %get3A_2402 = arith.constant 2 : index
      %get3A_2403 = arith.constant 1 : index
      %get3A_2404 = arith.index_cast %select_n3A_2331 : i32 to index
      %get3A_2405 = memref.load %arg2[%get3A_2402, %get3A_2403, %get3A_2404] : memref<3x4x4096xf32, #tpu.memory_space<smem>>
      %get3A_2406 = arith.constant 2 : index
      %get3A_2407 = arith.constant 2 : index
      %get3A_2408 = arith.index_cast %select_n3A_2341 : i32 to index
      %get3A_2409 = memref.load %arg2[%get3A_2406, %get3A_2407, %get3A_2408] : memref<3x4x4096xf32, #tpu.memory_space<smem>>
      %get3A_2410 = arith.constant 2 : index
      %get3A_2411 = arith.constant 3 : index
      %get3A_2412 = arith.index_cast %select_n3A_2351 : i32 to index
      %get3A_2413 = memref.load %arg2[%get3A_2410, %get3A_2411, %get3A_2412] : memref<3x4x4096xf32, #tpu.memory_space<smem>>
      %broadcast_in_dim3A_2414 = vector.broadcast %get3A_2409 : f32 to vector<8x2048xf32>
      %broadcast_in_dim3A_2415 = vector.broadcast %get3A_2413 : f32 to vector<8x2048xf32>
      %select_n3A_2416 = arith.select %eq3A_43, %broadcast_in_dim3A_2414, %broadcast_in_dim3A_2415 : vector<8x2048xi1>, vector<8x2048xf32>
      %broadcast_in_dim3A_2417 = vector.broadcast %get3A_2405 : f32 to vector<8x2048xf32>
      %select_n3A_2418 = arith.select %eq3A_37, %broadcast_in_dim3A_2417, %select_n3A_2416 : vector<8x2048xi1>, vector<8x2048xf32>
      %broadcast_in_dim3A_2419 = vector.broadcast %get3A_2401 : f32 to vector<8x2048xf32>
      %select_n3A_2420 = arith.select %eq3A_31, %broadcast_in_dim3A_2419, %select_n3A_2418 : vector<8x2048xi1>, vector<8x2048xf32>
      %broadcast_in_dim3A_2421 = vector.broadcast %select_n3A_2341 : i32 to vector<8x2048xi32>
      %broadcast_in_dim3A_2422 = vector.broadcast %select_n3A_2351 : i32 to vector<8x2048xi32>
      %select_n3A_2423 = arith.select %eq3A_43, %broadcast_in_dim3A_2421, %broadcast_in_dim3A_2422 : vector<8x2048xi1>, vector<8x2048xi32>
      %broadcast_in_dim3A_2424 = vector.broadcast %select_n3A_2331 : i32 to vector<8x2048xi32>
      %select_n3A_2425 = arith.select %eq3A_37, %broadcast_in_dim3A_2424, %select_n3A_2423 : vector<8x2048xi1>, vector<8x2048xi32>
      %broadcast_in_dim3A_2426 = vector.broadcast %select_n3A_2321 : i32 to vector<8x2048xi32>
      %select_n3A_2427 = arith.select %eq3A_31, %broadcast_in_dim3A_2426, %select_n3A_2425 : vector<8x2048xi1>, vector<8x2048xi32>
      %sub3A_2428 = arith.subf %get3A_3, %select_n3A_2374 : vector<8x2048xf32>
      %sub3A_2429 = arith.subf %get3A_8, %select_n3A_2397 : vector<8x2048xf32>
      %sub3A_2430 = arith.subf %get3A_13, %select_n3A_2420 : vector<8x2048xf32>
      %mul3A_2431 = arith.mulf %sub3A_2428, %sub3A_2428 : vector<8x2048xf32>
      %mul3A_2432 = arith.mulf %sub3A_2429, %sub3A_2429 : vector<8x2048xf32>
      %add3A_2433 = arith.addf %mul3A_2431, %mul3A_2432 : vector<8x2048xf32>
      %mul3A_2434 = arith.mulf %sub3A_2430, %sub3A_2430 : vector<8x2048xf32>
      %add3A_2435 = arith.addf %add3A_2433, %mul3A_2434 : vector<8x2048xf32>
      %add3A_2436 = arith.constant 9.99999996E-13 : f32
      %add3A_2437 = vector.broadcast %add3A_2436 : f32 to vector<8x2048xf32>
      %add3A_2438 = arith.addf %add3A_2435, %add3A_2437 : vector<8x2048xf32>
      %sqrt3A_2439 = math.sqrt %add3A_2438 : vector<8x2048xf32>
      %eq3A_2440 = vector.broadcast %scan3A_2175 : i32 to vector<8x1024xi32>
      %eq3A_2441 = arith.cmpi eq, %iota3A_19, %eq3A_2440 : vector<8x1024xi32>
      %slice3A_2442 = vector.extract_strided_slice %select_n3A_2427 {offsets = [0, 0], sizes = [8, 1024], strides = [1, 1]} : vector<8x2048xi32> to vector<8x1024xi32>
      %add3A_2443 = arith.addi %slice3A_2442, %mul3A_24 : vector<8x1024xi32>
      %get3A_2444 = arith.constant 0 : index
      %get3A_2445 = arith.constant 0 : index
      %get3A_2446 = vector.load %arg3[%get3A_2444, %get3A_2445] : memref<8x1024xi32, #tpu.memory_space<vmem>>, vector<8x1024xi32>
      %select_n3A_2447 = arith.select %eq3A_2441, %add3A_2443, %get3A_2446 : vector<8x1024xi1>, vector<8x1024xi32>
      %swap3A_2448 = arith.constant 0 : index
      %swap3A_2449 = arith.constant 0 : index
      %swap3A_2450 = vector.load %arg3[%swap3A_2448, %swap3A_2449] : memref<8x1024xi32, #tpu.memory_space<vmem>>, vector<8x1024xi32>
      tpu.vector_store %arg3[%swap3A_2448, %swap3A_2449], %select_n3A_2447 {strides = array<i32>} : memref<8x1024xi32, #tpu.memory_space<vmem>>, vector<8x1024xi32>,
      %slice3A_2451 = vector.extract_strided_slice %select_n3A_2374 {offsets = [0, 0], sizes = [8, 1024], strides = [1, 1]} : vector<8x2048xf32> to vector<8x1024xf32>
      %get3A_2452 = arith.constant 0 : index
      %get3A_2453 = arith.constant 0 : index
      %get3A_2454 = vector.load %arg4[%get3A_2452, %get3A_2453] : memref<8x1024xf32, #tpu.memory_space<vmem>>, vector<8x1024xf32>
      %select_n3A_2455 = arith.select %eq3A_2441, %slice3A_2451, %get3A_2454 : vector<8x1024xi1>, vector<8x1024xf32>
      %swap3A_2456 = arith.constant 0 : index
      %swap3A_2457 = arith.constant 0 : index
      %swap3A_2458 = vector.load %arg4[%swap3A_2456, %swap3A_2457] : memref<8x1024xf32, #tpu.memory_space<vmem>>, vector<8x1024xf32>
      tpu.vector_store %arg4[%swap3A_2456, %swap3A_2457], %select_n3A_2455 {strides = array<i32>} : memref<8x1024xf32, #tpu.memory_space<vmem>>, vector<8x1024xf32>,
      %slice3A_2459 = vector.extract_strided_slice %select_n3A_2397 {offsets = [0, 0], sizes = [8, 1024], strides = [1, 1]} : vector<8x2048xf32> to vector<8x1024xf32>
      %get3A_2460 = arith.constant 0 : index
      %get3A_2461 = arith.constant 0 : index
      %get3A_2462 = vector.load %arg5[%get3A_2460, %get3A_2461] : memref<8x1024xf32, #tpu.memory_space<vmem>>, vector<8x1024xf32>
      %select_n3A_2463 = arith.select %eq3A_2441, %slice3A_2459, %get3A_2462 : vector<8x1024xi1>, vector<8x1024xf32>
      %swap3A_2464 = arith.constant 0 : index
      %swap3A_2465 = arith.constant 0 : index
      %swap3A_2466 = vector.load %arg5[%swap3A_2464, %swap3A_2465] : memref<8x1024xf32, #tpu.memory_space<vmem>>, vector<8x1024xf32>
      tpu.vector_store %arg5[%swap3A_2464, %swap3A_2465], %select_n3A_2463 {strides = array<i32>} : memref<8x1024xf32, #tpu.memory_space<vmem>>, vector<8x1024xf32>,
      %slice3A_2467 = vector.extract_strided_slice %select_n3A_2420 {offsets = [0, 0], sizes = [8, 1024], strides = [1, 1]} : vector<8x2048xf32> to vector<8x1024xf32>
      %get3A_2468 = arith.constant 0 : index
      %get3A_2469 = arith.constant 0 : index
      %get3A_2470 = vector.load %arg6[%get3A_2468, %get3A_2469] : memref<8x1024xf32, #tpu.memory_space<vmem>>, vector<8x1024xf32>
      %select_n3A_2471 = arith.select %eq3A_2441, %slice3A_2467, %get3A_2470 : vector<8x1024xi1>, vector<8x1024xf32>
      %swap3A_2472 = arith.constant 0 : index
      %swap3A_2473 = arith.constant 0 : index
      %swap3A_2474 = vector.load %arg6[%swap3A_2472, %swap3A_2473] : memref<8x1024xf32, #tpu.memory_space<vmem>>, vector<8x1024xf32>
      tpu.vector_store %arg6[%swap3A_2472, %swap3A_2473], %select_n3A_2471 {strides = array<i32>} : memref<8x1024xf32, #tpu.memory_space<vmem>>, vector<8x1024xf32>,
      %min3A_2475 = arith.minimumf %min3A_2173, %sqrt3A_2439 : vector<8x2048xf32>
      scf.yield %min3A_2475 : vector<8x2048xf32>
    }
    %scan3A_66 = arith.constant 1024 : i32
    return
  }
}

</mosaic_0001>

<sc_bundles>
// kernel: kernel.4.cloned.1.call-start
scs
__scs_entry_jumppad:
0x0: {  	(pc) =	sbr.rel $0x88, $3  }
0x1: {  	(tag) =	ssettag $0x0;
	lr =	simm.s32 $0x1  }
0x2: {  	[smem:$0x3F9D] =	sst lr;
	_ =	strace $0xD0000000  }
0x3: {  	_ = 	snop  }
0x4: {  	_ = 	snop  }
0x5: {  	_ = 	snop  }
0x6: {  	_ = 	snop  }
0x7: {  	_ = 	snop  }
__scs_overlays_trampoline_lowered:
0x8: {  	[smem:$0x3FAC] =	sst s0  }
0x9: {  	[smem:$0x3FAD] =	sst s1  }
0xa: {  	[smem:$0x3FAE] =	sst s2  }
0xb: {  	[smem:$0x3FAF] =	sst s3  }
0xc: {  	[smem:$0x3FB0] =	sst s4  }
0xd: {  	[smem:$0x3FB1] =	sst s5  }
0xe: {  	[smem:$0x3FB2] =	sst s6  }
0xf: {  	[smem:$0x3FB3] =	sst s7  }
0x10: {  	[smem:$0x3FB4] =	sst s8  }
0x11: {  	[smem:$0x3FB5] =	sst s9;
	s0 =	simm.s32 @!p0 $0x0  }
0x12: {  	s1 =	sld [smem:$0x3F9B];
	s0 =	simm.s32 @p0 $0x1  }
0x13: {  	[smem:$0x3FB6] =	sst s0;
	s0 =	simm.s32 @!p1 $0x0  }
0x14: {  	s2 =	sld [smem:$0x3F9A];
	s0 =	simm.s32 @p1 $0x1  }
0x15: {  	[smem:$0x3FB7] =	sst s0;
	s0 =	simm.s32 @!p2 $0x0  }
0x16: {  	s3 =	sld [smem:$0x3FDB];
	s0 =	simm.s32 @p2 $0x1  }
0x17: {  	s4 =	simm.s32 $0x1BF5;
	[smem:$0x3FB9] =	sst s0  }
0x18: {  	s0 =	sld [smem:$0x3F9C];
	_ =	swait.ge [sflag:s4], $0x0  }
0x19: {  	s7 =	sld [smem:$0x3F9D]  }
0x1a: {  	s8 =	sadd.s32 $0xFFFFE003, lr  }
0x1b: {  	s9 =	sadd.s32 $0xFFFFFEF7, lr;
	s5 =	simm.s32 $0xFFFFFFFF;
	p2 =	slt.u32 s8, $0xFFFFF086  }
0x1c: {  	p1 =	slt.u32 s9, $0xF7A;
	s5 =	simm.s32 @!p2 $0x0  }
0x1d: {  	s5 =	simm.s32 @p1 $0x1;
	p0 =	seq.s32 s7, s2  }
0x1e: {  	s7 =	smul.u32 @!p0 $0xF7A, s2;
	p2 =	seq.s32 @!p0 s5, $0x0  }
0x1f: {  	s9 =	smul.u32 $0xF7A, s1;
	s8 =	simm.s32 @!p0 $0x1BF5;
	p2 =	por !p2, p0  }
0x20: {  	[sflag:s8] =	ssyncset.s32 @!p0 $0xFFFFF086;
	s6 =	sadd.s32 @!p0 s3, s7;
	s7 =	simm.s32 @!p0 $0x108  }
0x21: {  	s3 =	sadd.s32 s3, s9;
	s6 =	sadd.s32 @!p0 $0x88, s6;
	s7 =	simm.s32 @p2 $0x1082  }
0x22: {  	[simem:s7], [sflag:s8] =	dma.local @!p0 [hbm:s6], $0xF7A  }
0x23: {  	s9 =	sor.u32 $0xD0000000, s2;
	s6 =	simm.s32 $0x108;
	_ =	swait.ge @!p0 [sflag:s8], $0x0  }
0x24: {  	s3 =	sadd.s32 $0x88, s3;
	s6 =	simm.s32 @!p1 $0x1082;
	[sflag:s4] =	ssyncset.s32 $0xFFFFF086  }
0x25: {  	[simem:s6], [sflag:s4] =	dma.local [hbm:s3], $0xF7A  }
0x26: {  	[smem:$0x3F9D] =	sst s1;
	(tag) =	ssettag s2;
	_ =	strace s9  }
0x27: {  	s1 =	sld [smem:$0x3FAD]  }
0x28: {  	s2 =	sld [smem:$0x3FAE]  }
0x29: {  	s4 =	sld [smem:$0x3FB0]  }
0x2a: {  	p0 =	seq.s32 s5, $0x0;
	s5 =	sld [smem:$0x3FB1]  }
0x2b: {  	s6 =	sld [smem:$0x3FB2]  }
0x2c: {  	s7 =	sld [smem:$0x3FB3]  }
0x2d: {  	s3 =	simm.s32 $0x108;
	s8 =	sld [smem:$0x3FB4]  }
0x2e: {  	s3 =	simm.s32 @!p0 $0x1082;
	s9 =	sld [smem:$0x3FB5]  }
0x2f: {  	lr =	sadd.s32 s0, s3;
	s0 =	sld [smem:$0x3FAC]  }
0x30: {  	s3 =	sld [smem:$0x3FAF]  }
0x31: {  	[smem:$0x3FB8] =	sst s10  }
0x32: {  	s10 =	sld [smem:$0x3FB6];
	_ =	sdelay $0x3  }
0x33: {  	p0 =	seq.s32 s10, $0x1;
	s10 =	sld [smem:$0x3FB8];
	_ =	sdelay $0x3  }
0x34: {  	[smem:$0x3FB8] =	sst s10  }
0x35: {  	s10 =	sld [smem:$0x3FB7];
	_ =	sdelay $0x3  }
0x36: {  	p1 =	seq.s32 s10, $0x1;
	s10 =	sld [smem:$0x3FB8];
	_ =	sdelay $0x3  }
0x37: {  	[smem:$0x3FB8] =	sst s10  }
0x38: {  	s10 =	sld [smem:$0x3FB9]  }
0x39: {  	_ = 	snop;
	(pc) =	sbr.ind lr, $3  }
0x3a: {  	_ = 	snop  }
0x3b: {  	_ = 	snop  }
0x3c: {  	p2 =	seq.s32 s10, $0x1;
	s10 =	sld [smem:$0x3FB8]  }
0x3d: {  	_ =	shalt  }
0x3e: {  	_ =	shalt  }
0x3f: {  	_ =	shalt  }
0x40: {  	_ =	shalt  }
0x41: {  	_ =	shalt  }
0x42: {  	_ =	shalt  }
0x43: {  	_ =	shalt  }
0x44: {  	_ =	shalt  }
0x45: {  	_ =	shalt  }
0x46: {  	_ =	shalt  }
0x47: {  	_ =	shalt  }
0x48: {  	_ =	shalt  }
0x49: {  	_ =	shalt  }
0x4a: {  	_ =	shalt  }
0x4b: {  	_ =	shalt  }
0x4c: {  	_ =	shalt  }
0x4d: {  	_ =	shalt  }
0x4e: {  	_ =	shalt  }
0x4f: {  	_ =	shalt  }
0x50: {  	_ =	shalt  }
0x51: {  	_ =	shalt  }
0x52: {  	_ =	shalt  }
0x53: {  	_ =	shalt  }
0x54: {  	_ =	shalt  }
0x55: {  	_ =	shalt  }
0x56: {  	_ =	shalt  }
0x57: {  	_ =	shalt  }
0x58: {  	_ =	shalt  }
0x59: {  	_ =	shalt  }
0x5a: {  	_ =	shalt  }
0x5b: {  	_ =	shalt  }
0x5c: {  	_ =	shalt  }
0x5d: {  	_ =	shalt  }
0x5e: {  	_ =	shalt  }
0x5f: {  	_ =	shalt  }
0x60: {  	_ =	shalt  }
0x61: {  	_ =	shalt  }
0x62: {  	_ =	shalt  }
0x63: {  	_ =	shalt  }
0x64: {  	_ =	shalt  }
0x65: {  	_ =	shalt  }
0x66: {  	_ =	shalt  }
0x67: {  	_ =	shalt  }
0x68: {  	_ =	shalt  }
0x69: {  	_ =	shalt  }
0x6a: {  	_ =	shalt  }
0x6b: {  	_ =	shalt  }
0x6c: {  	_ =	shalt  }
0x6d: {  	_ =	shalt  }
0x6e: {  	_ =	shalt  }
0x6f: {  	_ =	shalt  }
0x70: {  	_ =	shalt  }
0x71: {  	_ =	shalt  }
0x72: {  	_ =	shalt  }
0x73: {  	_ =	shalt  }
0x74: {  	_ =	shalt  }
0x75: {  	_ =	shalt  }
0x76: {  	_ =	shalt  }
0x77: {  	_ =	shalt  }
0x78: {  	_ =	shalt  }
0x79: {  	_ =	shalt  }
0x7a: {  	_ =	shalt  }
0x7b: {  	_ =	shalt  }
0x7c: {  	_ =	shalt  }
0x7d: {  	_ =	shalt  }
0x7e: {  	_ =	shalt  }
0x7f: {  	_ =	shalt  }
0x80: {  	_ =	shalt  }
0x81: {  	_ =	shalt  }
0x82: {  	_ =	shalt  }
0x83: {  	_ =	shalt  }
0x84: {  	_ =	shalt  }
0x85: {  	_ =	shalt  }
0x86: {  	_ =	shalt  }
0x87: {  	_ =	shalt  }
.Lfunc_end0:
.L_simem_size_0:
called_computation_lowered:
.L_overlay_start_0:
0x88: {  	s2 =	sld [smem:$0x3FD9]  }
0x89: {  	s3 =	sld [smem:$0x3FFE];
	_ =	sdelay $0x1  }
0x8a: {  	s1 =	srdreg.scid  }
0x8b: {  	s0 =	sand.u32 $0x1, s1  }
0x8c: {  	s14 =	sshll.u32 s0, $0xA;
	s2 =	sadd.s32 s3, s2  }
0x8d: {  	s2 =	sadd.s32 s2, s14  }
0x8e: {  	[smem:$0x3FC4] =	sst s2  }
0x8f: {  	_ = 	snop  }
0x90: {  	s2 =	sld [smem:$0x3FD0];
	_ =	sdelay $0x2  }
0x91: {  	s4 =	simm.s32 $0xA;
	s5 =	simm.s32 $0x10;
	s15 =	sld [smem:$0x3FC6]  }
0x92: {  	[smem:s5], [sflag:s4] =	dma.local [hbm:s2], $0x1  }
0x93: {  	_ =	swait.eq [sflag:s4], $0x1  }
0x94: {  	[sflag:s4] =	ssyncset.done $0x0  }
0x95: {  	[sflag:s4] =	ssyncadd.s32 $0xFFFFFFFF  }
0x96: {  	s16 =	sld [smem:$0x11];
	(tm) =	ssettm $0x1  }
0x97: {  	s17 =	sld [smem:$0x3FFB];
	_ =	sdelay $0x3  }
0x98: {  	_ =	strace s17  }
0x99: {  	s4 =	sld [smem:$0x3FFC];
	_ =	sdelay $0x3  }
0x9a: {  	_ =	strace s4  }
0x9b: {  	s4 =	sld [smem:$0x3FFD];
	_ =	sdelay $0x3  }
0x9c: {  	_ =	strace s4  }
0x9d: {  	_ =	strace $0x8FFFFFFF  }
0x9e: {  	s18 =	sld [smem:$0x3FDB];
	_ =	sdelay $0x1  }
0x9f: {  	s19 =	simm.s32 $_scs_section_size  }
0xa0: {  	s6 =	simm.s32 $_size__tile_overlayer_lowered;
	s7 =	simm.s32 $_tile_overlayer_lowered  }
0xa1: {  	s22 =	simm.s32 $0x1BFF;
	s21 =	sshll.u32 s7, $0x1;
	s4 =	sadd.s32 s19, s18  }
0xa2: {  	s8 =	simm.s32 $0x0;
	s20 =	sshll.u32 s6, $0x1;
	s6 =	sadd.s32 s21, s4  }
0xa3: {  	[timem:s8], [sflag:s22] =	dma.local [hbm:s6], s20  }
0xa4: {  	_ =	swait.ge [sflag:s22], s20  }
0xa5: {  	s5 =	ssub.s32 $0x0, s20;
	[sflag:s22] =	ssyncset.done $0x0  }
0xa6: {  	[sflag:s22] =	ssyncadd.s32 s5;
	_ =	sdelay $0x1  }
0xa7: {  	s23 =	simm.s32 $0x1B8B  }
0xa8: {  	_ =	swait.ge [sflag:s23], $0x1  }
0xa9: {  	[sflag:s23] =	ssyncset.done $0x0  }
0xaa: {  	s25 =	simm.s32 $0x1B8E;
	s24 =	sld [smem:$0x3FFE];
	[sflag:s23] =	ssyncadd.s32 $0xFFFFFFFF  }
0xab: {  	s26 =	simm.s32 $execute0_lowered;
	[smem:$0x3FD2] =	sst s25  }
0xac: {  	s6 =	sshll.u32 s26, $0x1;
	_ =	strace $0x80000046;
	[dreg:$0x1] =	wrdreg $0xFFFFFFFF  }
0xad: {  	s28 =	simm.s32 $_size_execute0_lowered;
	s4 =	sadd.s32 s4, s6;
	[dreg:$0x0] =	wrdreg $0x0  }
0xae: {  	s6 =	sshll.u32 s28, $0x1;
	[dreg:$0x2] =	wrdreg s4  }
0xaf: {  	[dreg:$0x3] =	wrdreg s6  }
0xb0: {  	[dreg:$0x4] =	wrdreg $0xC0  }
0xb1: {  	_ =	task [dreg:s8], $0x5FFFF  }
0xb2: {  	[dreg:$0x1] =	wrdreg $0xFFFFFFFF  }
0xb3: {  	[dreg:$0x0] =	wrdreg $0x60  }
0xb4: {  	[dreg:$0x2] =	wrdreg s15  }
0xb5: {  	[dreg:$0x3] =	wrdreg s24  }
0xb6: {  	[dreg:$0x4] =	wrdreg s16  }
0xb7: {  	[dreg:$0x5] =	wrdreg $0x9  }
0xb8: {  	_ =	task.clear_ibuf [dreg:s8], $0x6FFFF;
	_ =	strace $0x90000046  }
0xb9: {  	s29 =	simm.s32 $0x9;
	_ =	strace $0x80000048  }
0xba: {  	_ =	swait.ge [sflag:s29], $0x1  }
0xbb: {  	[sflag:s29] =	ssyncadd.s32 $0xFFFFFFFF  }
0xbc: {  	_ =	strace $0x90000048  }
0xbd: {  	_ =	sfence  }
0xbe: {  	s30 =	sld [smem:$0x0];
	_ =	sdelay $0x2  }
0xbf: {  	s31 =	sshll.u32 s1, $0xD;
	s1 =	sshrl.u32 s1, $0x2  }
0xc0: {  	s3 =	sand.u32 $0x4000, s31;
	s1 =	sadd.s32 s1, s30  }
0xc1: {  	s0 =	sor.u32 s3, s0;
	s1 =	sshll.u32 s1, $0x11  }
0xc2: {  	s0 =	sor.u32 s1, s0  }
0xc3: {  	s0 =	sadd.s32 $0x8F2B, s0  }
0xc4: {  	[sflag:s0] =	ssyncadd.remote.s32 $0x1  }
0xc5: {  	_ =	sfence.sel $0xFFFF  }
0xc6: {  	[dreg:$0x0] =	wrdreg $0xFFFFFFFF;
	(pc) =	sbr.abs _section_cstart, $3  }
0xc7: {  	[dreg:$0x1] =	wrdreg $0xFFFFFFFF  }
0xc8: {  	_ =	task.clear_ibuf [dreg:s8], $0x2FFFF;
	_ =	strace $0x9FFFFFFF  }
0xc9: {  	(tm) =	ssettm $0x7FFFFFFF  }
tec
execute0_lowered:
.L_overlay_start_1:
0x0: {  	(tag) =	ssettag $0x1  }
0x1: {  	s1 =	rddreg [dreg:$0x0]  }
0x2: {  	s4 =	rddreg [dreg:$0x1]  }
0x3: {  	s5 =	rddreg [dreg:$0x2];
	s3 =	simm.s32 $0x0  }
0x4: {  	s24 =	simm.s32 $0x880;
	[smem:$0x7FF] =	sst s3  }
0x5: {  	s25 =	simm.s32 $0x1080;
	_ =	strace $0x80000047;
	[dreg:$0x6] =	wrdreg s24  }
0x6: {  	s0 =	stileid.u32;
	s26 =	simm.s32 $0x1880;
	[dreg:$0x7] =	wrdreg s25  }
0x7: {  	s6 =	sshll.u32 s0, $0x5;
	s0 =	simm.s32 $0x2080;
	[dreg:$0x8] =	wrdreg s26  }
0x8: {  	s8 =	simm.s32 $0x4080;
	[dreg:$0x9] =	wrdreg s0  }
0x9: {  	s9 =	simm.s32 $0x4880;
	[dreg:$0xd] =	wrdreg s8  }
0xa: {  	s10 =	simm.s32 $0x5080;
	[dreg:$0xe] =	wrdreg s9  }
0xb: {  	s11 =	simm.s32 $0x5880;
	[dreg:$0xf] =	wrdreg s10  }
0xc: {  	s12 =	simm.s32 $0x6080;
	[dreg:$0x10] =	wrdreg s11  }
0xd: {  	s13 =	simm.s32 $0x6880;
	[dreg:$0x11] =	wrdreg s12  }
0xe: {  	s14 =	simm.s32 $0x7080;
	[dreg:$0x12] =	wrdreg s13  }
0xf: {  	s15 =	simm.s32 $0x7880;
	[dreg:$0x13] =	wrdreg s14  }
0x10: {  	s2 =	srdreg.scid;
	s16 =	simm.s32 $0x8080;
	[dreg:$0x14] =	wrdreg s15  }
0x11: {  	s17 =	simm.s32 $0x8880;
	s18 =	simm.s32 $0x9080;
	[dreg:$0x15] =	wrdreg s16  }
0x12: {  	s20 =	simm.s32 $0x9880;
	s21 =	simm.s32 $0xA080;
	[dreg:$0x16] =	wrdreg s17  }
0x13: {  	s22 =	simm.s32 $0xA880;
	s28 =	simm.s32 $0x16080;
	[dreg:$0x17] =	wrdreg s18  }
0x14: {  	s29 =	simm.s32 $0x16880;
	s30 =	simm.s32 $0x17080;
	[dreg:$0x18] =	wrdreg s20  }
0x15: {  	s31 =	simm.s32 $0x17880;
	s2 =	sand.u32 $0x1, s2;
	[dreg:$0x19] =	wrdreg s21  }
0x16: {  	s7 =	sshll.u32 s2, $0x4;
	s2 =	ssub.s32 $0x2, s2;
	[dreg:$0x1a] =	wrdreg s22  }
0x17: {  	s24 =	simm.s32 $0xB880;
	s25 =	simm.s32 $0xC080;
	s8 =	simm.s32 $0x80  }
0x18: {  	s26 =	simm.s32 $0xC880;
	s10 =	simm.s32 $0xD880;
	s11 =	simm.s32 $0xE080  }
0x19: {  	s12 =	simm.s32 $0xE880;
	s13 =	simm.s32 $0xF080;
	s14 =	simm.s32 $0xF880  }
0x1a: {  	s15 =	simm.s32 $0x10080;
	s16 =	simm.s32 $0x10880;
	s17 =	simm.s32 $0x11080  }
0x1b: {  	s18 =	simm.s32 $0x11880;
	s20 =	simm.s32 $0x12880;
	[dreg:$0x1c] =	wrdreg s24  }
0x1c: {  	s21 =	simm.s32 $0x13080;
	s22 =	simm.s32 $0x13880;
	[dreg:$0x1d] =	wrdreg s25  }
0x1d: {  	s6 =	sor.u32 s7, s6;
	s19 =	sshrl.u32 s2, $0x1;
	[dreg:$0x1e] =	wrdreg s26  }
0x1e: {  	s24 =	simm.s32 $0x14880;
	s25 =	simm.s32 $0x15080;
	s26 =	simm.s32 $0x15880  }
0x1f: {  	s7 =	smul.u32 $0x300, s6;
	s4 =	sadd.s32 s4, s6;
	s6 =	simm.s32 $0x3080  }
0x20: {  	s2 =	ssub.s32 s2, s19;
	s19 =	simm.s32 $0x12080;
	[dreg:$0x4] =	wrdreg s4  }
0x21: {  	[dreg:$0xb] =	wrdreg s6;
	s4 =	sadd.s32 $0x100, s1;
	s23 =	sadd.s32 s5, s7  }
0x22: {  	s6 =	smax.u32 s2, $0x1;
	s5 =	simm.s32 $0x2880;
	[dreg:$0x5] =	wrdreg s23  }
0x23: {  	v2 =	vlaneseq.u32;
	s2 =	simm.s32 $0x1;
	s7 =	simm.s32 $0x3880;
	[dreg:$0xa] =	wrdreg s5  }
0x24: {  	vm0 =	vmmov $0xffff;
	v1 =	vshrl.u32 v2, $0x3;
	[dreg:$0xc] =	wrdreg s7;
	s5 =	sadd.s32 $0x200, s1;
	s23 =	simm.s32 $0xB080  }
0x25: {  	v0 =	vand.u32 $0x7, v2;
	v2 =	vor.u32 $0x8, v2;
	v1 =	vmul.u32 $0x8, v1;
	s7 =	simm.s32 $0x2;
	[dreg:$0x1b] =	wrdreg s23;
	s23 =	simm.s32 $0x14080  }
.LBB2_1:
0x26: {  	s0 =	rddreg [dreg:$0x4]  }
0x27: {  	[tilespmem:s3], [sflag:$0x2] =	stream.linear.gather [hbm4b:s0+s3], $0x80, $0x38;
	[tilespmem:$0x18080] =	vst v63  }
0x28: {  	_ =	swait.ge [sflag:s7], $0x80  }
0x29: {  	[sflag:s7] =	ssyncset.done $0x0  }
0x2a: {  	[sflag:s7] =	ssyncadd.s32 $0xFFFFFF80  }
0x2b: {  	v3 =	vld [tilespmem:$0x0];
	_ =	sdelay $0x4  }
0x2c: {  	v4 =	vshrl.u32 v3, $0x3  }
0x2d: {  	v4 =	vmul.u32 $0x30, v4  }
0x2e: {  	v3 =	vand.u32 $0x7, v3  }
0x2f: {  	v3 =	vor.u32 v3, v4  }
0x30: {  	v4 =	vperm.xlane v3, v0;
	_ =	sdelay $0x1  }
0x31: {  	v4 =	vadd.s32 v1, v4;
	_ =	sdelay $0x3  }
0x32: {  	v3 =	vperm.xlane v3, v2  }
0x33: {  	[tilespmem:s8], [sflag:$0x1] =	stream.indirect_vreg.gather [hbm4b:s1+s3], $0x80, v4, vm0, $0xb8;
	[tilespmem:$0x18080] =	vst v63  }
0x34: {  	s0 =	rddreg [dreg:$0x6];
	v3 =	vadd.s32 v1, v3  }
0x35: {  	[tilespmem:s0], [sflag:$0x1] =	stream.indirect_vreg.gather [hbm4b:s4+s3], $0x80, v4, vm0, $0xb8;
	[tilespmem:$0x18080] =	vst v63  }
0x36: {  	s9 =	rddreg [dreg:$0x7]  }
0x37: {  	[tilespmem:s9], [sflag:$0x1] =	stream.indirect_vreg.gather [hbm4b:s5+s3], $0x80, v4, vm0, $0xb8;
	[tilespmem:$0x18080] =	vst v63  }
0x38: {  	s0 =	rddreg [dreg:$0x8]  }
0x39: {  	[tilespmem:s0], [sflag:$0x1] =	stream.indirect_vreg.gather [hbm4b:s1+s3], $0x80, v3, vm0, $0xb8;
	[tilespmem:$0x18080] =	vst v63  }
0x3a: {  	s9 =	rddreg [dreg:$0x9]  }
0x3b: {  	[tilespmem:s9], [sflag:$0x1] =	stream.indirect_vreg.gather [hbm4b:s4+s3], $0x80, v3, vm0, $0xb8;
	[tilespmem:$0x18080] =	vst v63  }
0x3c: {  	s0 =	rddreg [dreg:$0xa]  }
0x3d: {  	[tilespmem:s0], [sflag:$0x1] =	stream.indirect_vreg.gather [hbm4b:s5+s3], $0x80, v3, vm0, $0xb8;
	[tilespmem:$0x18080] =	vst v63  }
0x3e: {  	v3 =	vld [tilespmem:$0x10];
	_ =	sdelay $0x4  }
0x3f: {  	v57 =	vshrl.u32 v3, $0x3  }
0x40: {  	v4 =	vmul.u32 $0x30, v57  }
0x41: {  	v3 =	vand.u32 $0x7, v3  }
0x42: {  	v3 =	vor.u32 v3, v4  }
0x43: {  	v4 =	vperm.xlane v3, v0;
	_ =	sdelay $0x1  }
0x44: {  	v4 =	vadd.s32 v1, v4;
	_ =	sdelay $0x3  }
0x45: {  	s0 =	rddreg [dreg:$0xb];
	v3 =	vperm.xlane v3, v2  }
0x46: {  	[tilespmem:s0], [sflag:$0x1] =	stream.indirect_vreg.gather [hbm4b:s1+s3], $0x80, v4, vm0, $0xb8;
	[tilespmem:$0x18080] =	vst v63  }
0x47: {  	s9 =	rddreg [dreg:$0xc];
	v3 =	vadd.s32 v1, v3  }
0x48: {  	[tilespmem:s9], [sflag:$0x1] =	stream.indirect_vreg.gather [hbm4b:s4+s3], $0x80, v4, vm0, $0xb8;
	[tilespmem:$0x18080] =	vst v63  }
0x49: {  	s0 =	rddreg [dreg:$0xd]  }
0x4a: {  	[tilespmem:s0], [sflag:$0x1] =	stream.indirect_vreg.gather [hbm4b:s5+s3], $0x80, v4, vm0, $0xb8;
	[tilespmem:$0x18080] =	vst v63  }
0x4b: {  	s9 =	rddreg [dreg:$0xe]  }
0x4c: {  	[tilespmem:s9], [sflag:$0x1] =	stream.indirect_vreg.gather [hbm4b:s1+s3], $0x80, v3, vm0, $0xb8;
	[tilespmem:$0x18080] =	vst v63  }
0x4d: {  	s0 =	rddreg [dreg:$0xf]  }
0x4e: {  	[tilespmem:s0], [sflag:$0x1] =	stream.indirect_vreg.gather [hbm4b:s4+s3], $0x80, v3, vm0, $0xb8;
	[tilespmem:$0x18080] =	vst v63  }
0x4f: {  	s9 =	rddreg [dreg:$0x10]  }
0x50: {  	[tilespmem:s9], [sflag:$0x1] =	stream.indirect_vreg.gather [hbm4b:s5+s3], $0x80, v3, vm0, $0xb8;
	[tilespmem:$0x18080] =	vst v63  }
0x51: {  	v3 =	vld [tilespmem:$0x20];
	_ =	sdelay $0x4  }
0x52: {  	v58 =	vshrl.u32 v3, $0x3  }
0x53: {  	v4 =	vmul.u32 $0x30, v58  }
0x54: {  	v3 =	vand.u32 $0x7, v3  }
0x55: {  	v3 =	vor.u32 v3, v4  }
0x56: {  	v4 =	vperm.xlane v3, v0;
	_ =	sdelay $0x1  }
0x57: {  	v4 =	vadd.s32 v1, v4;
	_ =	sdelay $0x3  }
0x58: {  	s0 =	rddreg [dreg:$0x11];
	v3 =	vperm.xlane v3, v2  }
0x59: {  	[tilespmem:s0], [sflag:$0x1] =	stream.indirect_vreg.gather [hbm4b:s1+s3], $0x80, v4, vm0, $0xb8;
	[tilespmem:$0x18080] =	vst v63  }
0x5a: {  	s9 =	rddreg [dreg:$0x12];
	v3 =	vadd.s32 v1, v3  }
0x5b: {  	[tilespmem:s9], [sflag:$0x1] =	stream.indirect_vreg.gather [hbm4b:s4+s3], $0x80, v4, vm0, $0xb8;
	[tilespmem:$0x18080] =	vst v63  }
0x5c: {  	s0 =	rddreg [dreg:$0x13]  }
0x5d: {  	[tilespmem:s0], [sflag:$0x1] =	stream.indirect_vreg.gather [hbm4b:s5+s3], $0x80, v4, vm0, $0xb8;
	[tilespmem:$0x18080] =	vst v63  }
0x5e: {  	s9 =	rddreg [dreg:$0x14]  }
0x5f: {  	[tilespmem:s9], [sflag:$0x1] =	stream.indirect_vreg.gather [hbm4b:s1+s3], $0x80, v3, vm0, $0xb8;
	[tilespmem:$0x18080] =	vst v63  }
0x60: {  	s0 =	rddreg [dreg:$0x15]  }
0x61: {  	[tilespmem:s0], [sflag:$0x1] =	stream.indirect_vreg.gather [hbm4b:s4+s3], $0x80, v3, vm0, $0xb8;
	[tilespmem:$0x18080] =	vst v63  }
0x62: {  	s9 =	rddreg [dreg:$0x16]  }
0x63: {  	[tilespmem:s9], [sflag:$0x1] =	stream.indirect_vreg.gather [hbm4b:s5+s3], $0x80, v3, vm0, $0xb8;
	[tilespmem:$0x18080] =	vst v63  }
0x64: {  	v3 =	vld [tilespmem:$0x30];
	_ =	sdelay $0x4  }
0x65: {  	v59 =	vshrl.u32 v3, $0x3  }
0x66: {  	v4 =	vmul.u32 $0x30, v59  }
0x67: {  	v3 =	vand.u32 $0x7, v3  }
0x68: {  	v3 =	vor.u32 v3, v4  }
0x69: {  	v4 =	vperm.xlane v3, v0;
	_ =	sdelay $0x1  }
0x6a: {  	v4 =	vadd.s32 v1, v4;
	_ =	sdelay $0x3  }
0x6b: {  	s0 =	rddreg [dreg:$0x17];
	v3 =	vperm.xlane v3, v2  }
0x6c: {  	[tilespmem:s0], [sflag:$0x1] =	stream.indirect_vreg.gather [hbm4b:s1+s3], $0x80, v4, vm0, $0xb8;
	[tilespmem:$0x18080] =	vst v63  }
0x6d: {  	s9 =	rddreg [dreg:$0x18];
	v3 =	vadd.s32 v1, v3  }
0x6e: {  	[tilespmem:s9], [sflag:$0x1] =	stream.indirect_vreg.gather [hbm4b:s4+s3], $0x80, v4, vm0, $0xb8;
	[tilespmem:$0x18080] =	vst v63  }
0x6f: {  	s0 =	rddreg [dreg:$0x19]  }
0x70: {  	[tilespmem:s0], [sflag:$0x1] =	stream.indirect_vreg.gather [hbm4b:s5+s3], $0x80, v4, vm0, $0xb8;
	[tilespmem:$0x18080] =	vst v63  }
0x71: {  	s9 =	rddreg [dreg:$0x1a]  }
0x72: {  	[tilespmem:s9], [sflag:$0x1] =	stream.indirect_vreg.gather [hbm4b:s1+s3], $0x80, v3, vm0, $0xb8;
	[tilespmem:$0x18080] =	vst v63  }
0x73: {  	s0 =	rddreg [dreg:$0x1b]  }
0x74: {  	[tilespmem:s0], [sflag:$0x1] =	stream.indirect_vreg.gather [hbm4b:s4+s3], $0x80, v3, vm0, $0xb8;
	[tilespmem:$0x18080] =	vst v63  }
0x75: {  	s9 =	rddreg [dreg:$0x1c]  }
0x76: {  	[tilespmem:s9], [sflag:$0x1] =	stream.indirect_vreg.gather [hbm4b:s5+s3], $0x80, v3, vm0, $0xb8;
	[tilespmem:$0x18080] =	vst v63  }
0x77: {  	v3 =	vld [tilespmem:$0x40];
	_ =	sdelay $0x4  }
0x78: {  	v60 =	vshrl.u32 v3, $0x3  }
0x79: {  	v4 =	vmul.u32 $0x30, v60  }
0x7a: {  	v3 =	vand.u32 $0x7, v3  }
0x7b: {  	v3 =	vor.u32 v3, v4  }
0x7c: {  	v4 =	vperm.xlane v3, v0;
	_ =	sdelay $0x1  }
0x7d: {  	v4 =	vadd.s32 v1, v4;
	_ =	sdelay $0x3  }
0x7e: {  	s0 =	rddreg [dreg:$0x1d];
	v3 =	vperm.xlane v3, v2  }
0x7f: {  	[tilespmem:s0], [sflag:$0x1] =	stream.indirect_vreg.gather [hbm4b:s1+s3], $0x80, v4, vm0, $0xb8;
	[tilespmem:$0x18080] =	vst v63  }
0x80: {  	s9 =	rddreg [dreg:$0x1e];
	v3 =	vadd.s32 v1, v3  }
0x81: {  	[tilespmem:s9], [sflag:$0x1] =	stream.indirect_vreg.gather [hbm4b:s4+s3], $0x80, v4, vm0, $0xb8;
	[tilespmem:$0x18080] =	vst v63  }
0x82: {  	s9 =	simm.s32 $0xD080  }
0x83: {  	[tilespmem:s9], [sflag:$0x1] =	stream.indirect_vreg.gather [hbm4b:s5+s3], $0x80, v4, vm0, $0xb8;
	[tilespmem:$0x18080] =	vst v63  }
0x84: {  	_ = 	snop  }
0x85: {  	[tilespmem:s10], [sflag:$0x1] =	stream.indirect_vreg.gather [hbm4b:s1+s3], $0x80, v3, vm0, $0xb8;
	[tilespmem:$0x18080] =	vst v63  }
0x86: {  	_ = 	snop  }
0x87: {  	[tilespmem:s11], [sflag:$0x1] =	stream.indirect_vreg.gather [hbm4b:s4+s3], $0x80, v3, vm0, $0xb8;
	[tilespmem:$0x18080] =	vst v63  }
0x88: {  	_ = 	snop  }
0x89: {  	[tilespmem:s12], [sflag:$0x1] =	stream.indirect_vreg.gather [hbm4b:s5+s3], $0x80, v3, vm0, $0xb8;
	[tilespmem:$0x18080] =	vst v63  }
0x8a: {  	v3 =	vld [tilespmem:$0x50];
	_ =	sdelay $0x4  }
0x8b: {  	v61 =	vshrl.u32 v3, $0x3  }
0x8c: {  	v4 =	vmul.u32 $0x30, v61  }
0x8d: {  	v3 =	vand.u32 $0x7, v3  }
0x8e: {  	v3 =	vor.u32 v3, v4  }
0x8f: {  	v4 =	vperm.xlane v3, v0;
	_ =	sdelay $0x1  }
0x90: {  	v4 =	vadd.s32 v1, v4;
	_ =	sdelay $0x3  }
0x91: {  	v3 =	vperm.xlane v3, v2  }
0x92: {  	[tilespmem:s13], [sflag:$0x1] =	stream.indirect_vreg.gather [hbm4b:s1+s3], $0x80, v4, vm0, $0xb8;
	[tilespmem:$0x18080] =	vst v63  }
0x93: {  	v3 =	vadd.s32 v1, v3  }
0x94: {  	[tilespmem:s14], [sflag:$0x1] =	stream.indirect_vreg.gather [hbm4b:s4+s3], $0x80, v4, vm0, $0xb8;
	[tilespmem:$0x18080] =	vst v63  }
0x95: {  	_ = 	snop  }
0x96: {  	[tilespmem:s15], [sflag:$0x1] =	stream.indirect_vreg.gather [hbm4b:s5+s3], $0x80, v4, vm0, $0xb8;
	[tilespmem:$0x18080] =	vst v63  }
0x97: {  	_ = 	snop  }
0x98: {  	[tilespmem:s16], [sflag:$0x1] =	stream.indirect_vreg.gather [hbm4b:s1+s3], $0x80, v3, vm0, $0xb8;
	[tilespmem:$0x18080] =	vst v63  }
0x99: {  	_ = 	snop  }
0x9a: {  	[tilespmem:s17], [sflag:$0x1] =	stream.indirect_vreg.gather [hbm4b:s4+s3], $0x80, v3, vm0, $0xb8;
	[tilespmem:$0x18080] =	vst v63  }
0x9b: {  	_ = 	snop  }
0x9c: {  	[tilespmem:s18], [sflag:$0x1] =	stream.indirect_vreg.gather [hbm4b:s5+s3], $0x80, v3, vm0, $0xb8;
	[tilespmem:$0x18080] =	vst v63  }
0x9d: {  	v3 =	vld [tilespmem:$0x60];
	_ =	sdelay $0x4  }
0x9e: {  	v62 =	vshrl.u32 v3, $0x3  }
0x9f: {  	v4 =	vmul.u32 $0x30, v62  }
0xa0: {  	v3 =	vand.u32 $0x7, v3  }
0xa1: {  	v3 =	vor.u32 v3, v4  }
0xa2: {  	v4 =	vperm.xlane v3, v0;
	_ =	sdelay $0x1  }
0xa3: {  	v4 =	vadd.s32 v1, v4;
	_ =	sdelay $0x3  }
0xa4: {  	v3 =	vperm.xlane v3, v2  }
0xa5: {  	[tilespmem:s19], [sflag:$0x1] =	stream.indirect_vreg.gather [hbm4b:s1+s3], $0x80, v4, vm0, $0xb8;
	[tilespmem:$0x18080] =	vst v63  }
0xa6: {  	v3 =	vadd.s32 v1, v3  }
0xa7: {  	[tilespmem:s20], [sflag:$0x1] =	stream.indirect_vreg.gather [hbm4b:s4+s3], $0x80, v4, vm0, $0xb8;
	[tilespmem:$0x18080] =	vst v63  }
0xa8: {  	_ = 	snop  }
0xa9: {  	[tilespmem:s21], [sflag:$0x1] =	stream.indirect_vreg.gather [hbm4b:s5+s3], $0x80, v4, vm0, $0xb8;
	[tilespmem:$0x18080] =	vst v63  }
0xaa: {  	_ = 	snop  }
0xab: {  	[tilespmem:s22], [sflag:$0x1] =	stream.indirect_vreg.gather [hbm4b:s1+s3], $0x80, v3, vm0, $0xb8;
	[tilespmem:$0x18080] =	vst v63  }
0xac: {  	_ = 	snop  }
0xad: {  	[tilespmem:s23], [sflag:$0x1] =	stream.indirect_vreg.gather [hbm4b:s4+s3], $0x80, v3, vm0, $0xb8;
	[tilespmem:$0x18080] =	vst v63  }
0xae: {  	_ = 	snop  }
0xaf: {  	[tilespmem:s24], [sflag:$0x1] =	stream.indirect_vreg.gather [hbm4b:s5+s3], $0x80, v3, vm0, $0xb8;
	[tilespmem:$0x18080] =	vst v63  }
0xb0: {  	v3 =	vld [tilespmem:$0x70];
	_ =	sdelay $0x4  }
0xb1: {  	v63 =	vshrl.u32 v3, $0x3  }
0xb2: {  	v4 =	vmul.u32 $0x30, v63  }
0xb3: {  	v3 =	vand.u32 $0x7, v3  }
0xb4: {  	v3 =	vor.u32 v3, v4  }
0xb5: {  	v4 =	vperm.xlane v3, v0;
	_ =	sdelay $0x1  }
0xb6: {  	v4 =	vadd.s32 v1, v4;
	_ =	sdelay $0x3  }
0xb7: {  	v3 =	vperm.xlane v3, v2  }
0xb8: {  	[tilespmem:s25], [sflag:$0x1] =	stream.indirect_vreg.gather [hbm4b:s1+s3], $0x80, v4, vm0, $0xb8;
	[tilespmem:$0x18080] =	vst v63  }
0xb9: {  	v3 =	vadd.s32 v1, v3  }
0xba: {  	[tilespmem:s26], [sflag:$0x1] =	stream.indirect_vreg.gather [hbm4b:s4+s3], $0x80, v4, vm0, $0xb8;
	[tilespmem:$0x18080] =	vst v63  }
0xbb: {  	_ = 	snop  }
0xbc: {  	[tilespmem:s28], [sflag:$0x1] =	stream.indirect_vreg.gather [hbm4b:s5+s3], $0x80, v4, vm0, $0xb8;
	[tilespmem:$0x18080] =	vst v63  }
0xbd: {  	_ = 	snop  }
0xbe: {  	[tilespmem:s29], [sflag:$0x1] =	stream.indirect_vreg.gather [hbm4b:s1+s3], $0x80, v3, vm0, $0xb8;
	[tilespmem:$0x18080] =	vst v63  }
0xbf: {  	_ = 	snop  }
0xc0: {  	[tilespmem:s30], [sflag:$0x1] =	stream.indirect_vreg.gather [hbm4b:s4+s3], $0x80, v3, vm0, $0xb8;
	[tilespmem:$0x18080] =	vst v63  }
0xc1: {  	_ = 	snop  }
0xc2: {  	[tilespmem:s31], [sflag:$0x1] =	stream.indirect_vreg.gather [hbm4b:s5+s3], $0x80, v3, vm0, $0xb8;
	[tilespmem:$0x18080] =	vst v63  }
0xc3: {  	_ =	swait.ge [sflag:s2], $0x18000  }
0xc4: {  	p0 =	sne.s32 s6, $0x1;
	[sflag:s2] =	ssyncset.done $0x0  }
.Ltmp0:
0xc5: {  	s9 =	rddreg [dreg:$0x5];
	[sflag:s2] =	ssyncadd.s32 $0xFFFE8000;
	(pc) =	sbr.rel @p0 .LBB2_1-.Ltmp0, $4  }
0xc6: {  	[hbm4b:s9+s3] =	stream.linear.scatter [tilespmem:s8], [sflag:$0x2], $0x18000, $0x38;
	[tilespmem:$0x18080] =	vst v63  }
0xc7: {  	_ =	swait.ge [sflag:s7], $0x18000  }
0xc8: {  	[sflag:s7] =	ssyncset.done $0x0  }
0xc9: {  	s6 =	sadd.s32 $0xFFFFFFFF, s6;
	[sflag:s7] =	ssyncadd.s32 $0xFFFE8000  }
0xca: {  	_ =	sfence.sel $0x180000  }
0xcb: {  	[bflag:$0x0] =	sbarrier.arrive $0xFFFF  }
0xcc: {  	_ =	strace $0x90000047  }
0xcd: {  	s0 =	stileid.u32;
	[bflag:$0x2] =	sbarrier.arrive $0xFFFF  }
0xce: {  	p0 =	sne.s32 s0, $0x0;
	s0 =	rddreg [dreg:$0x3]  }
0xcf: {  	s0 =	sadd.s32 @!p0 $0x100000, s0  }
0xd0: {  	[sflag:s0] =	ssyncadd.tile.s32 @!p0 $0x1;
	_ =	shalt  }
.Lfunc_end2:
_tile_overlayer_lowered:
.L_overlay_start_2:
0xd1: {  	(tag) =	ssettag $0x2  }
0xd2: {  	s0 =	rddreg [dreg:$0x0];
	s2 =	stileid.u32  }
0xd3: {  	s1 =	rddreg [dreg:$0x1];
	p0 =	sne.s32 s2, $0x0  }
0xd4: {  	s3 =	rddreg [dreg:$0x2];
	[bflag:$0x3] =	sbarrier.arrive $0xFFFF;
	s2 =	simm.s32 @!p0 $0x1C02  }
0xd5: {  	[timem:s3], [sflag:s2] =	dma.local @!p0 [hbm:s0], s1  }
0xd6: {  	s0 =	simm.s32 @!p0 $0x2  }
0xd7: {  	_ =	swait.ge @!p0 [sflag:s0], s1  }
0xd8: {  	s1 =	ssub.s32 @!p0 $0x0, s1;
	[sflag:s0] =	ssyncset.done @!p0 $0x0  }
0xd9: {  	[sflag:s0] =	ssyncadd.s32 @!p0 s1  }
0xda: {  	[bflag:$0x3] =	sbarrier.arrive $0xFFFF  }
0xdb: {  	_ =	shalt  }

</sc_bundles>
